<compile_context>
chip_gen: v7x
topology: tpu7x:2x2x1
jax: 0.10.2.dev20260603
libtpu: 0.0.44.dev20260713+nightly
codegen_flags: <defaults>
</compile_context>

<pallas_src>
import functools

import jax
import jax.numpy as jnp
from jax import lax
from jax.experimental import pallas as pl
from jax.experimental.pallas import tpu as pltpu
from jax.experimental.pallas import tpu_sc as plsc

N_NODES = 10000
D = 128
N_GRAPHS = 16

NPAD = 10240
N_ZPAD = NPAD - N_NODES
NC = 2
NS = 16
NW = NC * NS
CHUNK = 128
CPT = 80
PHASES = 2
CPP = CPT // PHASES
NBUF = 2
EPAD = NW * CPT * CHUNK
ROWS_PT = NPAD // NS

_sc_mesh = plsc.VectorSubcoreMesh(core_axis_name="c", subcore_axis_name="s")


def _sc_degree_body(dst_hbm, out_hbm, dst_v, ones_v, zero_v, deg_acc,
                    zsem, dsems):
    c = lax.axis_index("c")
    s = lax.axis_index("s")
    w = c * NS + s

    for i in range(CHUNK // 16):
        ones_v[pl.ds(i * 16, 16)] = jnp.ones((16,), jnp.float32)
        zero_v[pl.ds(i * 16, 16)] = jnp.zeros((16,), jnp.float32)

    for t in range(ROWS_PT // CHUNK):
        pltpu.async_copy(zero_v,
                         deg_acc.at[pl.ds(s * ROWS_PT + t * CHUNK, CHUNK)],
                         zsem)

    pltpu.sync_copy(dst_hbm.at[w], dst_v)

    for t in range(ROWS_PT // CHUNK):
        pltpu.make_async_copy(
            zero_v, deg_acc.at[pl.ds(s * ROWS_PT + t * CHUNK, CHUNK)],
            zsem).wait()

    plsc.subcore_barrier()

    def dscat_start(j, b):
        pltpu.async_copy(ones_v, deg_acc.at[dst_v.at[j]], dsems.at[b],
                         add=True)

    def dscat_wait(j, b):
        pltpu.make_async_copy(ones_v, deg_acc.at[dst_v.at[j]],
                              dsems.at[b]).wait()

    dscat_start(0, 0)
    dscat_start(1, 1)

    def body(i, carry):
        j0 = 2 * i
        j1 = 2 * i + 1
        dscat_wait(j0, 0)

        @pl.when(j0 + 2 < CPT)
        def _():
            dscat_start(j0 + 2, 0)

        dscat_wait(j1, 1)

        @pl.when(j1 + 2 < CPT)
        def _():
            dscat_start(j1 + 2, 1)

        return carry

    lax.fori_loop(0, CPT // 2, body, 0)

    plsc.subcore_barrier()
    pltpu.sync_copy(deg_acc.at[pl.ds(s * ROWS_PT, ROWS_PT)],
                    out_hbm.at[c, pl.ds(s * ROWS_PT, ROWS_PT)])


_sc_degree = pl.kernel(
    _sc_degree_body,
    out_type=jax.ShapeDtypeStruct((NC, NPAD), jnp.float32),
    mesh=_sc_mesh,
    scratch_types=[
        pltpu.VMEM((CPT, CHUNK), jnp.int32),
        pltpu.VMEM((CHUNK,), jnp.float32),
        pltpu.VMEM((CHUNK,), jnp.float32),
        pltpu.VMEM_SHARED((NPAD,), jnp.float32),
        pltpu.SemaphoreType.DMA,
        pltpu.SemaphoreType.DMA((2,)),
    ],
)


def _sc_edges_body_full(p_hbm, src_hbm, dst_hbm, out_hbm,
                        src_v, dst_v, rows, acc, gsems, isem):
    c = lax.axis_index("c")
    s = lax.axis_index("s")
    w = c * NS + s

    init = pltpu.async_copy(p_hbm.at[pl.ds(s * ROWS_PT, ROWS_PT)],
                            acc.at[pl.ds(s * ROWS_PT, ROWS_PT)], isem)

    def gather_start(j, b):
        pltpu.async_copy(p_hbm.at[src_v.at[j]], rows.at[b], gsems.at[b])

    def gather_wait(j, b):
        pltpu.make_async_copy(p_hbm.at[src_v.at[j]], rows.at[b],
                              gsems.at[b]).wait()

    def scatter(j, b):
        pltpu.sync_copy(rows.at[b], acc.at[dst_v.at[j]], add=True)

    for ph in range(PHASES):
        pltpu.sync_copy(src_hbm.at[w, pl.ds(ph * CPP, CPP)], src_v)
        pltpu.sync_copy(dst_hbm.at[w, pl.ds(ph * CPP, CPP)], dst_v)
        gather_start(0, 0)
        if ph == 0:
            init.wait()
            plsc.subcore_barrier()

        def body(i, carry):
            j0 = 2 * i
            j1 = 2 * i + 1
            gather_start(j1, 1)
            gather_wait(j0, 0)
            scatter(j0, 0)

            @pl.when(j1 + 1 < CPP)
            def _():
                gather_start(j1 + 1, 0)

            gather_wait(j1, 1)
            scatter(j1, 1)
            return carry

        lax.fori_loop(0, CPP // 2, body, 0)

    plsc.subcore_barrier()
    pltpu.sync_copy(acc.at[pl.ds(s * ROWS_PT, ROWS_PT)],
                    out_hbm.at[c, pl.ds(s * ROWS_PT, ROWS_PT)])


_sc_edges = pl.kernel(
    _sc_edges_body_full,
    out_type=jax.ShapeDtypeStruct((NC, NPAD, D), jnp.float32),
    mesh=_sc_mesh,
    scratch_types=[
        pltpu.VMEM((CPP, CHUNK), jnp.int32),
        pltpu.VMEM((CPP, CHUNK), jnp.int32),
        pltpu.VMEM((NBUF, CHUNK, D), jnp.float32),
        pltpu.VMEM_SHARED((NPAD, D), jnp.float32),
        pltpu.SemaphoreType.DMA((NBUF,)),
        pltpu.SemaphoreType.DMA,
    ],
)


BLK = 5120
GRID = NPAD // BLK


def _tc_matmul_body(x_ref, w_ref, h_ref):
    h_ref[...] = jnp.dot(x_ref[...], w_ref[...],
                         preferred_element_type=jnp.float32)


def _tc_matmul(x_pad, W1):
    return pl.pallas_call(
        _tc_matmul_body,
        grid=(GRID,),
        in_specs=[
            pl.BlockSpec((BLK, D), lambda i: (i, 0)),
            pl.BlockSpec((D, D), lambda i: (0, 0)),
        ],
        out_specs=pl.BlockSpec((BLK, D), lambda i: (i, 0)),
        out_shape=jax.ShapeDtypeStruct((NPAD, D), jnp.float32),
    )(x_pad, W1)


def _tc_scale_body(h_ref, d0_ref, d1_ref, p_ref, dis_ref):
    deg = d0_ref[...] + d1_ref[...] + 1.0
    dis = lax.rsqrt(deg)
    dis_ref[...] = dis
    p_ref[...] = h_ref[...] * dis


def _tc_scale(h1, d0, d1):
    return pl.pallas_call(
        _tc_scale_body,
        grid=(GRID,),
        in_specs=[
            pl.BlockSpec((BLK, D), lambda i: (i, 0)),
            pl.BlockSpec((BLK, 1), lambda i: (i, 0)),
            pl.BlockSpec((BLK, 1), lambda i: (i, 0)),
        ],
        out_specs=[
            pl.BlockSpec((BLK, D), lambda i: (i, 0)),
            pl.BlockSpec((BLK, 1), lambda i: (i, 0)),
        ],
        out_shape=[
            jax.ShapeDtypeStruct((NPAD, D), jnp.float32),
            jax.ShapeDtypeStruct((NPAD, 1), jnp.float32),
        ],
    )(h1, d0, d1)


def _tc_mid_body(a0_ref, a1_ref, p_ref, dis_ref, b1_ref, w2_ref, out_ref, *, blk):
    i = pl.program_id(0)
    agg = a0_ref[...] + a1_ref[...] - p_ref[...]
    h = jnp.maximum(agg * dis_ref[...] + b1_ref[...], 0.0)
    p2 = jnp.dot(h, w2_ref[...], preferred_element_type=jnp.float32) * dis_ref[...]
    row = i * blk + lax.broadcasted_iota(jnp.int32, (blk, 1), 0)
    out_ref[...] = jnp.where(row < N_NODES, p2, 0.0)


def _tc_mid(a0, a1, p1, dis, b1, W2):
    return pl.pallas_call(
        functools.partial(_tc_mid_body, blk=BLK),
        grid=(GRID,),
        in_specs=[
            pl.BlockSpec((BLK, D), lambda i: (i, 0)),
            pl.BlockSpec((BLK, D), lambda i: (i, 0)),
            pl.BlockSpec((BLK, D), lambda i: (i, 0)),
            pl.BlockSpec((BLK, 1), lambda i: (i, 0)),
            pl.BlockSpec((1, D), lambda i: (0, 0)),
            pl.BlockSpec((D, D), lambda i: (0, 0)),
        ],
        out_specs=pl.BlockSpec((BLK, D), lambda i: (i, 0)),
        out_shape=jax.ShapeDtypeStruct((NPAD, D), jnp.float32),
    )(a0, a1, p1, dis, b1, W2)


def _tc_pool_body(a0_ref, a1_ref, p_ref, dis_ref, b2_ref, batch_ref,
                  wl_ref, bl_ref, out_ref, gsum, cnt, *, blk, grid):
    i = pl.program_id(0)

    @pl.when(i == 0)
    def _():
        gsum[...] = jnp.zeros_like(gsum)
        cnt[...] = jnp.zeros_like(cnt)

    agg = a0_ref[...] + a1_ref[...] - p_ref[...]
    h2 = agg * dis_ref[...] + b2_ref[...]
    gids = lax.broadcasted_iota(jnp.int32, (1, N_GRAPHS), 1)
    oh = (batch_ref[...] == gids).astype(jnp.float32)
    dnums = (((0,), (0,)), ((), ()))
    gsum[...] += lax.dot_general(oh, h2, dnums,
                                 preferred_element_type=jnp.float32)
    cnt[...] += lax.dot_general(oh, jnp.ones((blk, D), jnp.float32), dnums,
                                preferred_element_type=jnp.float32)

    @pl.when(i == grid - 1)
    def _():
        g = gsum[...] / jnp.maximum(cnt[...], 1.0)
        out_ref[...] = jnp.dot(g, wl_ref[...],
                               preferred_element_type=jnp.float32) + bl_ref[...]


def _tc_pool(a0, a1, p2, dis, b2, batch_col, Wl, bl):
    return pl.pallas_call(
        functools.partial(_tc_pool_body, blk=BLK, grid=GRID),
        grid=(GRID,),
        in_specs=[
            pl.BlockSpec((BLK, D), lambda i: (i, 0)),
            pl.BlockSpec((BLK, D), lambda i: (i, 0)),
            pl.BlockSpec((BLK, D), lambda i: (i, 0)),
            pl.BlockSpec((BLK, 1), lambda i: (i, 0)),
            pl.BlockSpec((1, D), lambda i: (0, 0)),
            pl.BlockSpec((BLK, 1), lambda i: (i, 0)),
            pl.BlockSpec((D, D), lambda i: (0, 0)),
            pl.BlockSpec((1, D), lambda i: (0, 0)),
        ],
        out_specs=pl.BlockSpec((N_GRAPHS, D), lambda i: (0, 0)),
        out_shape=jax.ShapeDtypeStruct((N_GRAPHS, D), jnp.float32),
        scratch_shapes=[
            pltpu.VMEM((N_GRAPHS, D), jnp.float32),
            pltpu.VMEM((N_GRAPHS, D), jnp.float32),
        ],
    )(a0, a1, p2, dis, b2, batch_col, Wl, bl)


@jax.jit
def kernel(x, edge_index, batch, W1, b1, W2, b2, Wl, bl):
    x_pad = jnp.pad(x, ((0, N_ZPAD), (0, 0)))
    src = edge_index[0].astype(jnp.int32)
    dst = edge_index[1].astype(jnp.int32)
    n_epad = EPAD - src.shape[0]
    pad_idx = N_NODES + (jnp.arange(n_epad, dtype=jnp.int32) % N_ZPAD)
    src_arr = jnp.concatenate([src, pad_idx]).reshape(NW, CPT, CHUNK)
    dst_arr = jnp.concatenate([dst, pad_idx]).reshape(NW, CPT, CHUNK)
    batch_col = jnp.concatenate(
        [batch.astype(jnp.int32),
         jnp.full((N_ZPAD,), N_GRAPHS, jnp.int32)]).reshape(NPAD, 1)
    b1c = b1.reshape(1, D)
    b2c = b2.reshape(1, D)
    blc = bl.reshape(1, D)

    deg_parts = _sc_degree(dst_arr)
    h1 = _tc_matmul(x_pad, W1)
    d0 = deg_parts[0].reshape(NPAD, 1)
    d1 = deg_parts[1].reshape(NPAD, 1)
    p1, dis = _tc_scale(h1, d0, d1)

    acc1 = _sc_edges(p1, src_arr, dst_arr)
    p2 = _tc_mid(acc1[0], acc1[1], p1, dis, b1c, W2)

    acc2 = _sc_edges(p2, src_arr, dst_arr)
    return _tc_pool(acc2[0], acc2[1], p2, dis, b2c, batch_col, Wl, blc)

# --- scband reference (transcript-rebuilt; emitter-appended) ---
"""Pipeline reference for scband-gnn-43447889166647 (READ-ONLY COPY).

The authoritative reference and input builder live on the scoring server;
editing this copy changes nothing except your own understanding.
"""

import jax, jax.numpy as jnp
import numpy as np

N_NODES = 10000
N_EDGES = 320000
D_IN = 128
D_HID = 128
D_OUT = 128
N_GRAPHS = 16


def setup_inputs(seed: int = 0) -> dict:
    key = jax.random.key(seed)
    ks = jax.random.split(key, 10)
    x = jax.random.normal(ks[0], (N_NODES, D_IN), dtype=jnp.float32)
    edge_index = jax.random.randint(ks[1], (2, N_EDGES), 0, N_NODES, dtype=jnp.int64)
    batch = jnp.sort(jax.random.randint(ks[2], (N_NODES,), 0, N_GRAPHS, dtype=jnp.int64))
    s1 = 1.0 / np.sqrt(D_IN)
    W1 = jax.random.uniform(ks[3], (D_IN, D_HID), minval=-s1, maxval=s1, dtype=jnp.float32)
    b1 = jnp.zeros((D_HID,), dtype=jnp.float32)
    s2 = 1.0 / np.sqrt(D_HID)
    W2 = jax.random.uniform(ks[4], (D_HID, D_HID), minval=-s2, maxval=s2, dtype=jnp.float32)
    b2 = jnp.zeros((D_HID,), dtype=jnp.float32)
    Wl = jax.random.uniform(ks[5], (D_HID, D_OUT), minval=-s2, maxval=s2, dtype=jnp.float32)
    bl = jax.random.uniform(ks[6], (D_OUT,), minval=-s2, maxval=s2, dtype=jnp.float32)
    return {"x": x, "edge_index": edge_index, "batch": batch,
            "W1": W1, "b1": b1, "W2": W2, "b2": b2, "Wl": Wl, "bl": bl}


def _gcn_conv(x, edge_index, W, b, n_nodes):
    # GCNConv: x' = D^{-1/2} (A + I) D^{-1/2} X W + b
    h = x @ W
    loop = jnp.arange(n_nodes, dtype=edge_index.dtype)
    src = jnp.concatenate([edge_index[0], loop])
    dst = jnp.concatenate([edge_index[1], loop])
    ones = jnp.ones(src.shape[0], dtype=h.dtype)
    deg = jax.ops.segment_sum(ones, dst, num_segments=n_nodes)
    dis = jnp.where(deg > 0, jax.lax.rsqrt(jnp.maximum(deg, 1e-12)), 0.0)
    norm = dis[src] * dis[dst]
    msgs = h[src] * norm[:, None]
    out = jax.ops.segment_sum(msgs, dst, num_segments=n_nodes)
    return out + b


def reference(x, edge_index, batch, W1, b1, W2, b2, Wl, bl):
    n_nodes = x.shape[0]
    h = _gcn_conv(x, edge_index, W1, b1, n_nodes)
    h = jax.nn.relu(h)
    h = _gcn_conv(h, edge_index, W2, b2, n_nodes)
    # global_mean_pool over batch assignment
    g_sum = jax.ops.segment_sum(h, batch, num_segments=N_GRAPHS)
    cnt = jax.ops.segment_sum(jnp.ones((n_nodes,), dtype=h.dtype), batch, num_segments=N_GRAPHS)
    g = g_sum / jnp.maximum(cnt, 1.0)[:, None]
    # dropout is identity in eval mode
    out = g @ Wl + bl
    return out

if __name__ == "__main__":
    import jax
    _d = setup_inputs()
    print(jax.jit(kernel)(*tuple(_d.values())))

</pallas_src>

<mosaic_0001>
#map = affine_map<(d0, d1) -> (0, 0)>
#map1 = affine_map<(d0, d1) -> (0, 0, 0)>
module attributes {stable_mosaic.version = 14 : i64} {
  func.func @_sc_edges_body_full(%arg0: i32, %arg1: i32, %arg2: memref<10240x128xf32, #tpu.memory_space<hbm>>, %arg3: memref<32x80x128xi32, #tpu.memory_space<hbm>>, %arg4: memref<32x80x128xi32, #tpu.memory_space<hbm>>, %arg5: memref<2x10240x128xf32, #tpu.memory_space<hbm>>, %arg6: memref<40x128xi32, #tpu.memory_space<vmem>>, %arg7: memref<40x128xi32, #tpu.memory_space<vmem>>, %arg8: memref<2x128x128xf32, #tpu.memory_space<vmem>>, %arg9: memref<10240x128xf32, #tpu.memory_space<vmem_shared>>, %arg10: memref<2x!tpu.dma_semaphore, #tpu.memory_space<semaphore_mem>>, %arg11: memref<!tpu.dma_semaphore, #tpu.memory_space<semaphore_mem>>) attributes {dimension_semantics = [#tpu.dimension_semantics<core_parallel>, #tpu.dimension_semantics<subcore_parallel>], iteration_bounds = array<i64: 2, 16>, scalar_prefetch = 0 : i64, scratch_operands = 6 : i64, tpu.core_type = #tpu.core_type<sc_vector_subcore>, window_params = [{transform_indices = #map}, {transform_indices = #map1}, {transform_indices = #map1}, {transform_indices = #map1}]} {
    %mul3A = arith.constant 16 : i32
    %mul3A_0 = arith.muli %arg0, %mul3A : i32
    %add3A = arith.addi %mul3A_0, %arg1 : i32
    %mul3A_1 = arith.constant 640 : i32
    %mul3A_2 = arith.muli %arg1, %mul3A_1 : i32
    %mul3A_3 = arith.constant 640 : i32
    %mul3A_4 = arith.muli %arg1, %mul3A_3 : i32
    %dma_start3A = arith.constant 0 : i32
    %dma_start3A_5 = tpu.memref_slice %arg9[%mul3A_4, %dma_start3A] : memref<10240x128xf32, #tpu.memory_space<vmem_shared>> -> memref<640x128xf32, #tpu.memory_space<vmem_shared>>
    %dma_start3A_6 = arith.constant 0 : i32
    %dma_start3A_7 = tpu.memref_slice %arg2[%mul3A_2, %dma_start3A_6] : memref<10240x128xf32, #tpu.memory_space<hbm>> -> memref<640x128xf32, #tpu.memory_space<hbm>>
    tpu.enqueue_dma source(%dma_start3A_7 : memref<640x128xf32, #tpu.memory_space<hbm>>) target(%dma_start3A_5 : memref<640x128xf32, #tpu.memory_space<vmem_shared>>) target_semaphore(%arg11 : memref<!tpu.dma_semaphore, #tpu.memory_space<semaphore_mem>>)
    "tpu.region"() ({
      %run_scoped3A = tpu.sem_alloc : memref<!tpu.dma_semaphore, #tpu.memory_space<semaphore_mem>>
      %dma_start3A_57 = arith.constant 0 : i32
      %dma_start3A_58 = arith.constant 0 : i32
      %dma_start3A_59 = tpu.memref_slice %arg3[%add3A, %dma_start3A_57, %dma_start3A_58] : memref<32x80x128xi32, #tpu.memory_space<hbm>> -> memref<1x40x128xi32, #tpu.memory_space<hbm>>
      %dma_start3A_60 = tpu.memref_squeeze %dma_start3A_59 : memref<1x40x128xi32, #tpu.memory_space<hbm>> -> memref<40x128xi32, #tpu.memory_space<hbm>>
      %dma_start3A_61 = arith.constant 0 : i32
      %dma_start3A_62 = arith.constant 0 : i32
      %dma_start3A_63 = tpu.memref_slice %arg3[%add3A, %dma_start3A_61, %dma_start3A_62] : memref<32x80x128xi32, #tpu.memory_space<hbm>> -> memref<1x40x128xi32, #tpu.memory_space<hbm>>
      %dma_start3A_64 = tpu.memref_squeeze %dma_start3A_63 : memref<1x40x128xi32, #tpu.memory_space<hbm>> -> memref<40x128xi32, #tpu.memory_space<hbm>>
      tpu.enqueue_dma source(%dma_start3A_64 : memref<40x128xi32, #tpu.memory_space<hbm>>) target(%arg6 : memref<40x128xi32, #tpu.memory_space<vmem>>) target_semaphore(%run_scoped3A : memref<!tpu.dma_semaphore, #tpu.memory_space<semaphore_mem>>)
      %dma_wait3A_65 = arith.constant 0 : i32
      %dma_wait3A_66 = arith.constant 0 : i32
      %dma_wait3A_67 = tpu.memref_slice %arg3[%add3A, %dma_wait3A_65, %dma_wait3A_66] : memref<32x80x128xi32, #tpu.memory_space<hbm>> -> memref<1x40x128xi32, #tpu.memory_space<hbm>>
      %dma_wait3A_68 = tpu.memref_squeeze %dma_wait3A_67 : memref<1x40x128xi32, #tpu.memory_space<hbm>> -> memref<40x128xi32, #tpu.memory_space<hbm>>
      %dma_wait3A_69 = arith.constant 0 : i32
      %dma_wait3A_70 = arith.constant 0 : i32
      %dma_wait3A_71 = tpu.memref_slice %arg3[%add3A, %dma_wait3A_69, %dma_wait3A_70] : memref<32x80x128xi32, #tpu.memory_space<hbm>> -> memref<1x40x128xi32, #tpu.memory_space<hbm>>
      %dma_wait3A_72 = tpu.memref_squeeze %dma_wait3A_71 : memref<1x40x128xi32, #tpu.memory_space<hbm>> -> memref<40x128xi32, #tpu.memory_space<hbm>>
      tpu.wait_dma2 semaphore(%run_scoped3A : memref<!tpu.dma_semaphore, #tpu.memory_space<semaphore_mem>>) src(%dma_wait3A_72 : memref<40x128xi32, #tpu.memory_space<hbm>>) dst(%arg6 : memref<40x128xi32, #tpu.memory_space<vmem>>)
      tpu.yield
    }) : () -> ()
    "tpu.region"() ({
      %run_scoped3A = tpu.sem_alloc : memref<!tpu.dma_semaphore, #tpu.memory_space<semaphore_mem>>
      %dma_start3A_57 = arith.constant 0 : i32
      %dma_start3A_58 = arith.constant 0 : i32
      %dma_start3A_59 = tpu.memref_slice %arg4[%add3A, %dma_start3A_57, %dma_start3A_58] : memref<32x80x128xi32, #tpu.memory_space<hbm>> -> memref<1x40x128xi32, #tpu.memory_space<hbm>>
      %dma_start3A_60 = tpu.memref_squeeze %dma_start3A_59 : memref<1x40x128xi32, #tpu.memory_space<hbm>> -> memref<40x128xi32, #tpu.memory_space<hbm>>
      %dma_start3A_61 = arith.constant 0 : i32
      %dma_start3A_62 = arith.constant 0 : i32
      %dma_start3A_63 = tpu.memref_slice %arg4[%add3A, %dma_start3A_61, %dma_start3A_62] : memref<32x80x128xi32, #tpu.memory_space<hbm>> -> memref<1x40x128xi32, #tpu.memory_space<hbm>>
      %dma_start3A_64 = tpu.memref_squeeze %dma_start3A_63 : memref<1x40x128xi32, #tpu.memory_space<hbm>> -> memref<40x128xi32, #tpu.memory_space<hbm>>
      tpu.enqueue_dma source(%dma_start3A_64 : memref<40x128xi32, #tpu.memory_space<hbm>>) target(%arg7 : memref<40x128xi32, #tpu.memory_space<vmem>>) target_semaphore(%run_scoped3A : memref<!tpu.dma_semaphore, #tpu.memory_space<semaphore_mem>>)
      %dma_wait3A_65 = arith.constant 0 : i32
      %dma_wait3A_66 = arith.constant 0 : i32
      %dma_wait3A_67 = tpu.memref_slice %arg4[%add3A, %dma_wait3A_65, %dma_wait3A_66] : memref<32x80x128xi32, #tpu.memory_space<hbm>> -> memref<1x40x128xi32, #tpu.memory_space<hbm>>
      %dma_wait3A_68 = tpu.memref_squeeze %dma_wait3A_67 : memref<1x40x128xi32, #tpu.memory_space<hbm>> -> memref<40x128xi32, #tpu.memory_space<hbm>>
      %dma_wait3A_69 = arith.constant 0 : i32
      %dma_wait3A_70 = arith.constant 0 : i32
      %dma_wait3A_71 = tpu.memref_slice %arg4[%add3A, %dma_wait3A_69, %dma_wait3A_70] : memref<32x80x128xi32, #tpu.memory_space<hbm>> -> memref<1x40x128xi32, #tpu.memory_space<hbm>>
      %dma_wait3A_72 = tpu.memref_squeeze %dma_wait3A_71 : memref<1x40x128xi32, #tpu.memory_space<hbm>> -> memref<40x128xi32, #tpu.memory_space<hbm>>
      tpu.wait_dma2 semaphore(%run_scoped3A : memref<!tpu.dma_semaphore, #tpu.memory_space<semaphore_mem>>) src(%dma_wait3A_72 : memref<40x128xi32, #tpu.memory_space<hbm>>) dst(%arg7 : memref<40x128xi32, #tpu.memory_space<vmem>>)
      tpu.yield
    }) : () -> ()
    %dma_start3A_8 = arith.constant 0 : i32
    %dma_start3A_9 = arith.constant 0 : i32
    %dma_start3A_10 = arith.constant 0 : i32
    %dma_start3A_11 = arith.constant 0 : i32
    %dma_start3A_12 = arith.constant 0 : i32
    %dma_start3A_13 = tpu.memref_slice %arg8[%dma_start3A_9, %dma_start3A_11, %dma_start3A_12] : memref<2x128x128xf32, #tpu.memory_space<vmem>> -> memref<1x128x128xf32, #tpu.memory_space<vmem>>
    %dma_start3A_14 = tpu.memref_squeeze %dma_start3A_13 : memref<1x128x128xf32, #tpu.memory_space<vmem>> -> memref<128x128xf32, #tpu.memory_space<vmem>>
    %dma_start3A_15 = arith.constant 0 : i32
    %dma_start3A_16 = tpu.memref_slice %arg6[%dma_start3A_8, %dma_start3A_15] : memref<40x128xi32, #tpu.memory_space<vmem>> -> memref<1x128xi32, #tpu.memory_space<vmem>>
    %dma_start3A_17 = tpu.memref_squeeze %dma_start3A_16 : memref<1x128xi32, #tpu.memory_space<vmem>> -> memref<128xi32, #tpu.memory_space<vmem>>
    %dma_start3A_18 = arith.constant 0 : i32
    %dma_start3A_19 = arith.constant 0 : i32
    %dma_start3A_20 = tpu.memref_slice %arg2[%dma_start3A_18, %dma_start3A_19] : memref<10240x128xf32, #tpu.memory_space<hbm>> -> memref<10240x128xf32, #tpu.memory_space<hbm>>
    %dma_start3A_21 = tpu.memref_slice %arg10[%dma_start3A_10] : memref<2x!tpu.dma_semaphore, #tpu.memory_space<semaphore_mem>> -> memref<1x!tpu.dma_semaphore, #tpu.memory_space<semaphore_mem>>
    %dma_start3A_22 = tpu.memref_squeeze %dma_start3A_21 : memref<1x!tpu.dma_semaphore, #tpu.memory_space<semaphore_mem>> -> memref<!tpu.dma_semaphore, #tpu.memory_space<semaphore_mem>>
    tpu.enqueue_indirect_dma source(%dma_start3A_20 : memref<10240x128xf32, #tpu.memory_space<hbm>>) target(%dma_start3A_14 : memref<128x128xf32, #tpu.memory_space<vmem>>) offsets(%dma_start3A_17 : memref<128xi32, #tpu.memory_space<vmem>>) semaphore(%dma_start3A_22 : memref<!tpu.dma_semaphore, #tpu.memory_space<semaphore_mem>>)
    %dma_wait3A = arith.constant 0 : i32
    %dma_wait3A_23 = tpu.memref_slice %arg9[%mul3A_4, %dma_wait3A] : memref<10240x128xf32, #tpu.memory_space<vmem_shared>> -> memref<640x128xf32, #tpu.memory_space<vmem_shared>>
    %dma_wait3A_24 = arith.constant 0 : i32
    %dma_wait3A_25 = tpu.memref_slice %arg2[%mul3A_2, %dma_wait3A_24] : memref<10240x128xf32, #tpu.memory_space<hbm>> -> memref<640x128xf32, #tpu.memory_space<hbm>>
    tpu.wait_dma2 semaphore(%arg11 : memref<!tpu.dma_semaphore, #tpu.memory_space<semaphore_mem>>) src(%dma_wait3A_25 : memref<640x128xf32, #tpu.memory_space<hbm>>) dst(%dma_wait3A_23 : memref<640x128xf32, #tpu.memory_space<vmem_shared>>)
    %barrier3A = arith.constant 0 : index
    tpu.barrier barrier_id(%barrier3A)
    %scan3A = arith.constant 0 : i32
    %scan3A_26 = arith.constant 0 : i32
    %scan3A_27 = arith.constant 20 : i32
    %scan3A_28 = arith.addi %scan3A_26, %scan3A_27 : i32
    %scan3A_29 = arith.constant 1 : i32
    scf.for %scan3A_57 = %scan3A_26 to %scan3A_28 step %scan3A_29  : i32 {
      %mul3A_58 = arith.constant 2 : i32
      %mul3A_59 = arith.muli %mul3A_58, %scan3A_57 : i32
      %mul3A_60 = arith.constant 2 : i32
      %mul3A_61 = arith.muli %mul3A_60, %scan3A_57 : i32
      %add3A_62 = arith.constant 1 : i32
      %add3A_63 = arith.addi %mul3A_61, %add3A_62 : i32
      %dma_start3A_64 = arith.constant 1 : i32
      %dma_start3A_65 = arith.constant 1 : i32
      %dma_start3A_66 = arith.constant 0 : i32
      %dma_start3A_67 = arith.constant 0 : i32
      %dma_start3A_68 = tpu.memref_slice %arg8[%dma_start3A_64, %dma_start3A_66, %dma_start3A_67] : memref<2x128x128xf32, #tpu.memory_space<vmem>> -> memref<1x128x128xf32, #tpu.memory_space<vmem>>
      %dma_start3A_69 = tpu.memref_squeeze %dma_start3A_68 : memref<1x128x128xf32, #tpu.memory_space<vmem>> -> memref<128x128xf32, #tpu.memory_space<vmem>>
      %dma_start3A_70 = arith.constant 0 : i32
      %dma_start3A_71 = tpu.memref_slice %arg6[%add3A_63, %dma_start3A_70] : memref<40x128xi32, #tpu.memory_space<vmem>> -> memref<1x128xi32, #tpu.memory_space<vmem>>
      %dma_start3A_72 = tpu.memref_squeeze %dma_start3A_71 : memref<1x128xi32, #tpu.memory_space<vmem>> -> memref<128xi32, #tpu.memory_space<vmem>>
      %dma_start3A_73 = arith.constant 0 : i32
      %dma_start3A_74 = arith.constant 0 : i32
      %dma_start3A_75 = tpu.memref_slice %arg2[%dma_start3A_73, %dma_start3A_74] : memref<10240x128xf32, #tpu.memory_space<hbm>> -> memref<10240x128xf32, #tpu.memory_space<hbm>>
      %dma_start3A_76 = tpu.memref_slice %arg10[%dma_start3A_65] : memref<2x!tpu.dma_semaphore, #tpu.memory_space<semaphore_mem>> -> memref<1x!tpu.dma_semaphore, #tpu.memory_space<semaphore_mem>>
      %dma_start3A_77 = tpu.memref_squeeze %dma_start3A_76 : memref<1x!tpu.dma_semaphore, #tpu.memory_space<semaphore_mem>> -> memref<!tpu.dma_semaphore, #tpu.memory_space<semaphore_mem>>
      tpu.enqueue_indirect_dma source(%dma_start3A_75 : memref<10240x128xf32, #tpu.memory_space<hbm>>) target(%dma_start3A_69 : memref<128x128xf32, #tpu.memory_space<vmem>>) offsets(%dma_start3A_72 : memref<128xi32, #tpu.memory_space<vmem>>) semaphore(%dma_start3A_77 : memref<!tpu.dma_semaphore, #tpu.memory_space<semaphore_mem>>)
      %dma_wait3A_78 = arith.constant 0 : i32
      %dma_wait3A_79 = arith.constant 0 : i32
      %dma_wait3A_80 = arith.constant 0 : i32
      %dma_wait3A_81 = arith.constant 0 : i32
      %dma_wait3A_82 = tpu.memref_slice %arg8[%dma_wait3A_78, %dma_wait3A_80, %dma_wait3A_81] : memref<2x128x128xf32, #tpu.memory_space<vmem>> -> memref<1x128x128xf32, #tpu.memory_space<vmem>>
      %dma_wait3A_83 = tpu.memref_squeeze %dma_wait3A_82 : memref<1x128x128xf32, #tpu.memory_space<vmem>> -> memref<128x128xf32, #tpu.memory_space<vmem>>
      %dma_wait3A_84 = arith.constant 0 : i32
      %dma_wait3A_85 = tpu.memref_slice %arg6[%mul3A_59, %dma_wait3A_84] : memref<40x128xi32, #tpu.memory_space<vmem>> -> memref<1x128xi32, #tpu.memory_space<vmem>>
      %dma_wait3A_86 = tpu.memref_squeeze %dma_wait3A_85 : memref<1x128xi32, #tpu.memory_space<vmem>> -> memref<128xi32, #tpu.memory_space<vmem>>
      %dma_wait3A_87 = arith.constant 0 : i32
      %dma_wait3A_88 = arith.constant 0 : i32
      %dma_wait3A_89 = tpu.memref_slice %arg2[%dma_wait3A_87, %dma_wait3A_88] : memref<10240x128xf32, #tpu.memory_space<hbm>> -> memref<10240x128xf32, #tpu.memory_space<hbm>>
      %dma_wait3A_90 = tpu.memref_slice %arg10[%dma_wait3A_79] : memref<2x!tpu.dma_semaphore, #tpu.memory_space<semaphore_mem>> -> memref<1x!tpu.dma_semaphore, #tpu.memory_space<semaphore_mem>>
      %dma_wait3A_91 = tpu.memref_squeeze %dma_wait3A_90 : memref<1x!tpu.dma_semaphore, #tpu.memory_space<semaphore_mem>> -> memref<!tpu.dma_semaphore, #tpu.memory_space<semaphore_mem>>
      tpu.wait_indirect_dma semaphore(%dma_wait3A_91 : memref<!tpu.dma_semaphore, #tpu.memory_space<semaphore_mem>>) src(%dma_wait3A_89 : memref<10240x128xf32, #tpu.memory_space<hbm>>) dst(%dma_wait3A_83 : memref<128x128xf32, #tpu.memory_space<vmem>>)
      %run_scoped3A = arith.constant 0 : i32
      "tpu.region"() ({
        %run_scoped3A_111 = tpu.sem_alloc : memref<!tpu.dma_semaphore, #tpu.memory_space<semaphore_mem>>
        %dma_start3A_112 = arith.constant 0 : i32
        %dma_start3A_113 = arith.constant 0 : i32
        %dma_start3A_114 = tpu.memref_slice %arg8[%run_scoped3A, %dma_start3A_112, %dma_start3A_113] : memref<2x128x128xf32, #tpu.memory_space<vmem>> -> memref<1x128x128xf32, #tpu.memory_space<vmem>>
        %dma_start3A_115 = tpu.memref_squeeze %dma_start3A_114 : memref<1x128x128xf32, #tpu.memory_space<vmem>> -> memref<128x128xf32, #tpu.memory_space<vmem>>
        %dma_start3A_116 = arith.constant 0 : i32
        %dma_start3A_117 = tpu.memref_slice %arg7[%mul3A_59, %dma_start3A_116] : memref<40x128xi32, #tpu.memory_space<vmem>> -> memref<1x128xi32, #tpu.memory_space<vmem>>
        %dma_start3A_118 = tpu.memref_squeeze %dma_start3A_117 : memref<1x128xi32, #tpu.memory_space<vmem>> -> memref<128xi32, #tpu.memory_space<vmem>>
        %dma_start3A_119 = arith.constant 0 : i32
        %dma_start3A_120 = arith.constant 0 : i32
        %dma_start3A_121 = tpu.memref_slice %arg9[%dma_start3A_119, %dma_start3A_120] : memref<10240x128xf32, #tpu.memory_space<vmem_shared>> -> memref<10240x128xf32, #tpu.memory_space<vmem_shared>>
        tpu.enqueue_indirect_dma source(%dma_start3A_115 : memref<128x128xf32, #tpu.memory_space<vmem>>) target(%dma_start3A_121 : memref<10240x128xf32, #tpu.memory_space<vmem_shared>>) offsets(%dma_start3A_118 : memref<128xi32, #tpu.memory_space<vmem>>) semaphore(%run_scoped3A_111 : memref<!tpu.dma_semaphore, #tpu.memory_space<semaphore_mem>>) {add = true}
        %dma_wait3A_122 = arith.constant 0 : i32
        %dma_wait3A_123 = arith.constant 0 : i32
        %dma_wait3A_124 = tpu.memref_slice %arg8[%run_scoped3A, %dma_wait3A_122, %dma_wait3A_123] : memref<2x128x128xf32, #tpu.memory_space<vmem>> -> memref<1x128x128xf32, #tpu.memory_space<vmem>>
        %dma_wait3A_125 = tpu.memref_squeeze %dma_wait3A_124 : memref<1x128x128xf32, #tpu.memory_space<vmem>> -> memref<128x128xf32, #tpu.memory_space<vmem>>
        %dma_wait3A_126 = arith.constant 0 : i32
        %dma_wait3A_127 = tpu.memref_slice %arg7[%mul3A_59, %dma_wait3A_126] : memref<40x128xi32, #tpu.memory_space<vmem>> -> memref<1x128xi32, #tpu.memory_space<vmem>>
        %dma_wait3A_128 = tpu.memref_squeeze %dma_wait3A_127 : memref<1x128xi32, #tpu.memory_space<vmem>> -> memref<128xi32, #tpu.memory_space<vmem>>
        %dma_wait3A_129 = arith.constant 0 : i32
        %dma_wait3A_130 = arith.constant 0 : i32
        %dma_wait3A_131 = tpu.memref_slice %arg9[%dma_wait3A_129, %dma_wait3A_130] : memref<10240x128xf32, #tpu.memory_space<vmem_shared>> -> memref<10240x128xf32, #tpu.memory_space<vmem_shared>>
        tpu.wait_indirect_dma semaphore(%run_scoped3A_111 : memref<!tpu.dma_semaphore, #tpu.memory_space<semaphore_mem>>) src(%dma_wait3A_125 : memref<128x128xf32, #tpu.memory_space<vmem>>) dst(%dma_wait3A_131 : memref<10240x128xf32, #tpu.memory_space<vmem_shared>>)
        tpu.yield
      }) : () -> ()
      %add3A_92 = arith.constant 1 : i32
      %add3A_93 = arith.addi %add3A_63, %add3A_92 : i32
      %lt3A = arith.constant 40 : i32
      %lt3A_94 = arith.cmpi slt, %add3A_93, %lt3A : i32
      %convert_element_type3A = arith.extui %lt3A_94 : i1 to i32
      %cond3A = arith.constant 0 : i32
      %cond3A_95 = arith.cmpi ne, %convert_element_type3A, %cond3A : i32
      scf.if %cond3A_95 {
        %add3A_111 = arith.constant 1 : i32
        %add3A_112 = arith.addi %add3A_63, %add3A_111 : i32
        %dma_start3A_113 = arith.constant 0 : i32
        %dma_start3A_114 = arith.constant 0 : i32
        %dma_start3A_115 = arith.constant 0 : i32
        %dma_start3A_116 = arith.constant 0 : i32
        %dma_start3A_117 = tpu.memref_slice %arg8[%dma_start3A_113, %dma_start3A_115, %dma_start3A_116] : memref<2x128x128xf32, #tpu.memory_space<vmem>> -> memref<1x128x128xf32, #tpu.memory_space<vmem>>
        %dma_start3A_118 = tpu.memref_squeeze %dma_start3A_117 : memref<1x128x128xf32, #tpu.memory_space<vmem>> -> memref<128x128xf32, #tpu.memory_space<vmem>>
        %dma_start3A_119 = arith.constant 0 : i32
        %dma_start3A_120 = tpu.memref_slice %arg6[%add3A_112, %dma_start3A_119] : memref<40x128xi32, #tpu.memory_space<vmem>> -> memref<1x128xi32, #tpu.memory_space<vmem>>
        %dma_start3A_121 = tpu.memref_squeeze %dma_start3A_120 : memref<1x128xi32, #tpu.memory_space<vmem>> -> memref<128xi32, #tpu.memory_space<vmem>>
        %dma_start3A_122 = arith.constant 0 : i32
        %dma_start3A_123 = arith.constant 0 : i32
        %dma_start3A_124 = tpu.memref_slice %arg2[%dma_start3A_122, %dma_start3A_123] : memref<10240x128xf32, #tpu.memory_space<hbm>> -> memref<10240x128xf32, #tpu.memory_space<hbm>>
        %dma_start3A_125 = tpu.memref_slice %arg10[%dma_start3A_114] : memref<2x!tpu.dma_semaphore, #tpu.memory_space<semaphore_mem>> -> memref<1x!tpu.dma_semaphore, #tpu.memory_space<semaphore_mem>>
        %dma_start3A_126 = tpu.memref_squeeze %dma_start3A_125 : memref<1x!tpu.dma_semaphore, #tpu.memory_space<semaphore_mem>> -> memref<!tpu.dma_semaphore, #tpu.memory_space<semaphore_mem>>
        tpu.enqueue_indirect_dma source(%dma_start3A_124 : memref<10240x128xf32, #tpu.memory_space<hbm>>) target(%dma_start3A_118 : memref<128x128xf32, #tpu.memory_space<vmem>>) offsets(%dma_start3A_121 : memref<128xi32, #tpu.memory_space<vmem>>) semaphore(%dma_start3A_126 : memref<!tpu.dma_semaphore, #tpu.memory_space<semaphore_mem>>)
      } else {
      }
      %dma_wait3A_96 = arith.constant 1 : i32
      %dma_wait3A_97 = arith.constant 1 : i32
      %dma_wait3A_98 = arith.constant 0 : i32
      %dma_wait3A_99 = arith.constant 0 : i32
      %dma_wait3A_100 = tpu.memref_slice %arg8[%dma_wait3A_96, %dma_wait3A_98, %dma_wait3A_99] : memref<2x128x128xf32, #tpu.memory_space<vmem>> -> memref<1x128x128xf32, #tpu.memory_space<vmem>>
      %dma_wait3A_101 = tpu.memref_squeeze %dma_wait3A_100 : memref<1x128x128xf32, #tpu.memory_space<vmem>> -> memref<128x128xf32, #tpu.memory_space<vmem>>
      %dma_wait3A_102 = arith.constant 0 : i32
      %dma_wait3A_103 = tpu.memref_slice %arg6[%add3A_63, %dma_wait3A_102] : memref<40x128xi32, #tpu.memory_space<vmem>> -> memref<1x128xi32, #tpu.memory_space<vmem>>
      %dma_wait3A_104 = tpu.memref_squeeze %dma_wait3A_103 : memref<1x128xi32, #tpu.memory_space<vmem>> -> memref<128xi32, #tpu.memory_space<vmem>>
      %dma_wait3A_105 = arith.constant 0 : i32
      %dma_wait3A_106 = arith.constant 0 : i32
      %dma_wait3A_107 = tpu.memref_slice %arg2[%dma_wait3A_105, %dma_wait3A_106] : memref<10240x128xf32, #tpu.memory_space<hbm>> -> memref<10240x128xf32, #tpu.memory_space<hbm>>
      %dma_wait3A_108 = tpu.memref_slice %arg10[%dma_wait3A_97] : memref<2x!tpu.dma_semaphore, #tpu.memory_space<semaphore_mem>> -> memref<1x!tpu.dma_semaphore, #tpu.memory_space<semaphore_mem>>
      %dma_wait3A_109 = tpu.memref_squeeze %dma_wait3A_108 : memref<1x!tpu.dma_semaphore, #tpu.memory_space<semaphore_mem>> -> memref<!tpu.dma_semaphore, #tpu.memory_space<semaphore_mem>>
      tpu.wait_indirect_dma semaphore(%dma_wait3A_109 : memref<!tpu.dma_semaphore, #tpu.memory_space<semaphore_mem>>) src(%dma_wait3A_107 : memref<10240x128xf32, #tpu.memory_space<hbm>>) dst(%dma_wait3A_101 : memref<128x128xf32, #tpu.memory_space<vmem>>)
      %run_scoped3A_110 = arith.constant 1 : i32
      "tpu.region"() ({
        %run_scoped3A_111 = tpu.sem_alloc : memref<!tpu.dma_semaphore, #tpu.memory_space<semaphore_mem>>
        %dma_start3A_112 = arith.constant 0 : i32
        %dma_start3A_113 = arith.constant 0 : i32
        %dma_start3A_114 = tpu.memref_slice %arg8[%run_scoped3A_110, %dma_start3A_112, %dma_start3A_113] : memref<2x128x128xf32, #tpu.memory_space<vmem>> -> memref<1x128x128xf32, #tpu.memory_space<vmem>>
        %dma_start3A_115 = tpu.memref_squeeze %dma_start3A_114 : memref<1x128x128xf32, #tpu.memory_space<vmem>> -> memref<128x128xf32, #tpu.memory_space<vmem>>
        %dma_start3A_116 = arith.constant 0 : i32
        %dma_start3A_117 = tpu.memref_slice %arg7[%add3A_63, %dma_start3A_116] : memref<40x128xi32, #tpu.memory_space<vmem>> -> memref<1x128xi32, #tpu.memory_space<vmem>>
        %dma_start3A_118 = tpu.memref_squeeze %dma_start3A_117 : memref<1x128xi32, #tpu.memory_space<vmem>> -> memref<128xi32, #tpu.memory_space<vmem>>
        %dma_start3A_119 = arith.constant 0 : i32
        %dma_start3A_120 = arith.constant 0 : i32
        %dma_start3A_121 = tpu.memref_slice %arg9[%dma_start3A_119, %dma_start3A_120] : memref<10240x128xf32, #tpu.memory_space<vmem_shared>> -> memref<10240x128xf32, #tpu.memory_space<vmem_shared>>
        tpu.enqueue_indirect_dma source(%dma_start3A_115 : memref<128x128xf32, #tpu.memory_space<vmem>>) target(%dma_start3A_121 : memref<10240x128xf32, #tpu.memory_space<vmem_shared>>) offsets(%dma_start3A_118 : memref<128xi32, #tpu.memory_space<vmem>>) semaphore(%run_scoped3A_111 : memref<!tpu.dma_semaphore, #tpu.memory_space<semaphore_mem>>) {add = true}
        %dma_wait3A_122 = arith.constant 0 : i32
        %dma_wait3A_123 = arith.constant 0 : i32
        %dma_wait3A_124 = tpu.memref_slice %arg8[%run_scoped3A_110, %dma_wait3A_122, %dma_wait3A_123] : memref<2x128x128xf32, #tpu.memory_space<vmem>> -> memref<1x128x128xf32, #tpu.memory_space<vmem>>
        %dma_wait3A_125 = tpu.memref_squeeze %dma_wait3A_124 : memref<1x128x128xf32, #tpu.memory_space<vmem>> -> memref<128x128xf32, #tpu.memory_space<vmem>>
        %dma_wait3A_126 = arith.constant 0 : i32
        %dma_wait3A_127 = tpu.memref_slice %arg7[%add3A_63, %dma_wait3A_126] : memref<40x128xi32, #tpu.memory_space<vmem>> -> memref<1x128xi32, #tpu.memory_space<vmem>>
        %dma_wait3A_128 = tpu.memref_squeeze %dma_wait3A_127 : memref<1x128xi32, #tpu.memory_space<vmem>> -> memref<128xi32, #tpu.memory_space<vmem>>
        %dma_wait3A_129 = arith.constant 0 : i32
        %dma_wait3A_130 = arith.constant 0 : i32
        %dma_wait3A_131 = tpu.memref_slice %arg9[%dma_wait3A_129, %dma_wait3A_130] : memref<10240x128xf32, #tpu.memory_space<vmem_shared>> -> memref<10240x128xf32, #tpu.memory_space<vmem_shared>>
        tpu.wait_indirect_dma semaphore(%run_scoped3A_111 : memref<!tpu.dma_semaphore, #tpu.memory_space<semaphore_mem>>) src(%dma_wait3A_125 : memref<128x128xf32, #tpu.memory_space<vmem>>) dst(%dma_wait3A_131 : memref<10240x128xf32, #tpu.memory_space<vmem_shared>>)
        tpu.yield
      }) : () -> ()
    }
    %scan3A_30 = arith.constant 20 : i32
    "tpu.region"() ({
      %run_scoped3A = tpu.sem_alloc : memref<!tpu.dma_semaphore, #tpu.memory_space<semaphore_mem>>
      %dma_start3A_57 = arith.constant 40 : i32
      %dma_start3A_58 = arith.constant 0 : i32
      %dma_start3A_59 = tpu.memref_slice %arg3[%add3A, %dma_start3A_57, %dma_start3A_58] : memref<32x80x128xi32, #tpu.memory_space<hbm>> -> memref<1x40x128xi32, #tpu.memory_space<hbm>>
      %dma_start3A_60 = tpu.memref_squeeze %dma_start3A_59 : memref<1x40x128xi32, #tpu.memory_space<hbm>> -> memref<40x128xi32, #tpu.memory_space<hbm>>
      %dma_start3A_61 = arith.constant 40 : i32
      %dma_start3A_62 = arith.constant 0 : i32
      %dma_start3A_63 = tpu.memref_slice %arg3[%add3A, %dma_start3A_61, %dma_start3A_62] : memref<32x80x128xi32, #tpu.memory_space<hbm>> -> memref<1x40x128xi32, #tpu.memory_space<hbm>>
      %dma_start3A_64 = tpu.memref_squeeze %dma_start3A_63 : memref<1x40x128xi32, #tpu.memory_space<hbm>> -> memref<40x128xi32, #tpu.memory_space<hbm>>
      tpu.enqueue_dma source(%dma_start3A_64 : memref<40x128xi32, #tpu.memory_space<hbm>>) target(%arg6 : memref<40x128xi32, #tpu.memory_space<vmem>>) target_semaphore(%run_scoped3A : memref<!tpu.dma_semaphore, #tpu.memory_space<semaphore_mem>>)
      %dma_wait3A_65 = arith.constant 40 : i32
      %dma_wait3A_66 = arith.constant 0 : i32
      %dma_wait3A_67 = tpu.memref_slice %arg3[%add3A, %dma_wait3A_65, %dma_wait3A_66] : memref<32x80x128xi32, #tpu.memory_space<hbm>> -> memref<1x40x128xi32, #tpu.memory_space<hbm>>
      %dma_wait3A_68 = tpu.memref_squeeze %dma_wait3A_67 : memref<1x40x128xi32, #tpu.memory_space<hbm>> -> memref<40x128xi32, #tpu.memory_space<hbm>>
      %dma_wait3A_69 = arith.constant 40 : i32
      %dma_wait3A_70 = arith.constant 0 : i32
      %dma_wait3A_71 = tpu.memref_slice %arg3[%add3A, %dma_wait3A_69, %dma_wait3A_70] : memref<32x80x128xi32, #tpu.memory_space<hbm>> -> memref<1x40x128xi32, #tpu.memory_space<hbm>>
      %dma_wait3A_72 = tpu.memref_squeeze %dma_wait3A_71 : memref<1x40x128xi32, #tpu.memory_space<hbm>> -> memref<40x128xi32, #tpu.memory_space<hbm>>
      tpu.wait_dma2 semaphore(%run_scoped3A : memref<!tpu.dma_semaphore, #tpu.memory_space<semaphore_mem>>) src(%dma_wait3A_72 : memref<40x128xi32, #tpu.memory_space<hbm>>) dst(%arg6 : memref<40x128xi32, #tpu.memory_space<vmem>>)
      tpu.yield
    }) : () -> ()
    "tpu.region"() ({
      %run_scoped3A = tpu.sem_alloc : memref<!tpu.dma_semaphore, #tpu.memory_space<semaphore_mem>>
      %dma_start3A_57 = arith.constant 40 : i32
      %dma_start3A_58 = arith.constant 0 : i32
      %dma_start3A_59 = tpu.memref_slice %arg4[%add3A, %dma_start3A_57, %dma_start3A_58] : memref<32x80x128xi32, #tpu.memory_space<hbm>> -> memref<1x40x128xi32, #tpu.memory_space<hbm>>
      %dma_start3A_60 = tpu.memref_squeeze %dma_start3A_59 : memref<1x40x128xi32, #tpu.memory_space<hbm>> -> memref<40x128xi32, #tpu.memory_space<hbm>>
      %dma_start3A_61 = arith.constant 40 : i32
      %dma_start3A_62 = arith.constant 0 : i32
      %dma_start3A_63 = tpu.memref_slice %arg4[%add3A, %dma_start3A_61, %dma_start3A_62] : memref<32x80x128xi32, #tpu.memory_space<hbm>> -> memref<1x40x128xi32, #tpu.memory_space<hbm>>
      %dma_start3A_64 = tpu.memref_squeeze %dma_start3A_63 : memref<1x40x128xi32, #tpu.memory_space<hbm>> -> memref<40x128xi32, #tpu.memory_space<hbm>>
      tpu.enqueue_dma source(%dma_start3A_64 : memref<40x128xi32, #tpu.memory_space<hbm>>) target(%arg7 : memref<40x128xi32, #tpu.memory_space<vmem>>) target_semaphore(%run_scoped3A : memref<!tpu.dma_semaphore, #tpu.memory_space<semaphore_mem>>)
      %dma_wait3A_65 = arith.constant 40 : i32
      %dma_wait3A_66 = arith.constant 0 : i32
      %dma_wait3A_67 = tpu.memref_slice %arg4[%add3A, %dma_wait3A_65, %dma_wait3A_66] : memref<32x80x128xi32, #tpu.memory_space<hbm>> -> memref<1x40x128xi32, #tpu.memory_space<hbm>>
      %dma_wait3A_68 = tpu.memref_squeeze %dma_wait3A_67 : memref<1x40x128xi32, #tpu.memory_space<hbm>> -> memref<40x128xi32, #tpu.memory_space<hbm>>
      %dma_wait3A_69 = arith.constant 40 : i32
      %dma_wait3A_70 = arith.constant 0 : i32
      %dma_wait3A_71 = tpu.memref_slice %arg4[%add3A, %dma_wait3A_69, %dma_wait3A_70] : memref<32x80x128xi32, #tpu.memory_space<hbm>> -> memref<1x40x128xi32, #tpu.memory_space<hbm>>
      %dma_wait3A_72 = tpu.memref_squeeze %dma_wait3A_71 : memref<1x40x128xi32, #tpu.memory_space<hbm>> -> memref<40x128xi32, #tpu.memory_space<hbm>>
      tpu.wait_dma2 semaphore(%run_scoped3A : memref<!tpu.dma_semaphore, #tpu.memory_space<semaphore_mem>>) src(%dma_wait3A_72 : memref<40x128xi32, #tpu.memory_space<hbm>>) dst(%arg7 : memref<40x128xi32, #tpu.memory_space<vmem>>)
      tpu.yield
    }) : () -> ()
    %dma_start3A_31 = arith.constant 0 : i32
    %dma_start3A_32 = arith.constant 0 : i32
    %dma_start3A_33 = arith.constant 0 : i32
    %dma_start3A_34 = arith.constant 0 : i32
    %dma_start3A_35 = arith.constant 0 : i32
    %dma_start3A_36 = tpu.memref_slice %arg8[%dma_start3A_32, %dma_start3A_34, %dma_start3A_35] : memref<2x128x128xf32, #tpu.memory_space<vmem>> -> memref<1x128x128xf32, #tpu.memory_space<vmem>>
    %dma_start3A_37 = tpu.memref_squeeze %dma_start3A_36 : memref<1x128x128xf32, #tpu.memory_space<vmem>> -> memref<128x128xf32, #tpu.memory_space<vmem>>
    %dma_start3A_38 = arith.constant 0 : i32
    %dma_start3A_39 = tpu.memref_slice %arg6[%dma_start3A_31, %dma_start3A_38] : memref<40x128xi32, #tpu.memory_space<vmem>> -> memref<1x128xi32, #tpu.memory_space<vmem>>
    %dma_start3A_40 = tpu.memref_squeeze %dma_start3A_39 : memref<1x128xi32, #tpu.memory_space<vmem>> -> memref<128xi32, #tpu.memory_space<vmem>>
    %dma_start3A_41 = arith.constant 0 : i32
    %dma_start3A_42 = arith.constant 0 : i32
    %dma_start3A_43 = tpu.memref_slice %arg2[%dma_start3A_41, %dma_start3A_42] : memref<10240x128xf32, #tpu.memory_space<hbm>> -> memref<10240x128xf32, #tpu.memory_space<hbm>>
    %dma_start3A_44 = tpu.memref_slice %arg10[%dma_start3A_33] : memref<2x!tpu.dma_semaphore, #tpu.memory_space<semaphore_mem>> -> memref<1x!tpu.dma_semaphore, #tpu.memory_space<semaphore_mem>>
    %dma_start3A_45 = tpu.memref_squeeze %dma_start3A_44 : memref<1x!tpu.dma_semaphore, #tpu.memory_space<semaphore_mem>> -> memref<!tpu.dma_semaphore, #tpu.memory_space<semaphore_mem>>
    tpu.enqueue_indirect_dma source(%dma_start3A_43 : memref<10240x128xf32, #tpu.memory_space<hbm>>) target(%dma_start3A_37 : memref<128x128xf32, #tpu.memory_space<vmem>>) offsets(%dma_start3A_40 : memref<128xi32, #tpu.memory_space<vmem>>) semaphore(%dma_start3A_45 : memref<!tpu.dma_semaphore, #tpu.memory_space<semaphore_mem>>)
    %scan3A_46 = arith.constant 0 : i32
    %scan3A_47 = arith.constant 0 : i32
    %scan3A_48 = arith.constant 20 : i32
    %scan3A_49 = arith.addi %scan3A_47, %scan3A_48 : i32
    %scan3A_50 = arith.constant 1 : i32
    scf.for %scan3A_57 = %scan3A_47 to %scan3A_49 step %scan3A_50  : i32 {
      %mul3A_58 = arith.constant 2 : i32
      %mul3A_59 = arith.muli %mul3A_58, %scan3A_57 : i32
      %mul3A_60 = arith.constant 2 : i32
      %mul3A_61 = arith.muli %mul3A_60, %scan3A_57 : i32
      %add3A_62 = arith.constant 1 : i32
      %add3A_63 = arith.addi %mul3A_61, %add3A_62 : i32
      %dma_start3A_64 = arith.constant 1 : i32
      %dma_start3A_65 = arith.constant 1 : i32
      %dma_start3A_66 = arith.constant 0 : i32
      %dma_start3A_67 = arith.constant 0 : i32
      %dma_start3A_68 = tpu.memref_slice %arg8[%dma_start3A_64, %dma_start3A_66, %dma_start3A_67] : memref<2x128x128xf32, #tpu.memory_space<vmem>> -> memref<1x128x128xf32, #tpu.memory_space<vmem>>
      %dma_start3A_69 = tpu.memref_squeeze %dma_start3A_68 : memref<1x128x128xf32, #tpu.memory_space<vmem>> -> memref<128x128xf32, #tpu.memory_space<vmem>>
      %dma_start3A_70 = arith.constant 0 : i32
      %dma_start3A_71 = tpu.memref_slice %arg6[%add3A_63, %dma_start3A_70] : memref<40x128xi32, #tpu.memory_space<vmem>> -> memref<1x128xi32, #tpu.memory_space<vmem>>
      %dma_start3A_72 = tpu.memref_squeeze %dma_start3A_71 : memref<1x128xi32, #tpu.memory_space<vmem>> -> memref<128xi32, #tpu.memory_space<vmem>>
      %dma_start3A_73 = arith.constant 0 : i32
      %dma_start3A_74 = arith.constant 0 : i32
      %dma_start3A_75 = tpu.memref_slice %arg2[%dma_start3A_73, %dma_start3A_74] : memref<10240x128xf32, #tpu.memory_space<hbm>> -> memref<10240x128xf32, #tpu.memory_space<hbm>>
      %dma_start3A_76 = tpu.memref_slice %arg10[%dma_start3A_65] : memref<2x!tpu.dma_semaphore, #tpu.memory_space<semaphore_mem>> -> memref<1x!tpu.dma_semaphore, #tpu.memory_space<semaphore_mem>>
      %dma_start3A_77 = tpu.memref_squeeze %dma_start3A_76 : memref<1x!tpu.dma_semaphore, #tpu.memory_space<semaphore_mem>> -> memref<!tpu.dma_semaphore, #tpu.memory_space<semaphore_mem>>
      tpu.enqueue_indirect_dma source(%dma_start3A_75 : memref<10240x128xf32, #tpu.memory_space<hbm>>) target(%dma_start3A_69 : memref<128x128xf32, #tpu.memory_space<vmem>>) offsets(%dma_start3A_72 : memref<128xi32, #tpu.memory_space<vmem>>) semaphore(%dma_start3A_77 : memref<!tpu.dma_semaphore, #tpu.memory_space<semaphore_mem>>)
      %dma_wait3A_78 = arith.constant 0 : i32
      %dma_wait3A_79 = arith.constant 0 : i32
      %dma_wait3A_80 = arith.constant 0 : i32
      %dma_wait3A_81 = arith.constant 0 : i32
      %dma_wait3A_82 = tpu.memref_slice %arg8[%dma_wait3A_78, %dma_wait3A_80, %dma_wait3A_81] : memref<2x128x128xf32, #tpu.memory_space<vmem>> -> memref<1x128x128xf32, #tpu.memory_space<vmem>>
      %dma_wait3A_83 = tpu.memref_squeeze %dma_wait3A_82 : memref<1x128x128xf32, #tpu.memory_space<vmem>> -> memref<128x128xf32, #tpu.memory_space<vmem>>
      %dma_wait3A_84 = arith.constant 0 : i32
      %dma_wait3A_85 = tpu.memref_slice %arg6[%mul3A_59, %dma_wait3A_84] : memref<40x128xi32, #tpu.memory_space<vmem>> -> memref<1x128xi32, #tpu.memory_space<vmem>>
      %dma_wait3A_86 = tpu.memref_squeeze %dma_wait3A_85 : memref<1x128xi32, #tpu.memory_space<vmem>> -> memref<128xi32, #tpu.memory_space<vmem>>
      %dma_wait3A_87 = arith.constant 0 : i32
      %dma_wait3A_88 = arith.constant 0 : i32
      %dma_wait3A_89 = tpu.memref_slice %arg2[%dma_wait3A_87, %dma_wait3A_88] : memref<10240x128xf32, #tpu.memory_space<hbm>> -> memref<10240x128xf32, #tpu.memory_space<hbm>>
      %dma_wait3A_90 = tpu.memref_slice %arg10[%dma_wait3A_79] : memref<2x!tpu.dma_semaphore, #tpu.memory_space<semaphore_mem>> -> memref<1x!tpu.dma_semaphore, #tpu.memory_space<semaphore_mem>>
      %dma_wait3A_91 = tpu.memref_squeeze %dma_wait3A_90 : memref<1x!tpu.dma_semaphore, #tpu.memory_space<semaphore_mem>> -> memref<!tpu.dma_semaphore, #tpu.memory_space<semaphore_mem>>
      tpu.wait_indirect_dma semaphore(%dma_wait3A_91 : memref<!tpu.dma_semaphore, #tpu.memory_space<semaphore_mem>>) src(%dma_wait3A_89 : memref<10240x128xf32, #tpu.memory_space<hbm>>) dst(%dma_wait3A_83 : memref<128x128xf32, #tpu.memory_space<vmem>>)
      %run_scoped3A = arith.constant 0 : i32
      "tpu.region"() ({
        %run_scoped3A_111 = tpu.sem_alloc : memref<!tpu.dma_semaphore, #tpu.memory_space<semaphore_mem>>
        %dma_start3A_112 = arith.constant 0 : i32
        %dma_start3A_113 = arith.constant 0 : i32
        %dma_start3A_114 = tpu.memref_slice %arg8[%run_scoped3A, %dma_start3A_112, %dma_start3A_113] : memref<2x128x128xf32, #tpu.memory_space<vmem>> -> memref<1x128x128xf32, #tpu.memory_space<vmem>>
        %dma_start3A_115 = tpu.memref_squeeze %dma_start3A_114 : memref<1x128x128xf32, #tpu.memory_space<vmem>> -> memref<128x128xf32, #tpu.memory_space<vmem>>
        %dma_start3A_116 = arith.constant 0 : i32
        %dma_start3A_117 = tpu.memref_slice %arg7[%mul3A_59, %dma_start3A_116] : memref<40x128xi32, #tpu.memory_space<vmem>> -> memref<1x128xi32, #tpu.memory_space<vmem>>
        %dma_start3A_118 = tpu.memref_squeeze %dma_start3A_117 : memref<1x128xi32, #tpu.memory_space<vmem>> -> memref<128xi32, #tpu.memory_space<vmem>>
        %dma_start3A_119 = arith.constant 0 : i32
        %dma_start3A_120 = arith.constant 0 : i32
        %dma_start3A_121 = tpu.memref_slice %arg9[%dma_start3A_119, %dma_start3A_120] : memref<10240x128xf32, #tpu.memory_space<vmem_shared>> -> memref<10240x128xf32, #tpu.memory_space<vmem_shared>>
        tpu.enqueue_indirect_dma source(%dma_start3A_115 : memref<128x128xf32, #tpu.memory_space<vmem>>) target(%dma_start3A_121 : memref<10240x128xf32, #tpu.memory_space<vmem_shared>>) offsets(%dma_start3A_118 : memref<128xi32, #tpu.memory_space<vmem>>) semaphore(%run_scoped3A_111 : memref<!tpu.dma_semaphore, #tpu.memory_space<semaphore_mem>>) {add = true}
        %dma_wait3A_122 = arith.constant 0 : i32
        %dma_wait3A_123 = arith.constant 0 : i32
        %dma_wait3A_124 = tpu.memref_slice %arg8[%run_scoped3A, %dma_wait3A_122, %dma_wait3A_123] : memref<2x128x128xf32, #tpu.memory_space<vmem>> -> memref<1x128x128xf32, #tpu.memory_space<vmem>>
        %dma_wait3A_125 = tpu.memref_squeeze %dma_wait3A_124 : memref<1x128x128xf32, #tpu.memory_space<vmem>> -> memref<128x128xf32, #tpu.memory_space<vmem>>
        %dma_wait3A_126 = arith.constant 0 : i32
        %dma_wait3A_127 = tpu.memref_slice %arg7[%mul3A_59, %dma_wait3A_126] : memref<40x128xi32, #tpu.memory_space<vmem>> -> memref<1x128xi32, #tpu.memory_space<vmem>>
        %dma_wait3A_128 = tpu.memref_squeeze %dma_wait3A_127 : memref<1x128xi32, #tpu.memory_space<vmem>> -> memref<128xi32, #tpu.memory_space<vmem>>
        %dma_wait3A_129 = arith.constant 0 : i32
        %dma_wait3A_130 = arith.constant 0 : i32
        %dma_wait3A_131 = tpu.memref_slice %arg9[%dma_wait3A_129, %dma_wait3A_130] : memref<10240x128xf32, #tpu.memory_space<vmem_shared>> -> memref<10240x128xf32, #tpu.memory_space<vmem_shared>>
        tpu.wait_indirect_dma semaphore(%run_scoped3A_111 : memref<!tpu.dma_semaphore, #tpu.memory_space<semaphore_mem>>) src(%dma_wait3A_125 : memref<128x128xf32, #tpu.memory_space<vmem>>) dst(%dma_wait3A_131 : memref<10240x128xf32, #tpu.memory_space<vmem_shared>>)
        tpu.yield
      }) : () -> ()
      %add3A_92 = arith.constant 1 : i32
      %add3A_93 = arith.addi %add3A_63, %add3A_92 : i32
      %lt3A = arith.constant 40 : i32
      %lt3A_94 = arith.cmpi slt, %add3A_93, %lt3A : i32
      %convert_element_type3A = arith.extui %lt3A_94 : i1 to i32
      %cond3A = arith.constant 0 : i32
      %cond3A_95 = arith.cmpi ne, %convert_element_type3A, %cond3A : i32
      scf.if %cond3A_95 {
        %add3A_111 = arith.constant 1 : i32
        %add3A_112 = arith.addi %add3A_63, %add3A_111 : i32
        %dma_start3A_113 = arith.constant 0 : i32
        %dma_start3A_114 = arith.constant 0 : i32
        %dma_start3A_115 = arith.constant 0 : i32
        %dma_start3A_116 = arith.constant 0 : i32
        %dma_start3A_117 = tpu.memref_slice %arg8[%dma_start3A_113, %dma_start3A_115, %dma_start3A_116] : memref<2x128x128xf32, #tpu.memory_space<vmem>> -> memref<1x128x128xf32, #tpu.memory_space<vmem>>
        %dma_start3A_118 = tpu.memref_squeeze %dma_start3A_117 : memref<1x128x128xf32, #tpu.memory_space<vmem>> -> memref<128x128xf32, #tpu.memory_space<vmem>>
        %dma_start3A_119 = arith.constant 0 : i32
        %dma_start3A_120 = tpu.memref_slice %arg6[%add3A_112, %dma_start3A_119] : memref<40x128xi32, #tpu.memory_space<vmem>> -> memref<1x128xi32, #tpu.memory_space<vmem>>
        %dma_start3A_121 = tpu.memref_squeeze %dma_start3A_120 : memref<1x128xi32, #tpu.memory_space<vmem>> -> memref<128xi32, #tpu.memory_space<vmem>>
        %dma_start3A_122 = arith.constant 0 : i32
        %dma_start3A_123 = arith.constant 0 : i32
        %dma_start3A_124 = tpu.memref_slice %arg2[%dma_start3A_122, %dma_start3A_123] : memref<10240x128xf32, #tpu.memory_space<hbm>> -> memref<10240x128xf32, #tpu.memory_space<hbm>>
        %dma_start3A_125 = tpu.memref_slice %arg10[%dma_start3A_114] : memref<2x!tpu.dma_semaphore, #tpu.memory_space<semaphore_mem>> -> memref<1x!tpu.dma_semaphore, #tpu.memory_space<semaphore_mem>>
        %dma_start3A_126 = tpu.memref_squeeze %dma_start3A_125 : memref<1x!tpu.dma_semaphore, #tpu.memory_space<semaphore_mem>> -> memref<!tpu.dma_semaphore, #tpu.memory_space<semaphore_mem>>
        tpu.enqueue_indirect_dma source(%dma_start3A_124 : memref<10240x128xf32, #tpu.memory_space<hbm>>) target(%dma_start3A_118 : memref<128x128xf32, #tpu.memory_space<vmem>>) offsets(%dma_start3A_121 : memref<128xi32, #tpu.memory_space<vmem>>) semaphore(%dma_start3A_126 : memref<!tpu.dma_semaphore, #tpu.memory_space<semaphore_mem>>)
      } else {
      }
      %dma_wait3A_96 = arith.constant 1 : i32
      %dma_wait3A_97 = arith.constant 1 : i32
      %dma_wait3A_98 = arith.constant 0 : i32
      %dma_wait3A_99 = arith.constant 0 : i32
      %dma_wait3A_100 = tpu.memref_slice %arg8[%dma_wait3A_96, %dma_wait3A_98, %dma_wait3A_99] : memref<2x128x128xf32, #tpu.memory_space<vmem>> -> memref<1x128x128xf32, #tpu.memory_space<vmem>>
      %dma_wait3A_101 = tpu.memref_squeeze %dma_wait3A_100 : memref<1x128x128xf32, #tpu.memory_space<vmem>> -> memref<128x128xf32, #tpu.memory_space<vmem>>
      %dma_wait3A_102 = arith.constant 0 : i32
      %dma_wait3A_103 = tpu.memref_slice %arg6[%add3A_63, %dma_wait3A_102] : memref<40x128xi32, #tpu.memory_space<vmem>> -> memref<1x128xi32, #tpu.memory_space<vmem>>
      %dma_wait3A_104 = tpu.memref_squeeze %dma_wait3A_103 : memref<1x128xi32, #tpu.memory_space<vmem>> -> memref<128xi32, #tpu.memory_space<vmem>>
      %dma_wait3A_105 = arith.constant 0 : i32
      %dma_wait3A_106 = arith.constant 0 : i32
      %dma_wait3A_107 = tpu.memref_slice %arg2[%dma_wait3A_105, %dma_wait3A_106] : memref<10240x128xf32, #tpu.memory_space<hbm>> -> memref<10240x128xf32, #tpu.memory_space<hbm>>
      %dma_wait3A_108 = tpu.memref_slice %arg10[%dma_wait3A_97] : memref<2x!tpu.dma_semaphore, #tpu.memory_space<semaphore_mem>> -> memref<1x!tpu.dma_semaphore, #tpu.memory_space<semaphore_mem>>
      %dma_wait3A_109 = tpu.memref_squeeze %dma_wait3A_108 : memref<1x!tpu.dma_semaphore, #tpu.memory_space<semaphore_mem>> -> memref<!tpu.dma_semaphore, #tpu.memory_space<semaphore_mem>>
      tpu.wait_indirect_dma semaphore(%dma_wait3A_109 : memref<!tpu.dma_semaphore, #tpu.memory_space<semaphore_mem>>) src(%dma_wait3A_107 : memref<10240x128xf32, #tpu.memory_space<hbm>>) dst(%dma_wait3A_101 : memref<128x128xf32, #tpu.memory_space<vmem>>)
      %run_scoped3A_110 = arith.constant 1 : i32
      "tpu.region"() ({
        %run_scoped3A_111 = tpu.sem_alloc : memref<!tpu.dma_semaphore, #tpu.memory_space<semaphore_mem>>
        %dma_start3A_112 = arith.constant 0 : i32
        %dma_start3A_113 = arith.constant 0 : i32
        %dma_start3A_114 = tpu.memref_slice %arg8[%run_scoped3A_110, %dma_start3A_112, %dma_start3A_113] : memref<2x128x128xf32, #tpu.memory_space<vmem>> -> memref<1x128x128xf32, #tpu.memory_space<vmem>>
        %dma_start3A_115 = tpu.memref_squeeze %dma_start3A_114 : memref<1x128x128xf32, #tpu.memory_space<vmem>> -> memref<128x128xf32, #tpu.memory_space<vmem>>
        %dma_start3A_116 = arith.constant 0 : i32
        %dma_start3A_117 = tpu.memref_slice %arg7[%add3A_63, %dma_start3A_116] : memref<40x128xi32, #tpu.memory_space<vmem>> -> memref<1x128xi32, #tpu.memory_space<vmem>>
        %dma_start3A_118 = tpu.memref_squeeze %dma_start3A_117 : memref<1x128xi32, #tpu.memory_space<vmem>> -> memref<128xi32, #tpu.memory_space<vmem>>
        %dma_start3A_119 = arith.constant 0 : i32
        %dma_start3A_120 = arith.constant 0 : i32
        %dma_start3A_121 = tpu.memref_slice %arg9[%dma_start3A_119, %dma_start3A_120] : memref<10240x128xf32, #tpu.memory_space<vmem_shared>> -> memref<10240x128xf32, #tpu.memory_space<vmem_shared>>
        tpu.enqueue_indirect_dma source(%dma_start3A_115 : memref<128x128xf32, #tpu.memory_space<vmem>>) target(%dma_start3A_121 : memref<10240x128xf32, #tpu.memory_space<vmem_shared>>) offsets(%dma_start3A_118 : memref<128xi32, #tpu.memory_space<vmem>>) semaphore(%run_scoped3A_111 : memref<!tpu.dma_semaphore, #tpu.memory_space<semaphore_mem>>) {add = true}
        %dma_wait3A_122 = arith.constant 0 : i32
        %dma_wait3A_123 = arith.constant 0 : i32
        %dma_wait3A_124 = tpu.memref_slice %arg8[%run_scoped3A_110, %dma_wait3A_122, %dma_wait3A_123] : memref<2x128x128xf32, #tpu.memory_space<vmem>> -> memref<1x128x128xf32, #tpu.memory_space<vmem>>
        %dma_wait3A_125 = tpu.memref_squeeze %dma_wait3A_124 : memref<1x128x128xf32, #tpu.memory_space<vmem>> -> memref<128x128xf32, #tpu.memory_space<vmem>>
        %dma_wait3A_126 = arith.constant 0 : i32
        %dma_wait3A_127 = tpu.memref_slice %arg7[%add3A_63, %dma_wait3A_126] : memref<40x128xi32, #tpu.memory_space<vmem>> -> memref<1x128xi32, #tpu.memory_space<vmem>>
        %dma_wait3A_128 = tpu.memref_squeeze %dma_wait3A_127 : memref<1x128xi32, #tpu.memory_space<vmem>> -> memref<128xi32, #tpu.memory_space<vmem>>
        %dma_wait3A_129 = arith.constant 0 : i32
        %dma_wait3A_130 = arith.constant 0 : i32
        %dma_wait3A_131 = tpu.memref_slice %arg9[%dma_wait3A_129, %dma_wait3A_130] : memref<10240x128xf32, #tpu.memory_space<vmem_shared>> -> memref<10240x128xf32, #tpu.memory_space<vmem_shared>>
        tpu.wait_indirect_dma semaphore(%run_scoped3A_111 : memref<!tpu.dma_semaphore, #tpu.memory_space<semaphore_mem>>) src(%dma_wait3A_125 : memref<128x128xf32, #tpu.memory_space<vmem>>) dst(%dma_wait3A_131 : memref<10240x128xf32, #tpu.memory_space<vmem_shared>>)
        tpu.yield
      }) : () -> ()
    }
    %scan3A_51 = arith.constant 20 : i32
    %barrier3A_52 = arith.constant 0 : index
    tpu.barrier barrier_id(%barrier3A_52)
    %mul3A_53 = arith.constant 640 : i32
    %mul3A_54 = arith.muli %arg1, %mul3A_53 : i32
    %mul3A_55 = arith.constant 640 : i32
    %mul3A_56 = arith.muli %arg1, %mul3A_55 : i32
    "tpu.region"() ({
      %run_scoped3A = tpu.sem_alloc : memref<!tpu.dma_semaphore, #tpu.memory_space<semaphore_mem>>
      %dma_start3A_57 = arith.constant 0 : i32
      %dma_start3A_58 = tpu.memref_slice %arg5[%arg0, %mul3A_56, %dma_start3A_57] : memref<2x10240x128xf32, #tpu.memory_space<hbm>> -> memref<1x640x128xf32, #tpu.memory_space<hbm>>
      %dma_start3A_59 = tpu.memref_squeeze %dma_start3A_58 : memref<1x640x128xf32, #tpu.memory_space<hbm>> -> memref<640x128xf32, #tpu.memory_space<hbm>>
      %dma_start3A_60 = arith.constant 0 : i32
      %dma_start3A_61 = tpu.memref_slice %arg9[%mul3A_54, %dma_start3A_60] : memref<10240x128xf32, #tpu.memory_space<vmem_shared>> -> memref<640x128xf32, #tpu.memory_space<vmem_shared>>
      tpu.enqueue_dma source(%dma_start3A_61 : memref<640x128xf32, #tpu.memory_space<vmem_shared>>) target(%dma_start3A_59 : memref<640x128xf32, #tpu.memory_space<hbm>>) target_semaphore(%run_scoped3A : memref<!tpu.dma_semaphore, #tpu.memory_space<semaphore_mem>>)
      %dma_wait3A_62 = arith.constant 0 : i32
      %dma_wait3A_63 = tpu.memref_slice %arg5[%arg0, %mul3A_56, %dma_wait3A_62] : memref<2x10240x128xf32, #tpu.memory_space<hbm>> -> memref<1x640x128xf32, #tpu.memory_space<hbm>>
      %dma_wait3A_64 = tpu.memref_squeeze %dma_wait3A_63 : memref<1x640x128xf32, #tpu.memory_space<hbm>> -> memref<640x128xf32, #tpu.memory_space<hbm>>
      %dma_wait3A_65 = arith.constant 0 : i32
      %dma_wait3A_66 = tpu.memref_slice %arg9[%mul3A_54, %dma_wait3A_65] : memref<10240x128xf32, #tpu.memory_space<vmem_shared>> -> memref<640x128xf32, #tpu.memory_space<vmem_shared>>
      tpu.wait_dma2 semaphore(%run_scoped3A : memref<!tpu.dma_semaphore, #tpu.memory_space<semaphore_mem>>) src(%dma_wait3A_66 : memref<640x128xf32, #tpu.memory_space<vmem_shared>>) dst(%dma_wait3A_64 : memref<640x128xf32, #tpu.memory_space<hbm>>)
      tpu.yield
    }) : () -> ()
    return
  }
}

#map = affine_map<(d0, d1) -> (0, 0, 0)>
#map1 = affine_map<(d0, d1) -> (0, 0)>
module attributes {stable_mosaic.version = 14 : i64} {
  func.func @_sc_degree_body(%arg0: i32, %arg1: i32, %arg2: memref<32x80x128xi32, #tpu.memory_space<hbm>>, %arg3: memref<2x10240xf32, #tpu.memory_space<hbm>>, %arg4: memref<80x128xi32, #tpu.memory_space<vmem>>, %arg5: memref<128xf32, #tpu.memory_space<vmem>>, %arg6: memref<128xf32, #tpu.memory_space<vmem>>, %arg7: memref<10240xf32, #tpu.memory_space<vmem_shared>>, %arg8: memref<!tpu.dma_semaphore, #tpu.memory_space<semaphore_mem>>, %arg9: memref<2x!tpu.dma_semaphore, #tpu.memory_space<semaphore_mem>>) attributes {dimension_semantics = [#tpu.dimension_semantics<core_parallel>, #tpu.dimension_semantics<subcore_parallel>], iteration_bounds = array<i64: 2, 16>, scalar_prefetch = 0 : i64, scratch_operands = 6 : i64, tpu.core_type = #tpu.core_type<sc_vector_subcore>, window_params = [{transform_indices = #map}, {transform_indices = #map1}]} {
    %mul3A = arith.constant 16 : i32
    %mul3A_0 = arith.muli %arg0, %mul3A : i32
    %add3A = arith.addi %mul3A_0, %arg1 : i32
    %broadcast_in_dim3A = arith.constant 1.000000e+00 : f32
    %broadcast_in_dim3A_1 = vector.broadcast %broadcast_in_dim3A : f32 to vector<16xf32>
    %swap3A = arith.constant 0 : index
    %swap3A_2 = tpu.vector_load %arg5[%swap3A] {strides = array<i32>} : memref<128xf32, #tpu.memory_space<vmem>>, vector<16xf32>,
    %swap3A_3 = vector.shape_cast %swap3A_2 : vector<16xf32> to vector<16xf32>
    %swap3A_4 = vector.shape_cast %broadcast_in_dim3A_1 : vector<16xf32> to vector<16xf32>
    tpu.vector_store %arg5[%swap3A], %swap3A_4 {strides = array<i32>} : memref<128xf32, #tpu.memory_space<vmem>>, vector<16xf32>,
    %broadcast_in_dim3A_5 = arith.constant 0.000000e+00 : f32
    %broadcast_in_dim3A_6 = vector.broadcast %broadcast_in_dim3A_5 : f32 to vector<16xf32>
    %swap3A_7 = arith.constant 0 : index
    %swap3A_8 = tpu.vector_load %arg6[%swap3A_7] {strides = array<i32>} : memref<128xf32, #tpu.memory_space<vmem>>, vector<16xf32>,
    %swap3A_9 = vector.shape_cast %swap3A_8 : vector<16xf32> to vector<16xf32>
    %swap3A_10 = vector.shape_cast %broadcast_in_dim3A_6 : vector<16xf32> to vector<16xf32>
    tpu.vector_store %arg6[%swap3A_7], %swap3A_10 {strides = array<i32>} : memref<128xf32, #tpu.memory_space<vmem>>, vector<16xf32>,
    %broadcast_in_dim3A_11 = arith.constant 1.000000e+00 : f32
    %broadcast_in_dim3A_12 = vector.broadcast %broadcast_in_dim3A_11 : f32 to vector<16xf32>
    %swap3A_13 = arith.constant 16 : index
    %swap3A_14 = tpu.vector_load %arg5[%swap3A_13] {strides = array<i32>} : memref<128xf32, #tpu.memory_space<vmem>>, vector<16xf32>,
    %swap3A_15 = vector.shape_cast %swap3A_14 : vector<16xf32> to vector<16xf32>
    %swap3A_16 = vector.shape_cast %broadcast_in_dim3A_12 : vector<16xf32> to vector<16xf32>
    tpu.vector_store %arg5[%swap3A_13], %swap3A_16 {strides = array<i32>} : memref<128xf32, #tpu.memory_space<vmem>>, vector<16xf32>,
    %broadcast_in_dim3A_17 = arith.constant 0.000000e+00 : f32
    %broadcast_in_dim3A_18 = vector.broadcast %broadcast_in_dim3A_17 : f32 to vector<16xf32>
    %swap3A_19 = arith.constant 16 : index
    %swap3A_20 = tpu.vector_load %arg6[%swap3A_19] {strides = array<i32>} : memref<128xf32, #tpu.memory_space<vmem>>, vector<16xf32>,
    %swap3A_21 = vector.shape_cast %swap3A_20 : vector<16xf32> to vector<16xf32>
    %swap3A_22 = vector.shape_cast %broadcast_in_dim3A_18 : vector<16xf32> to vector<16xf32>
    tpu.vector_store %arg6[%swap3A_19], %swap3A_22 {strides = array<i32>} : memref<128xf32, #tpu.memory_space<vmem>>, vector<16xf32>,
    %broadcast_in_dim3A_23 = arith.constant 1.000000e+00 : f32
    %broadcast_in_dim3A_24 = vector.broadcast %broadcast_in_dim3A_23 : f32 to vector<16xf32>
    %swap3A_25 = arith.constant 32 : index
    %swap3A_26 = tpu.vector_load %arg5[%swap3A_25] {strides = array<i32>} : memref<128xf32, #tpu.memory_space<vmem>>, vector<16xf32>,
    %swap3A_27 = vector.shape_cast %swap3A_26 : vector<16xf32> to vector<16xf32>
    %swap3A_28 = vector.shape_cast %broadcast_in_dim3A_24 : vector<16xf32> to vector<16xf32>
    tpu.vector_store %arg5[%swap3A_25], %swap3A_28 {strides = array<i32>} : memref<128xf32, #tpu.memory_space<vmem>>, vector<16xf32>,
    %broadcast_in_dim3A_29 = arith.constant 0.000000e+00 : f32
    %broadcast_in_dim3A_30 = vector.broadcast %broadcast_in_dim3A_29 : f32 to vector<16xf32>
    %swap3A_31 = arith.constant 32 : index
    %swap3A_32 = tpu.vector_load %arg6[%swap3A_31] {strides = array<i32>} : memref<128xf32, #tpu.memory_space<vmem>>, vector<16xf32>,
    %swap3A_33 = vector.shape_cast %swap3A_32 : vector<16xf32> to vector<16xf32>
    %swap3A_34 = vector.shape_cast %broadcast_in_dim3A_30 : vector<16xf32> to vector<16xf32>
    tpu.vector_store %arg6[%swap3A_31], %swap3A_34 {strides = array<i32>} : memref<128xf32, #tpu.memory_space<vmem>>, vector<16xf32>,
    %broadcast_in_dim3A_35 = arith.constant 1.000000e+00 : f32
    %broadcast_in_dim3A_36 = vector.broadcast %broadcast_in_dim3A_35 : f32 to vector<16xf32>
    %swap3A_37 = arith.constant 48 : index
    %swap3A_38 = tpu.vector_load %arg5[%swap3A_37] {strides = array<i32>} : memref<128xf32, #tpu.memory_space<vmem>>, vector<16xf32>,
    %swap3A_39 = vector.shape_cast %swap3A_38 : vector<16xf32> to vector<16xf32>
    %swap3A_40 = vector.shape_cast %broadcast_in_dim3A_36 : vector<16xf32> to vector<16xf32>
    tpu.vector_store %arg5[%swap3A_37], %swap3A_40 {strides = array<i32>} : memref<128xf32, #tpu.memory_space<vmem>>, vector<16xf32>,
    %broadcast_in_dim3A_41 = arith.constant 0.000000e+00 : f32
    %broadcast_in_dim3A_42 = vector.broadcast %broadcast_in_dim3A_41 : f32 to vector<16xf32>
    %swap3A_43 = arith.constant 48 : index
    %swap3A_44 = tpu.vector_load %arg6[%swap3A_43] {strides = array<i32>} : memref<128xf32, #tpu.memory_space<vmem>>, vector<16xf32>,
    %swap3A_45 = vector.shape_cast %swap3A_44 : vector<16xf32> to vector<16xf32>
    %swap3A_46 = vector.shape_cast %broadcast_in_dim3A_42 : vector<16xf32> to vector<16xf32>
    tpu.vector_store %arg6[%swap3A_43], %swap3A_46 {strides = array<i32>} : memref<128xf32, #tpu.memory_space<vmem>>, vector<16xf32>,
    %broadcast_in_dim3A_47 = arith.constant 1.000000e+00 : f32
    %broadcast_in_dim3A_48 = vector.broadcast %broadcast_in_dim3A_47 : f32 to vector<16xf32>
    %swap3A_49 = arith.constant 64 : index
    %swap3A_50 = tpu.vector_load %arg5[%swap3A_49] {strides = array<i32>} : memref<128xf32, #tpu.memory_space<vmem>>, vector<16xf32>,
    %swap3A_51 = vector.shape_cast %swap3A_50 : vector<16xf32> to vector<16xf32>
    %swap3A_52 = vector.shape_cast %broadcast_in_dim3A_48 : vector<16xf32> to vector<16xf32>
    tpu.vector_store %arg5[%swap3A_49], %swap3A_52 {strides = array<i32>} : memref<128xf32, #tpu.memory_space<vmem>>, vector<16xf32>,
    %broadcast_in_dim3A_53 = arith.constant 0.000000e+00 : f32
    %broadcast_in_dim3A_54 = vector.broadcast %broadcast_in_dim3A_53 : f32 to vector<16xf32>
    %swap3A_55 = arith.constant 64 : index
    %swap3A_56 = tpu.vector_load %arg6[%swap3A_55] {strides = array<i32>} : memref<128xf32, #tpu.memory_space<vmem>>, vector<16xf32>,
    %swap3A_57 = vector.shape_cast %swap3A_56 : vector<16xf32> to vector<16xf32>
    %swap3A_58 = vector.shape_cast %broadcast_in_dim3A_54 : vector<16xf32> to vector<16xf32>
    tpu.vector_store %arg6[%swap3A_55], %swap3A_58 {strides = array<i32>} : memref<128xf32, #tpu.memory_space<vmem>>, vector<16xf32>,
    %broadcast_in_dim3A_59 = arith.constant 1.000000e+00 : f32
    %broadcast_in_dim3A_60 = vector.broadcast %broadcast_in_dim3A_59 : f32 to vector<16xf32>
    %swap3A_61 = arith.constant 80 : index
    %swap3A_62 = tpu.vector_load %arg5[%swap3A_61] {strides = array<i32>} : memref<128xf32, #tpu.memory_space<vmem>>, vector<16xf32>,
    %swap3A_63 = vector.shape_cast %swap3A_62 : vector<16xf32> to vector<16xf32>
    %swap3A_64 = vector.shape_cast %broadcast_in_dim3A_60 : vector<16xf32> to vector<16xf32>
    tpu.vector_store %arg5[%swap3A_61], %swap3A_64 {strides = array<i32>} : memref<128xf32, #tpu.memory_space<vmem>>, vector<16xf32>,
    %broadcast_in_dim3A_65 = arith.constant 0.000000e+00 : f32
    %broadcast_in_dim3A_66 = vector.broadcast %broadcast_in_dim3A_65 : f32 to vector<16xf32>
    %swap3A_67 = arith.constant 80 : index
    %swap3A_68 = tpu.vector_load %arg6[%swap3A_67] {strides = array<i32>} : memref<128xf32, #tpu.memory_space<vmem>>, vector<16xf32>,
    %swap3A_69 = vector.shape_cast %swap3A_68 : vector<16xf32> to vector<16xf32>
    %swap3A_70 = vector.shape_cast %broadcast_in_dim3A_66 : vector<16xf32> to vector<16xf32>
    tpu.vector_store %arg6[%swap3A_67], %swap3A_70 {strides = array<i32>} : memref<128xf32, #tpu.memory_space<vmem>>, vector<16xf32>,
    %broadcast_in_dim3A_71 = arith.constant 1.000000e+00 : f32
    %broadcast_in_dim3A_72 = vector.broadcast %broadcast_in_dim3A_71 : f32 to vector<16xf32>
    %swap3A_73 = arith.constant 96 : index
    %swap3A_74 = tpu.vector_load %arg5[%swap3A_73] {strides = array<i32>} : memref<128xf32, #tpu.memory_space<vmem>>, vector<16xf32>,
    %swap3A_75 = vector.shape_cast %swap3A_74 : vector<16xf32> to vector<16xf32>
    %swap3A_76 = vector.shape_cast %broadcast_in_dim3A_72 : vector<16xf32> to vector<16xf32>
    tpu.vector_store %arg5[%swap3A_73], %swap3A_76 {strides = array<i32>} : memref<128xf32, #tpu.memory_space<vmem>>, vector<16xf32>,
    %broadcast_in_dim3A_77 = arith.constant 0.000000e+00 : f32
    %broadcast_in_dim3A_78 = vector.broadcast %broadcast_in_dim3A_77 : f32 to vector<16xf32>
    %swap3A_79 = arith.constant 96 : index
    %swap3A_80 = tpu.vector_load %arg6[%swap3A_79] {strides = array<i32>} : memref<128xf32, #tpu.memory_space<vmem>>, vector<16xf32>,
    %swap3A_81 = vector.shape_cast %swap3A_80 : vector<16xf32> to vector<16xf32>
    %swap3A_82 = vector.shape_cast %broadcast_in_dim3A_78 : vector<16xf32> to vector<16xf32>
    tpu.vector_store %arg6[%swap3A_79], %swap3A_82 {strides = array<i32>} : memref<128xf32, #tpu.memory_space<vmem>>, vector<16xf32>,
    %broadcast_in_dim3A_83 = arith.constant 1.000000e+00 : f32
    %broadcast_in_dim3A_84 = vector.broadcast %broadcast_in_dim3A_83 : f32 to vector<16xf32>
    %swap3A_85 = arith.constant 112 : index
    %swap3A_86 = tpu.vector_load %arg5[%swap3A_85] {strides = array<i32>} : memref<128xf32, #tpu.memory_space<vmem>>, vector<16xf32>,
    %swap3A_87 = vector.shape_cast %swap3A_86 : vector<16xf32> to vector<16xf32>
    %swap3A_88 = vector.shape_cast %broadcast_in_dim3A_84 : vector<16xf32> to vector<16xf32>
    tpu.vector_store %arg5[%swap3A_85], %swap3A_88 {strides = array<i32>} : memref<128xf32, #tpu.memory_space<vmem>>, vector<16xf32>,
    %broadcast_in_dim3A_89 = arith.constant 0.000000e+00 : f32
    %broadcast_in_dim3A_90 = vector.broadcast %broadcast_in_dim3A_89 : f32 to vector<16xf32>
    %swap3A_91 = arith.constant 112 : index
    %swap3A_92 = tpu.vector_load %arg6[%swap3A_91] {strides = array<i32>} : memref<128xf32, #tpu.memory_space<vmem>>, vector<16xf32>,
    %swap3A_93 = vector.shape_cast %swap3A_92 : vector<16xf32> to vector<16xf32>
    %swap3A_94 = vector.shape_cast %broadcast_in_dim3A_90 : vector<16xf32> to vector<16xf32>
    tpu.vector_store %arg6[%swap3A_91], %swap3A_94 {strides = array<i32>} : memref<128xf32, #tpu.memory_space<vmem>>, vector<16xf32>,
    %mul3A_95 = arith.constant 640 : i32
    %mul3A_96 = arith.muli %arg1, %mul3A_95 : i32
    %add3A_97 = arith.constant 0 : i32
    %add3A_98 = arith.addi %mul3A_96, %add3A_97 : i32
    %dma_start3A = tpu.memref_slice %arg7[%add3A_98] : memref<10240xf32, #tpu.memory_space<vmem_shared>> -> memref<128xf32, #tpu.memory_space<vmem_shared>>
    %dma_start3A_99 = tpu.memref_slice %arg7[%add3A_98] : memref<10240xf32, #tpu.memory_space<vmem_shared>> -> memref<128xf32, #tpu.memory_space<vmem_shared>>
    tpu.enqueue_dma source(%arg6 : memref<128xf32, #tpu.memory_space<vmem>>) target(%dma_start3A_99 : memref<128xf32, #tpu.memory_space<vmem_shared>>) target_semaphore(%arg8 : memref<!tpu.dma_semaphore, #tpu.memory_space<semaphore_mem>>)
    %mul3A_100 = arith.constant 640 : i32
    %mul3A_101 = arith.muli %arg1, %mul3A_100 : i32
    %add3A_102 = arith.constant 128 : i32
    %add3A_103 = arith.addi %mul3A_101, %add3A_102 : i32
    %dma_start3A_104 = tpu.memref_slice %arg7[%add3A_103] : memref<10240xf32, #tpu.memory_space<vmem_shared>> -> memref<128xf32, #tpu.memory_space<vmem_shared>>
    %dma_start3A_105 = tpu.memref_slice %arg7[%add3A_103] : memref<10240xf32, #tpu.memory_space<vmem_shared>> -> memref<128xf32, #tpu.memory_space<vmem_shared>>
    tpu.enqueue_dma source(%arg6 : memref<128xf32, #tpu.memory_space<vmem>>) target(%dma_start3A_105 : memref<128xf32, #tpu.memory_space<vmem_shared>>) target_semaphore(%arg8 : memref<!tpu.dma_semaphore, #tpu.memory_space<semaphore_mem>>)
    %mul3A_106 = arith.constant 640 : i32
    %mul3A_107 = arith.muli %arg1, %mul3A_106 : i32
    %add3A_108 = arith.constant 256 : i32
    %add3A_109 = arith.addi %mul3A_107, %add3A_108 : i32
    %dma_start3A_110 = tpu.memref_slice %arg7[%add3A_109] : memref<10240xf32, #tpu.memory_space<vmem_shared>> -> memref<128xf32, #tpu.memory_space<vmem_shared>>
    %dma_start3A_111 = tpu.memref_slice %arg7[%add3A_109] : memref<10240xf32, #tpu.memory_space<vmem_shared>> -> memref<128xf32, #tpu.memory_space<vmem_shared>>
    tpu.enqueue_dma source(%arg6 : memref<128xf32, #tpu.memory_space<vmem>>) target(%dma_start3A_111 : memref<128xf32, #tpu.memory_space<vmem_shared>>) target_semaphore(%arg8 : memref<!tpu.dma_semaphore, #tpu.memory_space<semaphore_mem>>)
    %mul3A_112 = arith.constant 640 : i32
    %mul3A_113 = arith.muli %arg1, %mul3A_112 : i32
    %add3A_114 = arith.constant 384 : i32
    %add3A_115 = arith.addi %mul3A_113, %add3A_114 : i32
    %dma_start3A_116 = tpu.memref_slice %arg7[%add3A_115] : memref<10240xf32, #tpu.memory_space<vmem_shared>> -> memref<128xf32, #tpu.memory_space<vmem_shared>>
    %dma_start3A_117 = tpu.memref_slice %arg7[%add3A_115] : memref<10240xf32, #tpu.memory_space<vmem_shared>> -> memref<128xf32, #tpu.memory_space<vmem_shared>>
    tpu.enqueue_dma source(%arg6 : memref<128xf32, #tpu.memory_space<vmem>>) target(%dma_start3A_117 : memref<128xf32, #tpu.memory_space<vmem_shared>>) target_semaphore(%arg8 : memref<!tpu.dma_semaphore, #tpu.memory_space<semaphore_mem>>)
    %mul3A_118 = arith.constant 640 : i32
    %mul3A_119 = arith.muli %arg1, %mul3A_118 : i32
    %add3A_120 = arith.constant 512 : i32
    %add3A_121 = arith.addi %mul3A_119, %add3A_120 : i32
    %dma_start3A_122 = tpu.memref_slice %arg7[%add3A_121] : memref<10240xf32, #tpu.memory_space<vmem_shared>> -> memref<128xf32, #tpu.memory_space<vmem_shared>>
    %dma_start3A_123 = tpu.memref_slice %arg7[%add3A_121] : memref<10240xf32, #tpu.memory_space<vmem_shared>> -> memref<128xf32, #tpu.memory_space<vmem_shared>>
    tpu.enqueue_dma source(%arg6 : memref<128xf32, #tpu.memory_space<vmem>>) target(%dma_start3A_123 : memref<128xf32, #tpu.memory_space<vmem_shared>>) target_semaphore(%arg8 : memref<!tpu.dma_semaphore, #tpu.memory_space<semaphore_mem>>)
    "tpu.region"() ({
      %run_scoped3A = tpu.sem_alloc : memref<!tpu.dma_semaphore, #tpu.memory_space<semaphore_mem>>
      %dma_start3A_181 = arith.constant 0 : i32
      %dma_start3A_182 = arith.constant 0 : i32
      %dma_start3A_183 = tpu.memref_slice %arg2[%add3A, %dma_start3A_181, %dma_start3A_182] : memref<32x80x128xi32, #tpu.memory_space<hbm>> -> memref<1x80x128xi32, #tpu.memory_space<hbm>>
      %dma_start3A_184 = tpu.memref_squeeze %dma_start3A_183 : memref<1x80x128xi32, #tpu.memory_space<hbm>> -> memref<80x128xi32, #tpu.memory_space<hbm>>
      %dma_start3A_185 = arith.constant 0 : i32
      %dma_start3A_186 = arith.constant 0 : i32
      %dma_start3A_187 = tpu.memref_slice %arg2[%add3A, %dma_start3A_185, %dma_start3A_186] : memref<32x80x128xi32, #tpu.memory_space<hbm>> -> memref<1x80x128xi32, #tpu.memory_space<hbm>>
      %dma_start3A_188 = tpu.memref_squeeze %dma_start3A_187 : memref<1x80x128xi32, #tpu.memory_space<hbm>> -> memref<80x128xi32, #tpu.memory_space<hbm>>
      tpu.enqueue_dma source(%dma_start3A_188 : memref<80x128xi32, #tpu.memory_space<hbm>>) target(%arg4 : memref<80x128xi32, #tpu.memory_space<vmem>>) target_semaphore(%run_scoped3A : memref<!tpu.dma_semaphore, #tpu.memory_space<semaphore_mem>>)
      %dma_wait3A_189 = arith.constant 0 : i32
      %dma_wait3A_190 = arith.constant 0 : i32
      %dma_wait3A_191 = tpu.memref_slice %arg2[%add3A, %dma_wait3A_189, %dma_wait3A_190] : memref<32x80x128xi32, #tpu.memory_space<hbm>> -> memref<1x80x128xi32, #tpu.memory_space<hbm>>
      %dma_wait3A_192 = tpu.memref_squeeze %dma_wait3A_191 : memref<1x80x128xi32, #tpu.memory_space<hbm>> -> memref<80x128xi32, #tpu.memory_space<hbm>>
      %dma_wait3A_193 = arith.constant 0 : i32
      %dma_wait3A_194 = arith.constant 0 : i32
      %dma_wait3A_195 = tpu.memref_slice %arg2[%add3A, %dma_wait3A_193, %dma_wait3A_194] : memref<32x80x128xi32, #tpu.memory_space<hbm>> -> memref<1x80x128xi32, #tpu.memory_space<hbm>>
      %dma_wait3A_196 = tpu.memref_squeeze %dma_wait3A_195 : memref<1x80x128xi32, #tpu.memory_space<hbm>> -> memref<80x128xi32, #tpu.memory_space<hbm>>
      tpu.wait_dma2 semaphore(%run_scoped3A : memref<!tpu.dma_semaphore, #tpu.memory_space<semaphore_mem>>) src(%dma_wait3A_196 : memref<80x128xi32, #tpu.memory_space<hbm>>) dst(%arg4 : memref<80x128xi32, #tpu.memory_space<vmem>>)
      tpu.yield
    }) : () -> ()
    %mul3A_124 = arith.constant 640 : i32
    %mul3A_125 = arith.muli %arg1, %mul3A_124 : i32
    %add3A_126 = arith.constant 0 : i32
    %add3A_127 = arith.addi %mul3A_125, %add3A_126 : i32
    %dma_wait3A = tpu.memref_slice %arg7[%add3A_127] : memref<10240xf32, #tpu.memory_space<vmem_shared>> -> memref<128xf32, #tpu.memory_space<vmem_shared>>
    %dma_wait3A_128 = tpu.memref_slice %arg7[%add3A_127] : memref<10240xf32, #tpu.memory_space<vmem_shared>> -> memref<128xf32, #tpu.memory_space<vmem_shared>>
    tpu.wait_dma2 semaphore(%arg8 : memref<!tpu.dma_semaphore, #tpu.memory_space<semaphore_mem>>) src(%arg6 : memref<128xf32, #tpu.memory_space<vmem>>) dst(%dma_wait3A_128 : memref<128xf32, #tpu.memory_space<vmem_shared>>)
    %mul3A_129 = arith.constant 640 : i32
    %mul3A_130 = arith.muli %arg1, %mul3A_129 : i32
    %add3A_131 = arith.constant 128 : i32
    %add3A_132 = arith.addi %mul3A_130, %add3A_131 : i32
    %dma_wait3A_133 = tpu.memref_slice %arg7[%add3A_132] : memref<10240xf32, #tpu.memory_space<vmem_shared>> -> memref<128xf32, #tpu.memory_space<vmem_shared>>
    %dma_wait3A_134 = tpu.memref_slice %arg7[%add3A_132] : memref<10240xf32, #tpu.memory_space<vmem_shared>> -> memref<128xf32, #tpu.memory_space<vmem_shared>>
    tpu.wait_dma2 semaphore(%arg8 : memref<!tpu.dma_semaphore, #tpu.memory_space<semaphore_mem>>) src(%arg6 : memref<128xf32, #tpu.memory_space<vmem>>) dst(%dma_wait3A_134 : memref<128xf32, #tpu.memory_space<vmem_shared>>)
    %mul3A_135 = arith.constant 640 : i32
    %mul3A_136 = arith.muli %arg1, %mul3A_135 : i32
    %add3A_137 = arith.constant 256 : i32
    %add3A_138 = arith.addi %mul3A_136, %add3A_137 : i32
    %dma_wait3A_139 = tpu.memref_slice %arg7[%add3A_138] : memref<10240xf32, #tpu.memory_space<vmem_shared>> -> memref<128xf32, #tpu.memory_space<vmem_shared>>
    %dma_wait3A_140 = tpu.memref_slice %arg7[%add3A_138] : memref<10240xf32, #tpu.memory_space<vmem_shared>> -> memref<128xf32, #tpu.memory_space<vmem_shared>>
    tpu.wait_dma2 semaphore(%arg8 : memref<!tpu.dma_semaphore, #tpu.memory_space<semaphore_mem>>) src(%arg6 : memref<128xf32, #tpu.memory_space<vmem>>) dst(%dma_wait3A_140 : memref<128xf32, #tpu.memory_space<vmem_shared>>)
    %mul3A_141 = arith.constant 640 : i32
    %mul3A_142 = arith.muli %arg1, %mul3A_141 : i32
    %add3A_143 = arith.constant 384 : i32
    %add3A_144 = arith.addi %mul3A_142, %add3A_143 : i32
    %dma_wait3A_145 = tpu.memref_slice %arg7[%add3A_144] : memref<10240xf32, #tpu.memory_space<vmem_shared>> -> memref<128xf32, #tpu.memory_space<vmem_shared>>
    %dma_wait3A_146 = tpu.memref_slice %arg7[%add3A_144] : memref<10240xf32, #tpu.memory_space<vmem_shared>> -> memref<128xf32, #tpu.memory_space<vmem_shared>>
    tpu.wait_dma2 semaphore(%arg8 : memref<!tpu.dma_semaphore, #tpu.memory_space<semaphore_mem>>) src(%arg6 : memref<128xf32, #tpu.memory_space<vmem>>) dst(%dma_wait3A_146 : memref<128xf32, #tpu.memory_space<vmem_shared>>)
    %mul3A_147 = arith.constant 640 : i32
    %mul3A_148 = arith.muli %arg1, %mul3A_147 : i32
    %add3A_149 = arith.constant 512 : i32
    %add3A_150 = arith.addi %mul3A_148, %add3A_149 : i32
    %dma_wait3A_151 = tpu.memref_slice %arg7[%add3A_150] : memref<10240xf32, #tpu.memory_space<vmem_shared>> -> memref<128xf32, #tpu.memory_space<vmem_shared>>
    %dma_wait3A_152 = tpu.memref_slice %arg7[%add3A_150] : memref<10240xf32, #tpu.memory_space<vmem_shared>> -> memref<128xf32, #tpu.memory_space<vmem_shared>>
    tpu.wait_dma2 semaphore(%arg8 : memref<!tpu.dma_semaphore, #tpu.memory_space<semaphore_mem>>) src(%arg6 : memref<128xf32, #tpu.memory_space<vmem>>) dst(%dma_wait3A_152 : memref<128xf32, #tpu.memory_space<vmem_shared>>)
    %barrier3A = arith.constant 0 : index
    tpu.barrier barrier_id(%barrier3A)
    %dma_start3A_153 = arith.constant 0 : i32
    %dma_start3A_154 = arith.constant 0 : i32
    %dma_start3A_155 = arith.constant 0 : i32
    %dma_start3A_156 = tpu.memref_slice %arg4[%dma_start3A_153, %dma_start3A_155] : memref<80x128xi32, #tpu.memory_space<vmem>> -> memref<1x128xi32, #tpu.memory_space<vmem>>
    %dma_start3A_157 = tpu.memref_squeeze %dma_start3A_156 : memref<1x128xi32, #tpu.memory_space<vmem>> -> memref<128xi32, #tpu.memory_space<vmem>>
    %dma_start3A_158 = arith.constant 0 : i32
    %dma_start3A_159 = tpu.memref_slice %arg7[%dma_start3A_158] : memref<10240xf32, #tpu.memory_space<vmem_shared>> -> memref<10240xf32, #tpu.memory_space<vmem_shared>>
    %dma_start3A_160 = tpu.memref_slice %arg9[%dma_start3A_154] : memref<2x!tpu.dma_semaphore, #tpu.memory_space<semaphore_mem>> -> memref<1x!tpu.dma_semaphore, #tpu.memory_space<semaphore_mem>>
    %dma_start3A_161 = tpu.memref_squeeze %dma_start3A_160 : memref<1x!tpu.dma_semaphore, #tpu.memory_space<semaphore_mem>> -> memref<!tpu.dma_semaphore, #tpu.memory_space<semaphore_mem>>
    tpu.enqueue_indirect_dma source(%arg5 : memref<128xf32, #tpu.memory_space<vmem>>) target(%dma_start3A_159 : memref<10240xf32, #tpu.memory_space<vmem_shared>>) offsets(%dma_start3A_157 : memref<128xi32, #tpu.memory_space<vmem>>) semaphore(%dma_start3A_161 : memref<!tpu.dma_semaphore, #tpu.memory_space<semaphore_mem>>) {add = true}
    %dma_start3A_162 = arith.constant 1 : i32
    %dma_start3A_163 = arith.constant 1 : i32
    %dma_start3A_164 = arith.constant 0 : i32
    %dma_start3A_165 = tpu.memref_slice %arg4[%dma_start3A_162, %dma_start3A_164] : memref<80x128xi32, #tpu.memory_space<vmem>> -> memref<1x128xi32, #tpu.memory_space<vmem>>
    %dma_start3A_166 = tpu.memref_squeeze %dma_start3A_165 : memref<1x128xi32, #tpu.memory_space<vmem>> -> memref<128xi32, #tpu.memory_space<vmem>>
    %dma_start3A_167 = arith.constant 0 : i32
    %dma_start3A_168 = tpu.memref_slice %arg7[%dma_start3A_167] : memref<10240xf32, #tpu.memory_space<vmem_shared>> -> memref<10240xf32, #tpu.memory_space<vmem_shared>>
    %dma_start3A_169 = tpu.memref_slice %arg9[%dma_start3A_163] : memref<2x!tpu.dma_semaphore, #tpu.memory_space<semaphore_mem>> -> memref<1x!tpu.dma_semaphore, #tpu.memory_space<semaphore_mem>>
    %dma_start3A_170 = tpu.memref_squeeze %dma_start3A_169 : memref<1x!tpu.dma_semaphore, #tpu.memory_space<semaphore_mem>> -> memref<!tpu.dma_semaphore, #tpu.memory_space<semaphore_mem>>
    tpu.enqueue_indirect_dma source(%arg5 : memref<128xf32, #tpu.memory_space<vmem>>) target(%dma_start3A_168 : memref<10240xf32, #tpu.memory_space<vmem_shared>>) offsets(%dma_start3A_166 : memref<128xi32, #tpu.memory_space<vmem>>) semaphore(%dma_start3A_170 : memref<!tpu.dma_semaphore, #tpu.memory_space<semaphore_mem>>) {add = true}
    %scan3A = arith.constant 0 : i32
    %scan3A_171 = arith.constant 0 : i32
    %scan3A_172 = arith.constant 40 : i32
    %scan3A_173 = arith.addi %scan3A_171, %scan3A_172 : i32
    %scan3A_174 = arith.constant 1 : i32
    scf.for %scan3A_181 = %scan3A_171 to %scan3A_173 step %scan3A_174  : i32 {
      %mul3A_182 = arith.constant 2 : i32
      %mul3A_183 = arith.muli %mul3A_182, %scan3A_181 : i32
      %mul3A_184 = arith.constant 2 : i32
      %mul3A_185 = arith.muli %mul3A_184, %scan3A_181 : i32
      %add3A_186 = arith.constant 1 : i32
      %add3A_187 = arith.addi %mul3A_185, %add3A_186 : i32
      %dma_wait3A_188 = arith.constant 0 : i32
      %dma_wait3A_189 = arith.constant 0 : i32
      %dma_wait3A_190 = tpu.memref_slice %arg4[%mul3A_183, %dma_wait3A_189] : memref<80x128xi32, #tpu.memory_space<vmem>> -> memref<1x128xi32, #tpu.memory_space<vmem>>
      %dma_wait3A_191 = tpu.memref_squeeze %dma_wait3A_190 : memref<1x128xi32, #tpu.memory_space<vmem>> -> memref<128xi32, #tpu.memory_space<vmem>>
      %dma_wait3A_192 = arith.constant 0 : i32
      %dma_wait3A_193 = tpu.memref_slice %arg7[%dma_wait3A_192] : memref<10240xf32, #tpu.memory_space<vmem_shared>> -> memref<10240xf32, #tpu.memory_space<vmem_shared>>
      %dma_wait3A_194 = tpu.memref_slice %arg9[%dma_wait3A_188] : memref<2x!tpu.dma_semaphore, #tpu.memory_space<semaphore_mem>> -> memref<1x!tpu.dma_semaphore, #tpu.memory_space<semaphore_mem>>
      %dma_wait3A_195 = tpu.memref_squeeze %dma_wait3A_194 : memref<1x!tpu.dma_semaphore, #tpu.memory_space<semaphore_mem>> -> memref<!tpu.dma_semaphore, #tpu.memory_space<semaphore_mem>>
      tpu.wait_indirect_dma semaphore(%dma_wait3A_195 : memref<!tpu.dma_semaphore, #tpu.memory_space<semaphore_mem>>) src(%arg5 : memref<128xf32, #tpu.memory_space<vmem>>) dst(%dma_wait3A_193 : memref<10240xf32, #tpu.memory_space<vmem_shared>>)
      %add3A_196 = arith.constant 2 : i32
      %add3A_197 = arith.addi %mul3A_183, %add3A_196 : i32
      %lt3A = arith.constant 80 : i32
      %lt3A_198 = arith.cmpi slt, %add3A_197, %lt3A : i32
      %convert_element_type3A = arith.extui %lt3A_198 : i1 to i32
      %cond3A = arith.constant 0 : i32
      %cond3A_199 = arith.cmpi ne, %convert_element_type3A, %cond3A : i32
      scf.if %cond3A_199 {
        %add3A_215 = arith.constant 2 : i32
        %add3A_216 = arith.addi %mul3A_183, %add3A_215 : i32
        %dma_start3A_217 = arith.constant 0 : i32
        %dma_start3A_218 = arith.constant 0 : i32
        %dma_start3A_219 = tpu.memref_slice %arg4[%add3A_216, %dma_start3A_218] : memref<80x128xi32, #tpu.memory_space<vmem>> -> memref<1x128xi32, #tpu.memory_space<vmem>>
        %dma_start3A_220 = tpu.memref_squeeze %dma_start3A_219 : memref<1x128xi32, #tpu.memory_space<vmem>> -> memref<128xi32, #tpu.memory_space<vmem>>
        %dma_start3A_221 = arith.constant 0 : i32
        %dma_start3A_222 = tpu.memref_slice %arg7[%dma_start3A_221] : memref<10240xf32, #tpu.memory_space<vmem_shared>> -> memref<10240xf32, #tpu.memory_space<vmem_shared>>
        %dma_start3A_223 = tpu.memref_slice %arg9[%dma_start3A_217] : memref<2x!tpu.dma_semaphore, #tpu.memory_space<semaphore_mem>> -> memref<1x!tpu.dma_semaphore, #tpu.memory_space<semaphore_mem>>
        %dma_start3A_224 = tpu.memref_squeeze %dma_start3A_223 : memref<1x!tpu.dma_semaphore, #tpu.memory_space<semaphore_mem>> -> memref<!tpu.dma_semaphore, #tpu.memory_space<semaphore_mem>>
        tpu.enqueue_indirect_dma source(%arg5 : memref<128xf32, #tpu.memory_space<vmem>>) target(%dma_start3A_222 : memref<10240xf32, #tpu.memory_space<vmem_shared>>) offsets(%dma_start3A_220 : memref<128xi32, #tpu.memory_space<vmem>>) semaphore(%dma_start3A_224 : memref<!tpu.dma_semaphore, #tpu.memory_space<semaphore_mem>>) {add = true}
      } else {
      }
      %dma_wait3A_200 = arith.constant 1 : i32
      %dma_wait3A_201 = arith.constant 0 : i32
      %dma_wait3A_202 = tpu.memref_slice %arg4[%add3A_187, %dma_wait3A_201] : memref<80x128xi32, #tpu.memory_space<vmem>> -> memref<1x128xi32, #tpu.memory_space<vmem>>
      %dma_wait3A_203 = tpu.memref_squeeze %dma_wait3A_202 : memref<1x128xi32, #tpu.memory_space<vmem>> -> memref<128xi32, #tpu.memory_space<vmem>>
      %dma_wait3A_204 = arith.constant 0 : i32
      %dma_wait3A_205 = tpu.memref_slice %arg7[%dma_wait3A_204] : memref<10240xf32, #tpu.memory_space<vmem_shared>> -> memref<10240xf32, #tpu.memory_space<vmem_shared>>
      %dma_wait3A_206 = tpu.memref_slice %arg9[%dma_wait3A_200] : memref<2x!tpu.dma_semaphore, #tpu.memory_space<semaphore_mem>> -> memref<1x!tpu.dma_semaphore, #tpu.memory_space<semaphore_mem>>
      %dma_wait3A_207 = tpu.memref_squeeze %dma_wait3A_206 : memref<1x!tpu.dma_semaphore, #tpu.memory_space<semaphore_mem>> -> memref<!tpu.dma_semaphore, #tpu.memory_space<semaphore_mem>>
      tpu.wait_indirect_dma semaphore(%dma_wait3A_207 : memref<!tpu.dma_semaphore, #tpu.memory_space<semaphore_mem>>) src(%arg5 : memref<128xf32, #tpu.memory_space<vmem>>) dst(%dma_wait3A_205 : memref<10240xf32, #tpu.memory_space<vmem_shared>>)
      %add3A_208 = arith.constant 2 : i32
      %add3A_209 = arith.addi %add3A_187, %add3A_208 : i32
      %lt3A_210 = arith.constant 80 : i32
      %lt3A_211 = arith.cmpi slt, %add3A_209, %lt3A_210 : i32
      %convert_element_type3A_212 = arith.extui %lt3A_211 : i1 to i32
      %cond3A_213 = arith.constant 0 : i32
      %cond3A_214 = arith.cmpi ne, %convert_element_type3A_212, %cond3A_213 : i32
      scf.if %cond3A_214 {
        %add3A_215 = arith.constant 2 : i32
        %add3A_216 = arith.addi %add3A_187, %add3A_215 : i32
        %dma_start3A_217 = arith.constant 1 : i32
        %dma_start3A_218 = arith.constant 0 : i32
        %dma_start3A_219 = tpu.memref_slice %arg4[%add3A_216, %dma_start3A_218] : memref<80x128xi32, #tpu.memory_space<vmem>> -> memref<1x128xi32, #tpu.memory_space<vmem>>
        %dma_start3A_220 = tpu.memref_squeeze %dma_start3A_219 : memref<1x128xi32, #tpu.memory_space<vmem>> -> memref<128xi32, #tpu.memory_space<vmem>>
        %dma_start3A_221 = arith.constant 0 : i32
        %dma_start3A_222 = tpu.memref_slice %arg7[%dma_start3A_221] : memref<10240xf32, #tpu.memory_space<vmem_shared>> -> memref<10240xf32, #tpu.memory_space<vmem_shared>>
        %dma_start3A_223 = tpu.memref_slice %arg9[%dma_start3A_217] : memref<2x!tpu.dma_semaphore, #tpu.memory_space<semaphore_mem>> -> memref<1x!tpu.dma_semaphore, #tpu.memory_space<semaphore_mem>>
        %dma_start3A_224 = tpu.memref_squeeze %dma_start3A_223 : memref<1x!tpu.dma_semaphore, #tpu.memory_space<semaphore_mem>> -> memref<!tpu.dma_semaphore, #tpu.memory_space<semaphore_mem>>
        tpu.enqueue_indirect_dma source(%arg5 : memref<128xf32, #tpu.memory_space<vmem>>) target(%dma_start3A_222 : memref<10240xf32, #tpu.memory_space<vmem_shared>>) offsets(%dma_start3A_220 : memref<128xi32, #tpu.memory_space<vmem>>) semaphore(%dma_start3A_224 : memref<!tpu.dma_semaphore, #tpu.memory_space<semaphore_mem>>) {add = true}
      } else {
      }
    }
    %scan3A_175 = arith.constant 40 : i32
    %barrier3A_176 = arith.constant 0 : index
    tpu.barrier barrier_id(%barrier3A_176)
    %mul3A_177 = arith.constant 640 : i32
    %mul3A_178 = arith.muli %arg1, %mul3A_177 : i32
    %mul3A_179 = arith.constant 640 : i32
    %mul3A_180 = arith.muli %arg1, %mul3A_179 : i32
    "tpu.region"() ({
      %run_scoped3A = tpu.sem_alloc : memref<!tpu.dma_semaphore, #tpu.memory_space<semaphore_mem>>
      %dma_start3A_181 = tpu.memref_slice %arg3[%arg0, %mul3A_180] : memref<2x10240xf32, #tpu.memory_space<hbm>> -> memref<1x640xf32, #tpu.memory_space<hbm>>
      %dma_start3A_182 = tpu.memref_squeeze %dma_start3A_181 : memref<1x640xf32, #tpu.memory_space<hbm>> -> memref<640xf32, #tpu.memory_space<hbm>>
      %dma_start3A_183 = tpu.memref_slice %arg7[%mul3A_178] : memref<10240xf32, #tpu.memory_space<vmem_shared>> -> memref<640xf32, #tpu.memory_space<vmem_shared>>
      tpu.enqueue_dma source(%dma_start3A_183 : memref<640xf32, #tpu.memory_space<vmem_shared>>) target(%dma_start3A_182 : memref<640xf32, #tpu.memory_space<hbm>>) target_semaphore(%run_scoped3A : memref<!tpu.dma_semaphore, #tpu.memory_space<semaphore_mem>>)
      %dma_wait3A_184 = tpu.memref_slice %arg3[%arg0, %mul3A_180] : memref<2x10240xf32, #tpu.memory_space<hbm>> -> memref<1x640xf32, #tpu.memory_space<hbm>>
      %dma_wait3A_185 = tpu.memref_squeeze %dma_wait3A_184 : memref<1x640xf32, #tpu.memory_space<hbm>> -> memref<640xf32, #tpu.memory_space<hbm>>
      %dma_wait3A_186 = tpu.memref_slice %arg7[%mul3A_178] : memref<10240xf32, #tpu.memory_space<vmem_shared>> -> memref<640xf32, #tpu.memory_space<vmem_shared>>
      tpu.wait_dma2 semaphore(%run_scoped3A : memref<!tpu.dma_semaphore, #tpu.memory_space<semaphore_mem>>) src(%dma_wait3A_186 : memref<640xf32, #tpu.memory_space<vmem_shared>>) dst(%dma_wait3A_185 : memref<640xf32, #tpu.memory_space<hbm>>)
      tpu.yield
    }) : () -> ()
    return
  }
}

#map = affine_map<(d0, d1) -> (0, 0)>
#map1 = affine_map<(d0, d1) -> (0, 0, 0)>
module attributes {stable_mosaic.version = 14 : i64} {
  func.func @_sc_edges_body_full(%arg0: i32, %arg1: i32, %arg2: memref<10240x128xf32, #tpu.memory_space<hbm>>, %arg3: memref<32x80x128xi32, #tpu.memory_space<hbm>>, %arg4: memref<32x80x128xi32, #tpu.memory_space<hbm>>, %arg5: memref<2x10240x128xf32, #tpu.memory_space<hbm>>, %arg6: memref<40x128xi32, #tpu.memory_space<vmem>>, %arg7: memref<40x128xi32, #tpu.memory_space<vmem>>, %arg8: memref<2x128x128xf32, #tpu.memory_space<vmem>>, %arg9: memref<10240x128xf32, #tpu.memory_space<vmem_shared>>, %arg10: memref<2x!tpu.dma_semaphore, #tpu.memory_space<semaphore_mem>>, %arg11: memref<!tpu.dma_semaphore, #tpu.memory_space<semaphore_mem>>) attributes {dimension_semantics = [#tpu.dimension_semantics<core_parallel>, #tpu.dimension_semantics<subcore_parallel>], iteration_bounds = array<i64: 2, 16>, scalar_prefetch = 0 : i64, scratch_operands = 6 : i64, tpu.core_type = #tpu.core_type<sc_vector_subcore>, window_params = [{transform_indices = #map}, {transform_indices = #map1}, {transform_indices = #map1}, {transform_indices = #map1}]} {
    %mul3A = arith.constant 16 : i32
    %mul3A_0 = arith.muli %arg0, %mul3A : i32
    %add3A = arith.addi %mul3A_0, %arg1 : i32
    %mul3A_1 = arith.constant 640 : i32
    %mul3A_2 = arith.muli %arg1, %mul3A_1 : i32
    %mul3A_3 = arith.constant 640 : i32
    %mul3A_4 = arith.muli %arg1, %mul3A_3 : i32
    %dma_start3A = arith.constant 0 : i32
    %dma_start3A_5 = tpu.memref_slice %arg9[%mul3A_4, %dma_start3A] : memref<10240x128xf32, #tpu.memory_space<vmem_shared>> -> memref<640x128xf32, #tpu.memory_space<vmem_shared>>
    %dma_start3A_6 = arith.constant 0 : i32
    %dma_start3A_7 = tpu.memref_slice %arg2[%mul3A_2, %dma_start3A_6] : memref<10240x128xf32, #tpu.memory_space<hbm>> -> memref<640x128xf32, #tpu.memory_space<hbm>>
    tpu.enqueue_dma source(%dma_start3A_7 : memref<640x128xf32, #tpu.memory_space<hbm>>) target(%dma_start3A_5 : memref<640x128xf32, #tpu.memory_space<vmem_shared>>) target_semaphore(%arg11 : memref<!tpu.dma_semaphore, #tpu.memory_space<semaphore_mem>>)
    "tpu.region"() ({
      %run_scoped3A = tpu.sem_alloc : memref<!tpu.dma_semaphore, #tpu.memory_space<semaphore_mem>>
      %dma_start3A_57 = arith.constant 0 : i32
      %dma_start3A_58 = arith.constant 0 : i32
      %dma_start3A_59 = tpu.memref_slice %arg3[%add3A, %dma_start3A_57, %dma_start3A_58] : memref<32x80x128xi32, #tpu.memory_space<hbm>> -> memref<1x40x128xi32, #tpu.memory_space<hbm>>
      %dma_start3A_60 = tpu.memref_squeeze %dma_start3A_59 : memref<1x40x128xi32, #tpu.memory_space<hbm>> -> memref<40x128xi32, #tpu.memory_space<hbm>>
      %dma_start3A_61 = arith.constant 0 : i32
      %dma_start3A_62 = arith.constant 0 : i32
      %dma_start3A_63 = tpu.memref_slice %arg3[%add3A, %dma_start3A_61, %dma_start3A_62] : memref<32x80x128xi32, #tpu.memory_space<hbm>> -> memref<1x40x128xi32, #tpu.memory_space<hbm>>
      %dma_start3A_64 = tpu.memref_squeeze %dma_start3A_63 : memref<1x40x128xi32, #tpu.memory_space<hbm>> -> memref<40x128xi32, #tpu.memory_space<hbm>>
      tpu.enqueue_dma source(%dma_start3A_64 : memref<40x128xi32, #tpu.memory_space<hbm>>) target(%arg6 : memref<40x128xi32, #tpu.memory_space<vmem>>) target_semaphore(%run_scoped3A : memref<!tpu.dma_semaphore, #tpu.memory_space<semaphore_mem>>)
      %dma_wait3A_65 = arith.constant 0 : i32
      %dma_wait3A_66 = arith.constant 0 : i32
      %dma_wait3A_67 = tpu.memref_slice %arg3[%add3A, %dma_wait3A_65, %dma_wait3A_66] : memref<32x80x128xi32, #tpu.memory_space<hbm>> -> memref<1x40x128xi32, #tpu.memory_space<hbm>>
      %dma_wait3A_68 = tpu.memref_squeeze %dma_wait3A_67 : memref<1x40x128xi32, #tpu.memory_space<hbm>> -> memref<40x128xi32, #tpu.memory_space<hbm>>
      %dma_wait3A_69 = arith.constant 0 : i32
      %dma_wait3A_70 = arith.constant 0 : i32
      %dma_wait3A_71 = tpu.memref_slice %arg3[%add3A, %dma_wait3A_69, %dma_wait3A_70] : memref<32x80x128xi32, #tpu.memory_space<hbm>> -> memref<1x40x128xi32, #tpu.memory_space<hbm>>
      %dma_wait3A_72 = tpu.memref_squeeze %dma_wait3A_71 : memref<1x40x128xi32, #tpu.memory_space<hbm>> -> memref<40x128xi32, #tpu.memory_space<hbm>>
      tpu.wait_dma2 semaphore(%run_scoped3A : memref<!tpu.dma_semaphore, #tpu.memory_space<semaphore_mem>>) src(%dma_wait3A_72 : memref<40x128xi32, #tpu.memory_space<hbm>>) dst(%arg6 : memref<40x128xi32, #tpu.memory_space<vmem>>)
      tpu.yield
    }) : () -> ()
    "tpu.region"() ({
      %run_scoped3A = tpu.sem_alloc : memref<!tpu.dma_semaphore, #tpu.memory_space<semaphore_mem>>
      %dma_start3A_57 = arith.constant 0 : i32
      %dma_start3A_58 = arith.constant 0 : i32
      %dma_start3A_59 = tpu.memref_slice %arg4[%add3A, %dma_start3A_57, %dma_start3A_58] : memref<32x80x128xi32, #tpu.memory_space<hbm>> -> memref<1x40x128xi32, #tpu.memory_space<hbm>>
      %dma_start3A_60 = tpu.memref_squeeze %dma_start3A_59 : memref<1x40x128xi32, #tpu.memory_space<hbm>> -> memref<40x128xi32, #tpu.memory_space<hbm>>
      %dma_start3A_61 = arith.constant 0 : i32
      %dma_start3A_62 = arith.constant 0 : i32
      %dma_start3A_63 = tpu.memref_slice %arg4[%add3A, %dma_start3A_61, %dma_start3A_62] : memref<32x80x128xi32, #tpu.memory_space<hbm>> -> memref<1x40x128xi32, #tpu.memory_space<hbm>>
      %dma_start3A_64 = tpu.memref_squeeze %dma_start3A_63 : memref<1x40x128xi32, #tpu.memory_space<hbm>> -> memref<40x128xi32, #tpu.memory_space<hbm>>
      tpu.enqueue_dma source(%dma_start3A_64 : memref<40x128xi32, #tpu.memory_space<hbm>>) target(%arg7 : memref<40x128xi32, #tpu.memory_space<vmem>>) target_semaphore(%run_scoped3A : memref<!tpu.dma_semaphore, #tpu.memory_space<semaphore_mem>>)
      %dma_wait3A_65 = arith.constant 0 : i32
      %dma_wait3A_66 = arith.constant 0 : i32
      %dma_wait3A_67 = tpu.memref_slice %arg4[%add3A, %dma_wait3A_65, %dma_wait3A_66] : memref<32x80x128xi32, #tpu.memory_space<hbm>> -> memref<1x40x128xi32, #tpu.memory_space<hbm>>
      %dma_wait3A_68 = tpu.memref_squeeze %dma_wait3A_67 : memref<1x40x128xi32, #tpu.memory_space<hbm>> -> memref<40x128xi32, #tpu.memory_space<hbm>>
      %dma_wait3A_69 = arith.constant 0 : i32
      %dma_wait3A_70 = arith.constant 0 : i32
      %dma_wait3A_71 = tpu.memref_slice %arg4[%add3A, %dma_wait3A_69, %dma_wait3A_70] : memref<32x80x128xi32, #tpu.memory_space<hbm>> -> memref<1x40x128xi32, #tpu.memory_space<hbm>>
      %dma_wait3A_72 = tpu.memref_squeeze %dma_wait3A_71 : memref<1x40x128xi32, #tpu.memory_space<hbm>> -> memref<40x128xi32, #tpu.memory_space<hbm>>
      tpu.wait_dma2 semaphore(%run_scoped3A : memref<!tpu.dma_semaphore, #tpu.memory_space<semaphore_mem>>) src(%dma_wait3A_72 : memref<40x128xi32, #tpu.memory_space<hbm>>) dst(%arg7 : memref<40x128xi32, #tpu.memory_space<vmem>>)
      tpu.yield
    }) : () -> ()
    %dma_start3A_8 = arith.constant 0 : i32
    %dma_start3A_9 = arith.constant 0 : i32
    %dma_start3A_10 = arith.constant 0 : i32
    %dma_start3A_11 = arith.constant 0 : i32
    %dma_start3A_12 = arith.constant 0 : i32
    %dma_start3A_13 = tpu.memref_slice %arg8[%dma_start3A_9, %dma_start3A_11, %dma_start3A_12] : memref<2x128x128xf32, #tpu.memory_space<vmem>> -> memref<1x128x128xf32, #tpu.memory_space<vmem>>
    %dma_start3A_14 = tpu.memref_squeeze %dma_start3A_13 : memref<1x128x128xf32, #tpu.memory_space<vmem>> -> memref<128x128xf32, #tpu.memory_space<vmem>>
    %dma_start3A_15 = arith.constant 0 : i32
    %dma_start3A_16 = tpu.memref_slice %arg6[%dma_start3A_8, %dma_start3A_15] : memref<40x128xi32, #tpu.memory_space<vmem>> -> memref<1x128xi32, #tpu.memory_space<vmem>>
    %dma_start3A_17 = tpu.memref_squeeze %dma_start3A_16 : memref<1x128xi32, #tpu.memory_space<vmem>> -> memref<128xi32, #tpu.memory_space<vmem>>
    %dma_start3A_18 = arith.constant 0 : i32
    %dma_start3A_19 = arith.constant 0 : i32
    %dma_start3A_20 = tpu.memref_slice %arg2[%dma_start3A_18, %dma_start3A_19] : memref<10240x128xf32, #tpu.memory_space<hbm>> -> memref<10240x128xf32, #tpu.memory_space<hbm>>
    %dma_start3A_21 = tpu.memref_slice %arg10[%dma_start3A_10] : memref<2x!tpu.dma_semaphore, #tpu.memory_space<semaphore_mem>> -> memref<1x!tpu.dma_semaphore, #tpu.memory_space<semaphore_mem>>
    %dma_start3A_22 = tpu.memref_squeeze %dma_start3A_21 : memref<1x!tpu.dma_semaphore, #tpu.memory_space<semaphore_mem>> -> memref<!tpu.dma_semaphore, #tpu.memory_space<semaphore_mem>>
    tpu.enqueue_indirect_dma source(%dma_start3A_20 : memref<10240x128xf32, #tpu.memory_space<hbm>>) target(%dma_start3A_14 : memref<128x128xf32, #tpu.memory_space<vmem>>) offsets(%dma_start3A_17 : memref<128xi32, #tpu.memory_space<vmem>>) semaphore(%dma_start3A_22 : memref<!tpu.dma_semaphore, #tpu.memory_space<semaphore_mem>>)
    %dma_wait3A = arith.constant 0 : i32
    %dma_wait3A_23 = tpu.memref_slice %arg9[%mul3A_4, %dma_wait3A] : memref<10240x128xf32, #tpu.memory_space<vmem_shared>> -> memref<640x128xf32, #tpu.memory_space<vmem_shared>>
    %dma_wait3A_24 = arith.constant 0 : i32
    %dma_wait3A_25 = tpu.memref_slice %arg2[%mul3A_2, %dma_wait3A_24] : memref<10240x128xf32, #tpu.memory_space<hbm>> -> memref<640x128xf32, #tpu.memory_space<hbm>>
    tpu.wait_dma2 semaphore(%arg11 : memref<!tpu.dma_semaphore, #tpu.memory_space<semaphore_mem>>) src(%dma_wait3A_25 : memref<640x128xf32, #tpu.memory_space<hbm>>) dst(%dma_wait3A_23 : memref<640x128xf32, #tpu.memory_space<vmem_shared>>)
    %barrier3A = arith.constant 0 : index
    tpu.barrier barrier_id(%barrier3A)
    %scan3A = arith.constant 0 : i32
    %scan3A_26 = arith.constant 0 : i32
    %scan3A_27 = arith.constant 20 : i32
    %scan3A_28 = arith.addi %scan3A_26, %scan3A_27 : i32
    %scan3A_29 = arith.constant 1 : i32
    scf.for %scan3A_57 = %scan3A_26 to %scan3A_28 step %scan3A_29  : i32 {
      %mul3A_58 = arith.constant 2 : i32
      %mul3A_59 = arith.muli %mul3A_58, %scan3A_57 : i32
      %mul3A_60 = arith.constant 2 : i32
      %mul3A_61 = arith.muli %mul3A_60, %scan3A_57 : i32
      %add3A_62 = arith.constant 1 : i32
      %add3A_63 = arith.addi %mul3A_61, %add3A_62 : i32
      %dma_start3A_64 = arith.constant 1 : i32
      %dma_start3A_65 = arith.constant 1 : i32
      %dma_start3A_66 = arith.constant 0 : i32
      %dma_start3A_67 = arith.constant 0 : i32
      %dma_start3A_68 = tpu.memref_slice %arg8[%dma_start3A_64, %dma_start3A_66, %dma_start3A_67] : memref<2x128x128xf32, #tpu.memory_space<vmem>> -> memref<1x128x128xf32, #tpu.memory_space<vmem>>
      %dma_start3A_69 = tpu.memref_squeeze %dma_start3A_68 : memref<1x128x128xf32, #tpu.memory_space<vmem>> -> memref<128x128xf32, #tpu.memory_space<vmem>>
      %dma_start3A_70 = arith.constant 0 : i32
      %dma_start3A_71 = tpu.memref_slice %arg6[%add3A_63, %dma_start3A_70] : memref<40x128xi32, #tpu.memory_space<vmem>> -> memref<1x128xi32, #tpu.memory_space<vmem>>
      %dma_start3A_72 = tpu.memref_squeeze %dma_start3A_71 : memref<1x128xi32, #tpu.memory_space<vmem>> -> memref<128xi32, #tpu.memory_space<vmem>>
      %dma_start3A_73 = arith.constant 0 : i32
      %dma_start3A_74 = arith.constant 0 : i32
      %dma_start3A_75 = tpu.memref_slice %arg2[%dma_start3A_73, %dma_start3A_74] : memref<10240x128xf32, #tpu.memory_space<hbm>> -> memref<10240x128xf32, #tpu.memory_space<hbm>>
      %dma_start3A_76 = tpu.memref_slice %arg10[%dma_start3A_65] : memref<2x!tpu.dma_semaphore, #tpu.memory_space<semaphore_mem>> -> memref<1x!tpu.dma_semaphore, #tpu.memory_space<semaphore_mem>>
      %dma_start3A_77 = tpu.memref_squeeze %dma_start3A_76 : memref<1x!tpu.dma_semaphore, #tpu.memory_space<semaphore_mem>> -> memref<!tpu.dma_semaphore, #tpu.memory_space<semaphore_mem>>
      tpu.enqueue_indirect_dma source(%dma_start3A_75 : memref<10240x128xf32, #tpu.memory_space<hbm>>) target(%dma_start3A_69 : memref<128x128xf32, #tpu.memory_space<vmem>>) offsets(%dma_start3A_72 : memref<128xi32, #tpu.memory_space<vmem>>) semaphore(%dma_start3A_77 : memref<!tpu.dma_semaphore, #tpu.memory_space<semaphore_mem>>)
      %dma_wait3A_78 = arith.constant 0 : i32
      %dma_wait3A_79 = arith.constant 0 : i32
      %dma_wait3A_80 = arith.constant 0 : i32
      %dma_wait3A_81 = arith.constant 0 : i32
      %dma_wait3A_82 = tpu.memref_slice %arg8[%dma_wait3A_78, %dma_wait3A_80, %dma_wait3A_81] : memref<2x128x128xf32, #tpu.memory_space<vmem>> -> memref<1x128x128xf32, #tpu.memory_space<vmem>>
      %dma_wait3A_83 = tpu.memref_squeeze %dma_wait3A_82 : memref<1x128x128xf32, #tpu.memory_space<vmem>> -> memref<128x128xf32, #tpu.memory_space<vmem>>
      %dma_wait3A_84 = arith.constant 0 : i32
      %dma_wait3A_85 = tpu.memref_slice %arg6[%mul3A_59, %dma_wait3A_84] : memref<40x128xi32, #tpu.memory_space<vmem>> -> memref<1x128xi32, #tpu.memory_space<vmem>>
      %dma_wait3A_86 = tpu.memref_squeeze %dma_wait3A_85 : memref<1x128xi32, #tpu.memory_space<vmem>> -> memref<128xi32, #tpu.memory_space<vmem>>
      %dma_wait3A_87 = arith.constant 0 : i32
      %dma_wait3A_88 = arith.constant 0 : i32
      %dma_wait3A_89 = tpu.memref_slice %arg2[%dma_wait3A_87, %dma_wait3A_88] : memref<10240x128xf32, #tpu.memory_space<hbm>> -> memref<10240x128xf32, #tpu.memory_space<hbm>>
      %dma_wait3A_90 = tpu.memref_slice %arg10[%dma_wait3A_79] : memref<2x!tpu.dma_semaphore, #tpu.memory_space<semaphore_mem>> -> memref<1x!tpu.dma_semaphore, #tpu.memory_space<semaphore_mem>>
      %dma_wait3A_91 = tpu.memref_squeeze %dma_wait3A_90 : memref<1x!tpu.dma_semaphore, #tpu.memory_space<semaphore_mem>> -> memref<!tpu.dma_semaphore, #tpu.memory_space<semaphore_mem>>
      tpu.wait_indirect_dma semaphore(%dma_wait3A_91 : memref<!tpu.dma_semaphore, #tpu.memory_space<semaphore_mem>>) src(%dma_wait3A_89 : memref<10240x128xf32, #tpu.memory_space<hbm>>) dst(%dma_wait3A_83 : memref<128x128xf32, #tpu.memory_space<vmem>>)
      %run_scoped3A = arith.constant 0 : i32
      "tpu.region"() ({
        %run_scoped3A_111 = tpu.sem_alloc : memref<!tpu.dma_semaphore, #tpu.memory_space<semaphore_mem>>
        %dma_start3A_112 = arith.constant 0 : i32
        %dma_start3A_113 = arith.constant 0 : i32
        %dma_start3A_114 = tpu.memref_slice %arg8[%run_scoped3A, %dma_start3A_112, %dma_start3A_113] : memref<2x128x128xf32, #tpu.memory_space<vmem>> -> memref<1x128x128xf32, #tpu.memory_space<vmem>>
        %dma_start3A_115 = tpu.memref_squeeze %dma_start3A_114 : memref<1x128x128xf32, #tpu.memory_space<vmem>> -> memref<128x128xf32, #tpu.memory_space<vmem>>
        %dma_start3A_116 = arith.constant 0 : i32
        %dma_start3A_117 = tpu.memref_slice %arg7[%mul3A_59, %dma_start3A_116] : memref<40x128xi32, #tpu.memory_space<vmem>> -> memref<1x128xi32, #tpu.memory_space<vmem>>
        %dma_start3A_118 = tpu.memref_squeeze %dma_start3A_117 : memref<1x128xi32, #tpu.memory_space<vmem>> -> memref<128xi32, #tpu.memory_space<vmem>>
        %dma_start3A_119 = arith.constant 0 : i32
        %dma_start3A_120 = arith.constant 0 : i32
        %dma_start3A_121 = tpu.memref_slice %arg9[%dma_start3A_119, %dma_start3A_120] : memref<10240x128xf32, #tpu.memory_space<vmem_shared>> -> memref<10240x128xf32, #tpu.memory_space<vmem_shared>>
        tpu.enqueue_indirect_dma source(%dma_start3A_115 : memref<128x128xf32, #tpu.memory_space<vmem>>) target(%dma_start3A_121 : memref<10240x128xf32, #tpu.memory_space<vmem_shared>>) offsets(%dma_start3A_118 : memref<128xi32, #tpu.memory_space<vmem>>) semaphore(%run_scoped3A_111 : memref<!tpu.dma_semaphore, #tpu.memory_space<semaphore_mem>>) {add = true}
        %dma_wait3A_122 = arith.constant 0 : i32
        %dma_wait3A_123 = arith.constant 0 : i32
        %dma_wait3A_124 = tpu.memref_slice %arg8[%run_scoped3A, %dma_wait3A_122, %dma_wait3A_123] : memref<2x128x128xf32, #tpu.memory_space<vmem>> -> memref<1x128x128xf32, #tpu.memory_space<vmem>>
        %dma_wait3A_125 = tpu.memref_squeeze %dma_wait3A_124 : memref<1x128x128xf32, #tpu.memory_space<vmem>> -> memref<128x128xf32, #tpu.memory_space<vmem>>
        %dma_wait3A_126 = arith.constant 0 : i32
        %dma_wait3A_127 = tpu.memref_slice %arg7[%mul3A_59, %dma_wait3A_126] : memref<40x128xi32, #tpu.memory_space<vmem>> -> memref<1x128xi32, #tpu.memory_space<vmem>>
        %dma_wait3A_128 = tpu.memref_squeeze %dma_wait3A_127 : memref<1x128xi32, #tpu.memory_space<vmem>> -> memref<128xi32, #tpu.memory_space<vmem>>
        %dma_wait3A_129 = arith.constant 0 : i32
        %dma_wait3A_130 = arith.constant 0 : i32
        %dma_wait3A_131 = tpu.memref_slice %arg9[%dma_wait3A_129, %dma_wait3A_130] : memref<10240x128xf32, #tpu.memory_space<vmem_shared>> -> memref<10240x128xf32, #tpu.memory_space<vmem_shared>>
        tpu.wait_indirect_dma semaphore(%run_scoped3A_111 : memref<!tpu.dma_semaphore, #tpu.memory_space<semaphore_mem>>) src(%dma_wait3A_125 : memref<128x128xf32, #tpu.memory_space<vmem>>) dst(%dma_wait3A_131 : memref<10240x128xf32, #tpu.memory_space<vmem_shared>>)
        tpu.yield
      }) : () -> ()
      %add3A_92 = arith.constant 1 : i32
      %add3A_93 = arith.addi %add3A_63, %add3A_92 : i32
      %lt3A = arith.constant 40 : i32
      %lt3A_94 = arith.cmpi slt, %add3A_93, %lt3A : i32
      %convert_element_type3A = arith.extui %lt3A_94 : i1 to i32
      %cond3A = arith.constant 0 : i32
      %cond3A_95 = arith.cmpi ne, %convert_element_type3A, %cond3A : i32
      scf.if %cond3A_95 {
        %add3A_111 = arith.constant 1 : i32
        %add3A_112 = arith.addi %add3A_63, %add3A_111 : i32
        %dma_start3A_113 = arith.constant 0 : i32
        %dma_start3A_114 = arith.constant 0 : i32
        %dma_start3A_115 = arith.constant 0 : i32
        %dma_start3A_116 = arith.constant 0 : i32
        %dma_start3A_117 = tpu.memref_slice %arg8[%dma_start3A_113, %dma_start3A_115, %dma_start3A_116] : memref<2x128x128xf32, #tpu.memory_space<vmem>> -> memref<1x128x128xf32, #tpu.memory_space<vmem>>
        %dma_start3A_118 = tpu.memref_squeeze %dma_start3A_117 : memref<1x128x128xf32, #tpu.memory_space<vmem>> -> memref<128x128xf32, #tpu.memory_space<vmem>>
        %dma_start3A_119 = arith.constant 0 : i32
        %dma_start3A_120 = tpu.memref_slice %arg6[%add3A_112, %dma_start3A_119] : memref<40x128xi32, #tpu.memory_space<vmem>> -> memref<1x128xi32, #tpu.memory_space<vmem>>
        %dma_start3A_121 = tpu.memref_squeeze %dma_start3A_120 : memref<1x128xi32, #tpu.memory_space<vmem>> -> memref<128xi32, #tpu.memory_space<vmem>>
        %dma_start3A_122 = arith.constant 0 : i32
        %dma_start3A_123 = arith.constant 0 : i32
        %dma_start3A_124 = tpu.memref_slice %arg2[%dma_start3A_122, %dma_start3A_123] : memref<10240x128xf32, #tpu.memory_space<hbm>> -> memref<10240x128xf32, #tpu.memory_space<hbm>>
        %dma_start3A_125 = tpu.memref_slice %arg10[%dma_start3A_114] : memref<2x!tpu.dma_semaphore, #tpu.memory_space<semaphore_mem>> -> memref<1x!tpu.dma_semaphore, #tpu.memory_space<semaphore_mem>>
        %dma_start3A_126 = tpu.memref_squeeze %dma_start3A_125 : memref<1x!tpu.dma_semaphore, #tpu.memory_space<semaphore_mem>> -> memref<!tpu.dma_semaphore, #tpu.memory_space<semaphore_mem>>
        tpu.enqueue_indirect_dma source(%dma_start3A_124 : memref<10240x128xf32, #tpu.memory_space<hbm>>) target(%dma_start3A_118 : memref<128x128xf32, #tpu.memory_space<vmem>>) offsets(%dma_start3A_121 : memref<128xi32, #tpu.memory_space<vmem>>) semaphore(%dma_start3A_126 : memref<!tpu.dma_semaphore, #tpu.memory_space<semaphore_mem>>)
      } else {
      }
      %dma_wait3A_96 = arith.constant 1 : i32
      %dma_wait3A_97 = arith.constant 1 : i32
      %dma_wait3A_98 = arith.constant 0 : i32
      %dma_wait3A_99 = arith.constant 0 : i32
      %dma_wait3A_100 = tpu.memref_slice %arg8[%dma_wait3A_96, %dma_wait3A_98, %dma_wait3A_99] : memref<2x128x128xf32, #tpu.memory_space<vmem>> -> memref<1x128x128xf32, #tpu.memory_space<vmem>>
      %dma_wait3A_101 = tpu.memref_squeeze %dma_wait3A_100 : memref<1x128x128xf32, #tpu.memory_space<vmem>> -> memref<128x128xf32, #tpu.memory_space<vmem>>
      %dma_wait3A_102 = arith.constant 0 : i32
      %dma_wait3A_103 = tpu.memref_slice %arg6[%add3A_63, %dma_wait3A_102] : memref<40x128xi32, #tpu.memory_space<vmem>> -> memref<1x128xi32, #tpu.memory_space<vmem>>
      %dma_wait3A_104 = tpu.memref_squeeze %dma_wait3A_103 : memref<1x128xi32, #tpu.memory_space<vmem>> -> memref<128xi32, #tpu.memory_space<vmem>>
      %dma_wait3A_105 = arith.constant 0 : i32
      %dma_wait3A_106 = arith.constant 0 : i32
      %dma_wait3A_107 = tpu.memref_slice %arg2[%dma_wait3A_105, %dma_wait3A_106] : memref<10240x128xf32, #tpu.memory_space<hbm>> -> memref<10240x128xf32, #tpu.memory_space<hbm>>
      %dma_wait3A_108 = tpu.memref_slice %arg10[%dma_wait3A_97] : memref<2x!tpu.dma_semaphore, #tpu.memory_space<semaphore_mem>> -> memref<1x!tpu.dma_semaphore, #tpu.memory_space<semaphore_mem>>
      %dma_wait3A_109 = tpu.memref_squeeze %dma_wait3A_108 : memref<1x!tpu.dma_semaphore, #tpu.memory_space<semaphore_mem>> -> memref<!tpu.dma_semaphore, #tpu.memory_space<semaphore_mem>>
      tpu.wait_indirect_dma semaphore(%dma_wait3A_109 : memref<!tpu.dma_semaphore, #tpu.memory_space<semaphore_mem>>) src(%dma_wait3A_107 : memref<10240x128xf32, #tpu.memory_space<hbm>>) dst(%dma_wait3A_101 : memref<128x128xf32, #tpu.memory_space<vmem>>)
      %run_scoped3A_110 = arith.constant 1 : i32
      "tpu.region"() ({
        %run_scoped3A_111 = tpu.sem_alloc : memref<!tpu.dma_semaphore, #tpu.memory_space<semaphore_mem>>
        %dma_start3A_112 = arith.constant 0 : i32
        %dma_start3A_113 = arith.constant 0 : i32
        %dma_start3A_114 = tpu.memref_slice %arg8[%run_scoped3A_110, %dma_start3A_112, %dma_start3A_113] : memref<2x128x128xf32, #tpu.memory_space<vmem>> -> memref<1x128x128xf32, #tpu.memory_space<vmem>>
        %dma_start3A_115 = tpu.memref_squeeze %dma_start3A_114 : memref<1x128x128xf32, #tpu.memory_space<vmem>> -> memref<128x128xf32, #tpu.memory_space<vmem>>
        %dma_start3A_116 = arith.constant 0 : i32
        %dma_start3A_117 = tpu.memref_slice %arg7[%add3A_63, %dma_start3A_116] : memref<40x128xi32, #tpu.memory_space<vmem>> -> memref<1x128xi32, #tpu.memory_space<vmem>>
        %dma_start3A_118 = tpu.memref_squeeze %dma_start3A_117 : memref<1x128xi32, #tpu.memory_space<vmem>> -> memref<128xi32, #tpu.memory_space<vmem>>
        %dma_start3A_119 = arith.constant 0 : i32
        %dma_start3A_120 = arith.constant 0 : i32
        %dma_start3A_121 = tpu.memref_slice %arg9[%dma_start3A_119, %dma_start3A_120] : memref<10240x128xf32, #tpu.memory_space<vmem_shared>> -> memref<10240x128xf32, #tpu.memory_space<vmem_shared>>
        tpu.enqueue_indirect_dma source(%dma_start3A_115 : memref<128x128xf32, #tpu.memory_space<vmem>>) target(%dma_start3A_121 : memref<10240x128xf32, #tpu.memory_space<vmem_shared>>) offsets(%dma_start3A_118 : memref<128xi32, #tpu.memory_space<vmem>>) semaphore(%run_scoped3A_111 : memref<!tpu.dma_semaphore, #tpu.memory_space<semaphore_mem>>) {add = true}
        %dma_wait3A_122 = arith.constant 0 : i32
        %dma_wait3A_123 = arith.constant 0 : i32
        %dma_wait3A_124 = tpu.memref_slice %arg8[%run_scoped3A_110, %dma_wait3A_122, %dma_wait3A_123] : memref<2x128x128xf32, #tpu.memory_space<vmem>> -> memref<1x128x128xf32, #tpu.memory_space<vmem>>
        %dma_wait3A_125 = tpu.memref_squeeze %dma_wait3A_124 : memref<1x128x128xf32, #tpu.memory_space<vmem>> -> memref<128x128xf32, #tpu.memory_space<vmem>>
        %dma_wait3A_126 = arith.constant 0 : i32
        %dma_wait3A_127 = tpu.memref_slice %arg7[%add3A_63, %dma_wait3A_126] : memref<40x128xi32, #tpu.memory_space<vmem>> -> memref<1x128xi32, #tpu.memory_space<vmem>>
        %dma_wait3A_128 = tpu.memref_squeeze %dma_wait3A_127 : memref<1x128xi32, #tpu.memory_space<vmem>> -> memref<128xi32, #tpu.memory_space<vmem>>
        %dma_wait3A_129 = arith.constant 0 : i32
        %dma_wait3A_130 = arith.constant 0 : i32
        %dma_wait3A_131 = tpu.memref_slice %arg9[%dma_wait3A_129, %dma_wait3A_130] : memref<10240x128xf32, #tpu.memory_space<vmem_shared>> -> memref<10240x128xf32, #tpu.memory_space<vmem_shared>>
        tpu.wait_indirect_dma semaphore(%run_scoped3A_111 : memref<!tpu.dma_semaphore, #tpu.memory_space<semaphore_mem>>) src(%dma_wait3A_125 : memref<128x128xf32, #tpu.memory_space<vmem>>) dst(%dma_wait3A_131 : memref<10240x128xf32, #tpu.memory_space<vmem_shared>>)
        tpu.yield
      }) : () -> ()
    }
    %scan3A_30 = arith.constant 20 : i32
    "tpu.region"() ({
      %run_scoped3A = tpu.sem_alloc : memref<!tpu.dma_semaphore, #tpu.memory_space<semaphore_mem>>
      %dma_start3A_57 = arith.constant 40 : i32
      %dma_start3A_58 = arith.constant 0 : i32
      %dma_start3A_59 = tpu.memref_slice %arg3[%add3A, %dma_start3A_57, %dma_start3A_58] : memref<32x80x128xi32, #tpu.memory_space<hbm>> -> memref<1x40x128xi32, #tpu.memory_space<hbm>>
      %dma_start3A_60 = tpu.memref_squeeze %dma_start3A_59 : memref<1x40x128xi32, #tpu.memory_space<hbm>> -> memref<40x128xi32, #tpu.memory_space<hbm>>
      %dma_start3A_61 = arith.constant 40 : i32
      %dma_start3A_62 = arith.constant 0 : i32
      %dma_start3A_63 = tpu.memref_slice %arg3[%add3A, %dma_start3A_61, %dma_start3A_62] : memref<32x80x128xi32, #tpu.memory_space<hbm>> -> memref<1x40x128xi32, #tpu.memory_space<hbm>>
      %dma_start3A_64 = tpu.memref_squeeze %dma_start3A_63 : memref<1x40x128xi32, #tpu.memory_space<hbm>> -> memref<40x128xi32, #tpu.memory_space<hbm>>
      tpu.enqueue_dma source(%dma_start3A_64 : memref<40x128xi32, #tpu.memory_space<hbm>>) target(%arg6 : memref<40x128xi32, #tpu.memory_space<vmem>>) target_semaphore(%run_scoped3A : memref<!tpu.dma_semaphore, #tpu.memory_space<semaphore_mem>>)
      %dma_wait3A_65 = arith.constant 40 : i32
      %dma_wait3A_66 = arith.constant 0 : i32
      %dma_wait3A_67 = tpu.memref_slice %arg3[%add3A, %dma_wait3A_65, %dma_wait3A_66] : memref<32x80x128xi32, #tpu.memory_space<hbm>> -> memref<1x40x128xi32, #tpu.memory_space<hbm>>
      %dma_wait3A_68 = tpu.memref_squeeze %dma_wait3A_67 : memref<1x40x128xi32, #tpu.memory_space<hbm>> -> memref<40x128xi32, #tpu.memory_space<hbm>>
      %dma_wait3A_69 = arith.constant 40 : i32
      %dma_wait3A_70 = arith.constant 0 : i32
      %dma_wait3A_71 = tpu.memref_slice %arg3[%add3A, %dma_wait3A_69, %dma_wait3A_70] : memref<32x80x128xi32, #tpu.memory_space<hbm>> -> memref<1x40x128xi32, #tpu.memory_space<hbm>>
      %dma_wait3A_72 = tpu.memref_squeeze %dma_wait3A_71 : memref<1x40x128xi32, #tpu.memory_space<hbm>> -> memref<40x128xi32, #tpu.memory_space<hbm>>
      tpu.wait_dma2 semaphore(%run_scoped3A : memref<!tpu.dma_semaphore, #tpu.memory_space<semaphore_mem>>) src(%dma_wait3A_72 : memref<40x128xi32, #tpu.memory_space<hbm>>) dst(%arg6 : memref<40x128xi32, #tpu.memory_space<vmem>>)
      tpu.yield
    }) : () -> ()
    "tpu.region"() ({
      %run_scoped3A = tpu.sem_alloc : memref<!tpu.dma_semaphore, #tpu.memory_space<semaphore_mem>>
      %dma_start3A_57 = arith.constant 40 : i32
      %dma_start3A_58 = arith.constant 0 : i32
      %dma_start3A_59 = tpu.memref_slice %arg4[%add3A, %dma_start3A_57, %dma_start3A_58] : memref<32x80x128xi32, #tpu.memory_space<hbm>> -> memref<1x40x128xi32, #tpu.memory_space<hbm>>
      %dma_start3A_60 = tpu.memref_squeeze %dma_start3A_59 : memref<1x40x128xi32, #tpu.memory_space<hbm>> -> memref<40x128xi32, #tpu.memory_space<hbm>>
      %dma_start3A_61 = arith.constant 40 : i32
      %dma_start3A_62 = arith.constant 0 : i32
      %dma_start3A_63 = tpu.memref_slice %arg4[%add3A, %dma_start3A_61, %dma_start3A_62] : memref<32x80x128xi32, #tpu.memory_space<hbm>> -> memref<1x40x128xi32, #tpu.memory_space<hbm>>
      %dma_start3A_64 = tpu.memref_squeeze %dma_start3A_63 : memref<1x40x128xi32, #tpu.memory_space<hbm>> -> memref<40x128xi32, #tpu.memory_space<hbm>>
      tpu.enqueue_dma source(%dma_start3A_64 : memref<40x128xi32, #tpu.memory_space<hbm>>) target(%arg7 : memref<40x128xi32, #tpu.memory_space<vmem>>) target_semaphore(%run_scoped3A : memref<!tpu.dma_semaphore, #tpu.memory_space<semaphore_mem>>)
      %dma_wait3A_65 = arith.constant 40 : i32
      %dma_wait3A_66 = arith.constant 0 : i32
      %dma_wait3A_67 = tpu.memref_slice %arg4[%add3A, %dma_wait3A_65, %dma_wait3A_66] : memref<32x80x128xi32, #tpu.memory_space<hbm>> -> memref<1x40x128xi32, #tpu.memory_space<hbm>>
      %dma_wait3A_68 = tpu.memref_squeeze %dma_wait3A_67 : memref<1x40x128xi32, #tpu.memory_space<hbm>> -> memref<40x128xi32, #tpu.memory_space<hbm>>
      %dma_wait3A_69 = arith.constant 40 : i32
      %dma_wait3A_70 = arith.constant 0 : i32
      %dma_wait3A_71 = tpu.memref_slice %arg4[%add3A, %dma_wait3A_69, %dma_wait3A_70] : memref<32x80x128xi32, #tpu.memory_space<hbm>> -> memref<1x40x128xi32, #tpu.memory_space<hbm>>
      %dma_wait3A_72 = tpu.memref_squeeze %dma_wait3A_71 : memref<1x40x128xi32, #tpu.memory_space<hbm>> -> memref<40x128xi32, #tpu.memory_space<hbm>>
      tpu.wait_dma2 semaphore(%run_scoped3A : memref<!tpu.dma_semaphore, #tpu.memory_space<semaphore_mem>>) src(%dma_wait3A_72 : memref<40x128xi32, #tpu.memory_space<hbm>>) dst(%arg7 : memref<40x128xi32, #tpu.memory_space<vmem>>)
      tpu.yield
    }) : () -> ()
    %dma_start3A_31 = arith.constant 0 : i32
    %dma_start3A_32 = arith.constant 0 : i32
    %dma_start3A_33 = arith.constant 0 : i32
    %dma_start3A_34 = arith.constant 0 : i32
    %dma_start3A_35 = arith.constant 0 : i32
    %dma_start3A_36 = tpu.memref_slice %arg8[%dma_start3A_32, %dma_start3A_34, %dma_start3A_35] : memref<2x128x128xf32, #tpu.memory_space<vmem>> -> memref<1x128x128xf32, #tpu.memory_space<vmem>>
    %dma_start3A_37 = tpu.memref_squeeze %dma_start3A_36 : memref<1x128x128xf32, #tpu.memory_space<vmem>> -> memref<128x128xf32, #tpu.memory_space<vmem>>
    %dma_start3A_38 = arith.constant 0 : i32
    %dma_start3A_39 = tpu.memref_slice %arg6[%dma_start3A_31, %dma_start3A_38] : memref<40x128xi32, #tpu.memory_space<vmem>> -> memref<1x128xi32, #tpu.memory_space<vmem>>
    %dma_start3A_40 = tpu.memref_squeeze %dma_start3A_39 : memref<1x128xi32, #tpu.memory_space<vmem>> -> memref<128xi32, #tpu.memory_space<vmem>>
    %dma_start3A_41 = arith.constant 0 : i32
    %dma_start3A_42 = arith.constant 0 : i32
    %dma_start3A_43 = tpu.memref_slice %arg2[%dma_start3A_41, %dma_start3A_42] : memref<10240x128xf32, #tpu.memory_space<hbm>> -> memref<10240x128xf32, #tpu.memory_space<hbm>>
    %dma_start3A_44 = tpu.memref_slice %arg10[%dma_start3A_33] : memref<2x!tpu.dma_semaphore, #tpu.memory_space<semaphore_mem>> -> memref<1x!tpu.dma_semaphore, #tpu.memory_space<semaphore_mem>>
    %dma_start3A_45 = tpu.memref_squeeze %dma_start3A_44 : memref<1x!tpu.dma_semaphore, #tpu.memory_space<semaphore_mem>> -> memref<!tpu.dma_semaphore, #tpu.memory_space<semaphore_mem>>
    tpu.enqueue_indirect_dma source(%dma_start3A_43 : memref<10240x128xf32, #tpu.memory_space<hbm>>) target(%dma_start3A_37 : memref<128x128xf32, #tpu.memory_space<vmem>>) offsets(%dma_start3A_40 : memref<128xi32, #tpu.memory_space<vmem>>) semaphore(%dma_start3A_45 : memref<!tpu.dma_semaphore, #tpu.memory_space<semaphore_mem>>)
    %scan3A_46 = arith.constant 0 : i32
    %scan3A_47 = arith.constant 0 : i32
    %scan3A_48 = arith.constant 20 : i32
    %scan3A_49 = arith.addi %scan3A_47, %scan3A_48 : i32
    %scan3A_50 = arith.constant 1 : i32
    scf.for %scan3A_57 = %scan3A_47 to %scan3A_49 step %scan3A_50  : i32 {
      %mul3A_58 = arith.constant 2 : i32
      %mul3A_59 = arith.muli %mul3A_58, %scan3A_57 : i32
      %mul3A_60 = arith.constant 2 : i32
      %mul3A_61 = arith.muli %mul3A_60, %scan3A_57 : i32
      %add3A_62 = arith.constant 1 : i32
      %add3A_63 = arith.addi %mul3A_61, %add3A_62 : i32
      %dma_start3A_64 = arith.constant 1 : i32
      %dma_start3A_65 = arith.constant 1 : i32
      %dma_start3A_66 = arith.constant 0 : i32
      %dma_start3A_67 = arith.constant 0 : i32
      %dma_start3A_68 = tpu.memref_slice %arg8[%dma_start3A_64, %dma_start3A_66, %dma_start3A_67] : memref<2x128x128xf32, #tpu.memory_space<vmem>> -> memref<1x128x128xf32, #tpu.memory_space<vmem>>
      %dma_start3A_69 = tpu.memref_squeeze %dma_start3A_68 : memref<1x128x128xf32, #tpu.memory_space<vmem>> -> memref<128x128xf32, #tpu.memory_space<vmem>>
      %dma_start3A_70 = arith.constant 0 : i32
      %dma_start3A_71 = tpu.memref_slice %arg6[%add3A_63, %dma_start3A_70] : memref<40x128xi32, #tpu.memory_space<vmem>> -> memref<1x128xi32, #tpu.memory_space<vmem>>
      %dma_start3A_72 = tpu.memref_squeeze %dma_start3A_71 : memref<1x128xi32, #tpu.memory_space<vmem>> -> memref<128xi32, #tpu.memory_space<vmem>>
      %dma_start3A_73 = arith.constant 0 : i32
      %dma_start3A_74 = arith.constant 0 : i32
      %dma_start3A_75 = tpu.memref_slice %arg2[%dma_start3A_73, %dma_start3A_74] : memref<10240x128xf32, #tpu.memory_space<hbm>> -> memref<10240x128xf32, #tpu.memory_space<hbm>>
      %dma_start3A_76 = tpu.memref_slice %arg10[%dma_start3A_65] : memref<2x!tpu.dma_semaphore, #tpu.memory_space<semaphore_mem>> -> memref<1x!tpu.dma_semaphore, #tpu.memory_space<semaphore_mem>>
      %dma_start3A_77 = tpu.memref_squeeze %dma_start3A_76 : memref<1x!tpu.dma_semaphore, #tpu.memory_space<semaphore_mem>> -> memref<!tpu.dma_semaphore, #tpu.memory_space<semaphore_mem>>
      tpu.enqueue_indirect_dma source(%dma_start3A_75 : memref<10240x128xf32, #tpu.memory_space<hbm>>) target(%dma_start3A_69 : memref<128x128xf32, #tpu.memory_space<vmem>>) offsets(%dma_start3A_72 : memref<128xi32, #tpu.memory_space<vmem>>) semaphore(%dma_start3A_77 : memref<!tpu.dma_semaphore, #tpu.memory_space<semaphore_mem>>)
      %dma_wait3A_78 = arith.constant 0 : i32
      %dma_wait3A_79 = arith.constant 0 : i32
      %dma_wait3A_80 = arith.constant 0 : i32
      %dma_wait3A_81 = arith.constant 0 : i32
      %dma_wait3A_82 = tpu.memref_slice %arg8[%dma_wait3A_78, %dma_wait3A_80, %dma_wait3A_81] : memref<2x128x128xf32, #tpu.memory_space<vmem>> -> memref<1x128x128xf32, #tpu.memory_space<vmem>>
      %dma_wait3A_83 = tpu.memref_squeeze %dma_wait3A_82 : memref<1x128x128xf32, #tpu.memory_space<vmem>> -> memref<128x128xf32, #tpu.memory_space<vmem>>
      %dma_wait3A_84 = arith.constant 0 : i32
      %dma_wait3A_85 = tpu.memref_slice %arg6[%mul3A_59, %dma_wait3A_84] : memref<40x128xi32, #tpu.memory_space<vmem>> -> memref<1x128xi32, #tpu.memory_space<vmem>>
      %dma_wait3A_86 = tpu.memref_squeeze %dma_wait3A_85 : memref<1x128xi32, #tpu.memory_space<vmem>> -> memref<128xi32, #tpu.memory_space<vmem>>
      %dma_wait3A_87 = arith.constant 0 : i32
      %dma_wait3A_88 = arith.constant 0 : i32
      %dma_wait3A_89 = tpu.memref_slice %arg2[%dma_wait3A_87, %dma_wait3A_88] : memref<10240x128xf32, #tpu.memory_space<hbm>> -> memref<10240x128xf32, #tpu.memory_space<hbm>>
      %dma_wait3A_90 = tpu.memref_slice %arg10[%dma_wait3A_79] : memref<2x!tpu.dma_semaphore, #tpu.memory_space<semaphore_mem>> -> memref<1x!tpu.dma_semaphore, #tpu.memory_space<semaphore_mem>>
      %dma_wait3A_91 = tpu.memref_squeeze %dma_wait3A_90 : memref<1x!tpu.dma_semaphore, #tpu.memory_space<semaphore_mem>> -> memref<!tpu.dma_semaphore, #tpu.memory_space<semaphore_mem>>
      tpu.wait_indirect_dma semaphore(%dma_wait3A_91 : memref<!tpu.dma_semaphore, #tpu.memory_space<semaphore_mem>>) src(%dma_wait3A_89 : memref<10240x128xf32, #tpu.memory_space<hbm>>) dst(%dma_wait3A_83 : memref<128x128xf32, #tpu.memory_space<vmem>>)
      %run_scoped3A = arith.constant 0 : i32
      "tpu.region"() ({
        %run_scoped3A_111 = tpu.sem_alloc : memref<!tpu.dma_semaphore, #tpu.memory_space<semaphore_mem>>
        %dma_start3A_112 = arith.constant 0 : i32
        %dma_start3A_113 = arith.constant 0 : i32
        %dma_start3A_114 = tpu.memref_slice %arg8[%run_scoped3A, %dma_start3A_112, %dma_start3A_113] : memref<2x128x128xf32, #tpu.memory_space<vmem>> -> memref<1x128x128xf32, #tpu.memory_space<vmem>>
        %dma_start3A_115 = tpu.memref_squeeze %dma_start3A_114 : memref<1x128x128xf32, #tpu.memory_space<vmem>> -> memref<128x128xf32, #tpu.memory_space<vmem>>
        %dma_start3A_116 = arith.constant 0 : i32
        %dma_start3A_117 = tpu.memref_slice %arg7[%mul3A_59, %dma_start3A_116] : memref<40x128xi32, #tpu.memory_space<vmem>> -> memref<1x128xi32, #tpu.memory_space<vmem>>
        %dma_start3A_118 = tpu.memref_squeeze %dma_start3A_117 : memref<1x128xi32, #tpu.memory_space<vmem>> -> memref<128xi32, #tpu.memory_space<vmem>>
        %dma_start3A_119 = arith.constant 0 : i32
        %dma_start3A_120 = arith.constant 0 : i32
        %dma_start3A_121 = tpu.memref_slice %arg9[%dma_start3A_119, %dma_start3A_120] : memref<10240x128xf32, #tpu.memory_space<vmem_shared>> -> memref<10240x128xf32, #tpu.memory_space<vmem_shared>>
        tpu.enqueue_indirect_dma source(%dma_start3A_115 : memref<128x128xf32, #tpu.memory_space<vmem>>) target(%dma_start3A_121 : memref<10240x128xf32, #tpu.memory_space<vmem_shared>>) offsets(%dma_start3A_118 : memref<128xi32, #tpu.memory_space<vmem>>) semaphore(%run_scoped3A_111 : memref<!tpu.dma_semaphore, #tpu.memory_space<semaphore_mem>>) {add = true}
        %dma_wait3A_122 = arith.constant 0 : i32
        %dma_wait3A_123 = arith.constant 0 : i32
        %dma_wait3A_124 = tpu.memref_slice %arg8[%run_scoped3A, %dma_wait3A_122, %dma_wait3A_123] : memref<2x128x128xf32, #tpu.memory_space<vmem>> -> memref<1x128x128xf32, #tpu.memory_space<vmem>>
        %dma_wait3A_125 = tpu.memref_squeeze %dma_wait3A_124 : memref<1x128x128xf32, #tpu.memory_space<vmem>> -> memref<128x128xf32, #tpu.memory_space<vmem>>
        %dma_wait3A_126 = arith.constant 0 : i32
        %dma_wait3A_127 = tpu.memref_slice %arg7[%mul3A_59, %dma_wait3A_126] : memref<40x128xi32, #tpu.memory_space<vmem>> -> memref<1x128xi32, #tpu.memory_space<vmem>>
        %dma_wait3A_128 = tpu.memref_squeeze %dma_wait3A_127 : memref<1x128xi32, #tpu.memory_space<vmem>> -> memref<128xi32, #tpu.memory_space<vmem>>
        %dma_wait3A_129 = arith.constant 0 : i32
        %dma_wait3A_130 = arith.constant 0 : i32
        %dma_wait3A_131 = tpu.memref_slice %arg9[%dma_wait3A_129, %dma_wait3A_130] : memref<10240x128xf32, #tpu.memory_space<vmem_shared>> -> memref<10240x128xf32, #tpu.memory_space<vmem_shared>>
        tpu.wait_indirect_dma semaphore(%run_scoped3A_111 : memref<!tpu.dma_semaphore, #tpu.memory_space<semaphore_mem>>) src(%dma_wait3A_125 : memref<128x128xf32, #tpu.memory_space<vmem>>) dst(%dma_wait3A_131 : memref<10240x128xf32, #tpu.memory_space<vmem_shared>>)
        tpu.yield
      }) : () -> ()
      %add3A_92 = arith.constant 1 : i32
      %add3A_93 = arith.addi %add3A_63, %add3A_92 : i32
      %lt3A = arith.constant 40 : i32
      %lt3A_94 = arith.cmpi slt, %add3A_93, %lt3A : i32
      %convert_element_type3A = arith.extui %lt3A_94 : i1 to i32
      %cond3A = arith.constant 0 : i32
      %cond3A_95 = arith.cmpi ne, %convert_element_type3A, %cond3A : i32
      scf.if %cond3A_95 {
        %add3A_111 = arith.constant 1 : i32
        %add3A_112 = arith.addi %add3A_63, %add3A_111 : i32
        %dma_start3A_113 = arith.constant 0 : i32
        %dma_start3A_114 = arith.constant 0 : i32
        %dma_start3A_115 = arith.constant 0 : i32
        %dma_start3A_116 = arith.constant 0 : i32
        %dma_start3A_117 = tpu.memref_slice %arg8[%dma_start3A_113, %dma_start3A_115, %dma_start3A_116] : memref<2x128x128xf32, #tpu.memory_space<vmem>> -> memref<1x128x128xf32, #tpu.memory_space<vmem>>
        %dma_start3A_118 = tpu.memref_squeeze %dma_start3A_117 : memref<1x128x128xf32, #tpu.memory_space<vmem>> -> memref<128x128xf32, #tpu.memory_space<vmem>>
        %dma_start3A_119 = arith.constant 0 : i32
        %dma_start3A_120 = tpu.memref_slice %arg6[%add3A_112, %dma_start3A_119] : memref<40x128xi32, #tpu.memory_space<vmem>> -> memref<1x128xi32, #tpu.memory_space<vmem>>
        %dma_start3A_121 = tpu.memref_squeeze %dma_start3A_120 : memref<1x128xi32, #tpu.memory_space<vmem>> -> memref<128xi32, #tpu.memory_space<vmem>>
        %dma_start3A_122 = arith.constant 0 : i32
        %dma_start3A_123 = arith.constant 0 : i32
        %dma_start3A_124 = tpu.memref_slice %arg2[%dma_start3A_122, %dma_start3A_123] : memref<10240x128xf32, #tpu.memory_space<hbm>> -> memref<10240x128xf32, #tpu.memory_space<hbm>>
        %dma_start3A_125 = tpu.memref_slice %arg10[%dma_start3A_114] : memref<2x!tpu.dma_semaphore, #tpu.memory_space<semaphore_mem>> -> memref<1x!tpu.dma_semaphore, #tpu.memory_space<semaphore_mem>>
        %dma_start3A_126 = tpu.memref_squeeze %dma_start3A_125 : memref<1x!tpu.dma_semaphore, #tpu.memory_space<semaphore_mem>> -> memref<!tpu.dma_semaphore, #tpu.memory_space<semaphore_mem>>
        tpu.enqueue_indirect_dma source(%dma_start3A_124 : memref<10240x128xf32, #tpu.memory_space<hbm>>) target(%dma_start3A_118 : memref<128x128xf32, #tpu.memory_space<vmem>>) offsets(%dma_start3A_121 : memref<128xi32, #tpu.memory_space<vmem>>) semaphore(%dma_start3A_126 : memref<!tpu.dma_semaphore, #tpu.memory_space<semaphore_mem>>)
      } else {
      }
      %dma_wait3A_96 = arith.constant 1 : i32
      %dma_wait3A_97 = arith.constant 1 : i32
      %dma_wait3A_98 = arith.constant 0 : i32
      %dma_wait3A_99 = arith.constant 0 : i32
      %dma_wait3A_100 = tpu.memref_slice %arg8[%dma_wait3A_96, %dma_wait3A_98, %dma_wait3A_99] : memref<2x128x128xf32, #tpu.memory_space<vmem>> -> memref<1x128x128xf32, #tpu.memory_space<vmem>>
      %dma_wait3A_101 = tpu.memref_squeeze %dma_wait3A_100 : memref<1x128x128xf32, #tpu.memory_space<vmem>> -> memref<128x128xf32, #tpu.memory_space<vmem>>
      %dma_wait3A_102 = arith.constant 0 : i32
      %dma_wait3A_103 = tpu.memref_slice %arg6[%add3A_63, %dma_wait3A_102] : memref<40x128xi32, #tpu.memory_space<vmem>> -> memref<1x128xi32, #tpu.memory_space<vmem>>
      %dma_wait3A_104 = tpu.memref_squeeze %dma_wait3A_103 : memref<1x128xi32, #tpu.memory_space<vmem>> -> memref<128xi32, #tpu.memory_space<vmem>>
      %dma_wait3A_105 = arith.constant 0 : i32
      %dma_wait3A_106 = arith.constant 0 : i32
      %dma_wait3A_107 = tpu.memref_slice %arg2[%dma_wait3A_105, %dma_wait3A_106] : memref<10240x128xf32, #tpu.memory_space<hbm>> -> memref<10240x128xf32, #tpu.memory_space<hbm>>
      %dma_wait3A_108 = tpu.memref_slice %arg10[%dma_wait3A_97] : memref<2x!tpu.dma_semaphore, #tpu.memory_space<semaphore_mem>> -> memref<1x!tpu.dma_semaphore, #tpu.memory_space<semaphore_mem>>
      %dma_wait3A_109 = tpu.memref_squeeze %dma_wait3A_108 : memref<1x!tpu.dma_semaphore, #tpu.memory_space<semaphore_mem>> -> memref<!tpu.dma_semaphore, #tpu.memory_space<semaphore_mem>>
      tpu.wait_indirect_dma semaphore(%dma_wait3A_109 : memref<!tpu.dma_semaphore, #tpu.memory_space<semaphore_mem>>) src(%dma_wait3A_107 : memref<10240x128xf32, #tpu.memory_space<hbm>>) dst(%dma_wait3A_101 : memref<128x128xf32, #tpu.memory_space<vmem>>)
      %run_scoped3A_110 = arith.constant 1 : i32
      "tpu.region"() ({
        %run_scoped3A_111 = tpu.sem_alloc : memref<!tpu.dma_semaphore, #tpu.memory_space<semaphore_mem>>
        %dma_start3A_112 = arith.constant 0 : i32
        %dma_start3A_113 = arith.constant 0 : i32
        %dma_start3A_114 = tpu.memref_slice %arg8[%run_scoped3A_110, %dma_start3A_112, %dma_start3A_113] : memref<2x128x128xf32, #tpu.memory_space<vmem>> -> memref<1x128x128xf32, #tpu.memory_space<vmem>>
        %dma_start3A_115 = tpu.memref_squeeze %dma_start3A_114 : memref<1x128x128xf32, #tpu.memory_space<vmem>> -> memref<128x128xf32, #tpu.memory_space<vmem>>
        %dma_start3A_116 = arith.constant 0 : i32
        %dma_start3A_117 = tpu.memref_slice %arg7[%add3A_63, %dma_start3A_116] : memref<40x128xi32, #tpu.memory_space<vmem>> -> memref<1x128xi32, #tpu.memory_space<vmem>>
        %dma_start3A_118 = tpu.memref_squeeze %dma_start3A_117 : memref<1x128xi32, #tpu.memory_space<vmem>> -> memref<128xi32, #tpu.memory_space<vmem>>
        %dma_start3A_119 = arith.constant 0 : i32
        %dma_start3A_120 = arith.constant 0 : i32
        %dma_start3A_121 = tpu.memref_slice %arg9[%dma_start3A_119, %dma_start3A_120] : memref<10240x128xf32, #tpu.memory_space<vmem_shared>> -> memref<10240x128xf32, #tpu.memory_space<vmem_shared>>
        tpu.enqueue_indirect_dma source(%dma_start3A_115 : memref<128x128xf32, #tpu.memory_space<vmem>>) target(%dma_start3A_121 : memref<10240x128xf32, #tpu.memory_space<vmem_shared>>) offsets(%dma_start3A_118 : memref<128xi32, #tpu.memory_space<vmem>>) semaphore(%run_scoped3A_111 : memref<!tpu.dma_semaphore, #tpu.memory_space<semaphore_mem>>) {add = true}
        %dma_wait3A_122 = arith.constant 0 : i32
        %dma_wait3A_123 = arith.constant 0 : i32
        %dma_wait3A_124 = tpu.memref_slice %arg8[%run_scoped3A_110, %dma_wait3A_122, %dma_wait3A_123] : memref<2x128x128xf32, #tpu.memory_space<vmem>> -> memref<1x128x128xf32, #tpu.memory_space<vmem>>
        %dma_wait3A_125 = tpu.memref_squeeze %dma_wait3A_124 : memref<1x128x128xf32, #tpu.memory_space<vmem>> -> memref<128x128xf32, #tpu.memory_space<vmem>>
        %dma_wait3A_126 = arith.constant 0 : i32
        %dma_wait3A_127 = tpu.memref_slice %arg7[%add3A_63, %dma_wait3A_126] : memref<40x128xi32, #tpu.memory_space<vmem>> -> memref<1x128xi32, #tpu.memory_space<vmem>>
        %dma_wait3A_128 = tpu.memref_squeeze %dma_wait3A_127 : memref<1x128xi32, #tpu.memory_space<vmem>> -> memref<128xi32, #tpu.memory_space<vmem>>
        %dma_wait3A_129 = arith.constant 0 : i32
        %dma_wait3A_130 = arith.constant 0 : i32
        %dma_wait3A_131 = tpu.memref_slice %arg9[%dma_wait3A_129, %dma_wait3A_130] : memref<10240x128xf32, #tpu.memory_space<vmem_shared>> -> memref<10240x128xf32, #tpu.memory_space<vmem_shared>>
        tpu.wait_indirect_dma semaphore(%run_scoped3A_111 : memref<!tpu.dma_semaphore, #tpu.memory_space<semaphore_mem>>) src(%dma_wait3A_125 : memref<128x128xf32, #tpu.memory_space<vmem>>) dst(%dma_wait3A_131 : memref<10240x128xf32, #tpu.memory_space<vmem_shared>>)
        tpu.yield
      }) : () -> ()
    }
    %scan3A_51 = arith.constant 20 : i32
    %barrier3A_52 = arith.constant 0 : index
    tpu.barrier barrier_id(%barrier3A_52)
    %mul3A_53 = arith.constant 640 : i32
    %mul3A_54 = arith.muli %arg1, %mul3A_53 : i32
    %mul3A_55 = arith.constant 640 : i32
    %mul3A_56 = arith.muli %arg1, %mul3A_55 : i32
    "tpu.region"() ({
      %run_scoped3A = tpu.sem_alloc : memref<!tpu.dma_semaphore, #tpu.memory_space<semaphore_mem>>
      %dma_start3A_57 = arith.constant 0 : i32
      %dma_start3A_58 = tpu.memref_slice %arg5[%arg0, %mul3A_56, %dma_start3A_57] : memref<2x10240x128xf32, #tpu.memory_space<hbm>> -> memref<1x640x128xf32, #tpu.memory_space<hbm>>
      %dma_start3A_59 = tpu.memref_squeeze %dma_start3A_58 : memref<1x640x128xf32, #tpu.memory_space<hbm>> -> memref<640x128xf32, #tpu.memory_space<hbm>>
      %dma_start3A_60 = arith.constant 0 : i32
      %dma_start3A_61 = tpu.memref_slice %arg9[%mul3A_54, %dma_start3A_60] : memref<10240x128xf32, #tpu.memory_space<vmem_shared>> -> memref<640x128xf32, #tpu.memory_space<vmem_shared>>
      tpu.enqueue_dma source(%dma_start3A_61 : memref<640x128xf32, #tpu.memory_space<vmem_shared>>) target(%dma_start3A_59 : memref<640x128xf32, #tpu.memory_space<hbm>>) target_semaphore(%run_scoped3A : memref<!tpu.dma_semaphore, #tpu.memory_space<semaphore_mem>>)
      %dma_wait3A_62 = arith.constant 0 : i32
      %dma_wait3A_63 = tpu.memref_slice %arg5[%arg0, %mul3A_56, %dma_wait3A_62] : memref<2x10240x128xf32, #tpu.memory_space<hbm>> -> memref<1x640x128xf32, #tpu.memory_space<hbm>>
      %dma_wait3A_64 = tpu.memref_squeeze %dma_wait3A_63 : memref<1x640x128xf32, #tpu.memory_space<hbm>> -> memref<640x128xf32, #tpu.memory_space<hbm>>
      %dma_wait3A_65 = arith.constant 0 : i32
      %dma_wait3A_66 = tpu.memref_slice %arg9[%mul3A_54, %dma_wait3A_65] : memref<10240x128xf32, #tpu.memory_space<vmem_shared>> -> memref<640x128xf32, #tpu.memory_space<vmem_shared>>
      tpu.wait_dma2 semaphore(%run_scoped3A : memref<!tpu.dma_semaphore, #tpu.memory_space<semaphore_mem>>) src(%dma_wait3A_66 : memref<640x128xf32, #tpu.memory_space<vmem_shared>>) dst(%dma_wait3A_64 : memref<640x128xf32, #tpu.memory_space<hbm>>)
      tpu.yield
    }) : () -> ()
    return
  }
}

module attributes {stable_mosaic.version = 14 : i64} {
  func.func @_tc_matmul_body(%arg0: i32, %arg1: memref<5120x128xf32, #tpu.memory_space<vmem>>, %arg2: memref<128x128xf32, #tpu.memory_space<vmem>>, %arg3: memref<5120x128xf32, #tpu.memory_space<vmem>>) attributes {dimension_semantics = [#tpu.dimension_semantics<arbitrary>], iteration_bounds = array<i64: 2>, scalar_prefetch = 0 : i64, scratch_operands = 0 : i64, tpu.core_type = #tpu.core_type<tc>, window_params = [{transform_indices = @transform_0, window_bounds = array<i64: 5120, 128>}, {pipeline_mode = #tpu.pipeline_mode<synchronous>, transform_indices = @transform_1, window_bounds = array<i64: 128, 128>}, {transform_indices = @transform_2, window_bounds = array<i64: 5120, 128>}]} {
    %get3A = arith.constant 0 : index
    %get3A_0 = arith.constant 0 : index
    %get3A_1 = vector.load %arg1[%get3A, %get3A_0] : memref<5120x128xf32, #tpu.memory_space<vmem>>, vector<5120x128xf32>
    %get3A_2 = arith.constant 0 : index
    %get3A_3 = arith.constant 0 : index
    %get3A_4 = vector.load %arg2[%get3A_2, %get3A_3] : memref<128x128xf32, #tpu.memory_space<vmem>>, vector<128x128xf32>
    %dot_general3A = arith.constant dense<0.000000e+00> : vector<5120x128xf32>
    %dot_general3A_5 = tpu.matmul %get3A_1, %get3A_4, %dot_general3A {dimension_numbers = #tpu.dot_dimension_numbers<[1], [0], [0], [1], [0, 0, 1, 1], [], []>, transpose_lhs_hint = false} : vector<5120x128xf32>, vector<128x128xf32>, vector<5120x128xf32> -> vector<5120x128xf32>
    %swap3A = arith.constant 0 : index
    %swap3A_6 = arith.constant 0 : index
    %swap3A_7 = vector.load %arg3[%swap3A, %swap3A_6] : memref<5120x128xf32, #tpu.memory_space<vmem>>, vector<5120x128xf32>
    tpu.vector_store %arg3[%swap3A, %swap3A_6], %dot_general3A_5 {strides = array<i32>} : memref<5120x128xf32, #tpu.memory_space<vmem>>, vector<5120x128xf32>,
    return
  }
  func.func @transform_0(%arg0: i32) -> (i32, i32) {
    %c0_i32 = arith.constant 0 : i32
    %c0_i32_0 = arith.constant 0 : i32
    return %arg0, %c0_i32 : i32, i32
  }
  func.func @transform_1(%arg0: i32) -> (i32, i32) {
    %c0_i32 = arith.constant 0 : i32
    %c0_i32_0 = arith.constant 0 : i32
    %c0_i32_1 = arith.constant 0 : i32
    return %c0_i32, %c0_i32_0 : i32, i32
  }
  func.func @transform_2(%arg0: i32) -> (i32, i32) {
    %c0_i32 = arith.constant 0 : i32
    %c0_i32_0 = arith.constant 0 : i32
    return %arg0, %c0_i32 : i32, i32
  }
}

module attributes {stable_mosaic.version = 14 : i64} {
  func.func @_tc_scale_body(%arg0: i32, %arg1: memref<5120x128xf32, #tpu.memory_space<vmem>>, %arg2: memref<5120x1xf32, #tpu.memory_space<vmem>>, %arg3: memref<5120x1xf32, #tpu.memory_space<vmem>>, %arg4: memref<5120x128xf32, #tpu.memory_space<vmem>>, %arg5: memref<5120x1xf32, #tpu.memory_space<vmem>>) attributes {dimension_semantics = [#tpu.dimension_semantics<arbitrary>], iteration_bounds = array<i64: 2>, scalar_prefetch = 0 : i64, scratch_operands = 0 : i64, tpu.core_type = #tpu.core_type<tc>, window_params = [{transform_indices = @transform_0, window_bounds = array<i64: 5120, 128>}, {transform_indices = @transform_1, window_bounds = array<i64: 5120, 1>}, {transform_indices = @transform_2, window_bounds = array<i64: 5120, 1>}, {transform_indices = @transform_3, window_bounds = array<i64: 5120, 128>}, {transform_indices = @transform_4, window_bounds = array<i64: 5120, 1>}]} {
    %get3A = arith.constant 0 : index
    %get3A_0 = arith.constant 0 : index
    %get3A_1 = vector.load %arg2[%get3A, %get3A_0] : memref<5120x1xf32, #tpu.memory_space<vmem>>, vector<5120x1xf32>
    %get3A_2 = arith.constant 0 : index
    %get3A_3 = arith.constant 0 : index
    %get3A_4 = vector.load %arg3[%get3A_2, %get3A_3] : memref<5120x1xf32, #tpu.memory_space<vmem>>, vector<5120x1xf32>
    %add3A = arith.addf %get3A_1, %get3A_4 : vector<5120x1xf32>
    %add3A_5 = arith.constant 1.000000e+00 : f32
    %add3A_6 = vector.broadcast %add3A_5 : f32 to vector<5120x1xf32>
    %add3A_7 = arith.addf %add3A, %add3A_6 : vector<5120x1xf32>
    %rsqrt3A = math.rsqrt %add3A_7 : vector<5120x1xf32>
    %swap3A = arith.constant 0 : index
    %swap3A_8 = arith.constant 0 : index
    %swap3A_9 = vector.load %arg5[%swap3A, %swap3A_8] : memref<5120x1xf32, #tpu.memory_space<vmem>>, vector<5120x1xf32>
    tpu.vector_store %arg5[%swap3A, %swap3A_8], %rsqrt3A {strides = array<i32>} : memref<5120x1xf32, #tpu.memory_space<vmem>>, vector<5120x1xf32>,
    %get3A_10 = arith.constant 0 : index
    %get3A_11 = arith.constant 0 : index
    %get3A_12 = vector.load %arg1[%get3A_10, %get3A_11] : memref<5120x128xf32, #tpu.memory_space<vmem>>, vector<5120x128xf32>
    %mul3A = vector.broadcast %rsqrt3A : vector<5120x1xf32> to vector<5120x128xf32>
    %mul3A_13 = arith.mulf %get3A_12, %mul3A : vector<5120x128xf32>
    %swap3A_14 = arith.constant 0 : index
    %swap3A_15 = arith.constant 0 : index
    %swap3A_16 = vector.load %arg4[%swap3A_14, %swap3A_15] : memref<5120x128xf32, #tpu.memory_space<vmem>>, vector<5120x128xf32>
    tpu.vector_store %arg4[%swap3A_14, %swap3A_15], %mul3A_13 {strides = array<i32>} : memref<5120x128xf32, #tpu.memory_space<vmem>>, vector<5120x128xf32>,
    return
  }
  func.func @transform_0(%arg0: i32) -> (i32, i32) {
    %c0_i32 = arith.constant 0 : i32
    %c0_i32_0 = arith.constant 0 : i32
    return %arg0, %c0_i32 : i32, i32
  }
  func.func @transform_1(%arg0: i32) -> (i32, i32) {
    %c0_i32 = arith.constant 0 : i32
    %c0_i32_0 = arith.constant 0 : i32
    return %arg0, %c0_i32 : i32, i32
  }
  func.func @transform_2(%arg0: i32) -> (i32, i32) {
    %c0_i32 = arith.constant 0 : i32
    %c0_i32_0 = arith.constant 0 : i32
    return %arg0, %c0_i32 : i32, i32
  }
  func.func @transform_3(%arg0: i32) -> (i32, i32) {
    %c0_i32 = arith.constant 0 : i32
    %c0_i32_0 = arith.constant 0 : i32
    return %arg0, %c0_i32 : i32, i32
  }
  func.func @transform_4(%arg0: i32) -> (i32, i32) {
    %c0_i32 = arith.constant 0 : i32
    %c0_i32_0 = arith.constant 0 : i32
    return %arg0, %c0_i32 : i32, i32
  }
}

module attributes {stable_mosaic.version = 14 : i64} {
  func.func @_tc_mid_body(%arg0: i32, %arg1: memref<5120x128xf32, #tpu.memory_space<vmem>>, %arg2: memref<5120x128xf32, #tpu.memory_space<vmem>>, %arg3: memref<5120x128xf32, #tpu.memory_space<vmem>>, %arg4: memref<5120x1xf32, #tpu.memory_space<vmem>>, %arg5: memref<1x128xf32, #tpu.memory_space<vmem>>, %arg6: memref<128x128xf32, #tpu.memory_space<vmem>>, %arg7: memref<5120x128xf32, #tpu.memory_space<vmem>>) attributes {dimension_semantics = [#tpu.dimension_semantics<arbitrary>], iteration_bounds = array<i64: 2>, scalar_prefetch = 0 : i64, scratch_operands = 0 : i64, tpu.core_type = #tpu.core_type<tc>, window_params = [{transform_indices = @transform_0, window_bounds = array<i64: 5120, 128>}, {transform_indices = @transform_1, window_bounds = array<i64: 5120, 128>}, {transform_indices = @transform_2, window_bounds = array<i64: 5120, 128>}, {transform_indices = @transform_3, window_bounds = array<i64: 5120, 1>}, {pipeline_mode = #tpu.pipeline_mode<synchronous>, transform_indices = @transform_4, window_bounds = array<i64: 1, 128>}, {pipeline_mode = #tpu.pipeline_mode<synchronous>, transform_indices = @transform_5, window_bounds = array<i64: 128, 128>}, {transform_indices = @transform_6, window_bounds = array<i64: 5120, 128>}]} {
    %get3A = arith.constant 0 : index
    %get3A_0 = arith.constant 0 : index
    %get3A_1 = vector.load %arg1[%get3A, %get3A_0] : memref<5120x128xf32, #tpu.memory_space<vmem>>, vector<5120x128xf32>
    %get3A_2 = arith.constant 0 : index
    %get3A_3 = arith.constant 0 : index
    %get3A_4 = vector.load %arg2[%get3A_2, %get3A_3] : memref<5120x128xf32, #tpu.memory_space<vmem>>, vector<5120x128xf32>
    %add3A = arith.addf %get3A_1, %get3A_4 : vector<5120x128xf32>
    %get3A_5 = arith.constant 0 : index
    %get3A_6 = arith.constant 0 : index
    %get3A_7 = vector.load %arg3[%get3A_5, %get3A_6] : memref<5120x128xf32, #tpu.memory_space<vmem>>, vector<5120x128xf32>
    %sub3A = arith.subf %add3A, %get3A_7 : vector<5120x128xf32>
    %get3A_8 = arith.constant 0 : index
    %get3A_9 = arith.constant 0 : index
    %get3A_10 = vector.load %arg4[%get3A_8, %get3A_9] : memref<5120x1xf32, #tpu.memory_space<vmem>>, vector<5120x1xf32>
    %mul3A = vector.broadcast %get3A_10 : vector<5120x1xf32> to vector<5120x128xf32>
    %mul3A_11 = arith.mulf %sub3A, %mul3A : vector<5120x128xf32>
    %get3A_12 = arith.constant 0 : index
    %get3A_13 = arith.constant 0 : index
    %get3A_14 = vector.load %arg5[%get3A_12, %get3A_13] : memref<1x128xf32, #tpu.memory_space<vmem>>, vector<1x128xf32>
    %add3A_15 = vector.broadcast %get3A_14 : vector<1x128xf32> to vector<5120x128xf32>
    %add3A_16 = arith.addf %mul3A_11, %add3A_15 : vector<5120x128xf32>
    %max3A = arith.constant 0.000000e+00 : f32
    %max3A_17 = vector.broadcast %max3A : f32 to vector<5120x128xf32>
    %max3A_18 = arith.maximumf %add3A_16, %max3A_17 : vector<5120x128xf32>
    %get3A_19 = arith.constant 0 : index
    %get3A_20 = arith.constant 0 : index
    %get3A_21 = vector.load %arg6[%get3A_19, %get3A_20] : memref<128x128xf32, #tpu.memory_space<vmem>>, vector<128x128xf32>
    %dot_general3A = arith.constant dense<0.000000e+00> : vector<5120x128xf32>
    %dot_general3A_22 = tpu.matmul %max3A_18, %get3A_21, %dot_general3A {dimension_numbers = #tpu.dot_dimension_numbers<[1], [0], [0], [1], [0, 0, 1, 1], [], []>, transpose_lhs_hint = false} : vector<5120x128xf32>, vector<128x128xf32>, vector<5120x128xf32> -> vector<5120x128xf32>
    %get3A_23 = arith.constant 0 : index
    %get3A_24 = arith.constant 0 : index
    %get3A_25 = vector.load %arg4[%get3A_23, %get3A_24] : memref<5120x1xf32, #tpu.memory_space<vmem>>, vector<5120x1xf32>
    %mul3A_26 = vector.broadcast %get3A_25 : vector<5120x1xf32> to vector<5120x128xf32>
    %mul3A_27 = arith.mulf %dot_general3A_22, %mul3A_26 : vector<5120x128xf32>
    %mul3A_28 = arith.constant 5120 : i32
    %mul3A_29 = arith.muli %arg0, %mul3A_28 : i32
    %iota3A = tpu.iota {dimensions = array<i32: 0>} : vector<5120x1xi32>
    %add3A_30 = vector.broadcast %mul3A_29 : i32 to vector<5120x1xi32>
    %add3A_31 = arith.addi %add3A_30, %iota3A : vector<5120x1xi32>
    %lt3A = arith.constant 10000 : i32
    %lt3A_32 = vector.broadcast %lt3A : i32 to vector<5120x1xi32>
    %lt3A_33 = arith.cmpi slt, %add3A_31, %lt3A_32 : vector<5120x1xi32>
    %jit3A = arith.constant 0.000000e+00 : f32
    %broadcast_in_dim3A = vector.shape_cast %lt3A_33 : vector<5120x1xi1> to vector<5120x1xi1>
    %broadcast_in_dim3A_34 = vector.broadcast %broadcast_in_dim3A : vector<5120x1xi1> to vector<5120x128xi1>
    %broadcast_in_dim3A_35 = vector.broadcast %jit3A : f32 to vector<5120x128xf32>
    %select_n3A = arith.select %broadcast_in_dim3A_34, %mul3A_27, %broadcast_in_dim3A_35 : vector<5120x128xi1>, vector<5120x128xf32>
    %swap3A = arith.constant 0 : index
    %swap3A_36 = arith.constant 0 : index
    %swap3A_37 = vector.load %arg7[%swap3A, %swap3A_36] : memref<5120x128xf32, #tpu.memory_space<vmem>>, vector<5120x128xf32>
    tpu.vector_store %arg7[%swap3A, %swap3A_36], %select_n3A {strides = array<i32>} : memref<5120x128xf32, #tpu.memory_space<vmem>>, vector<5120x128xf32>,
    return
  }
  func.func @transform_0(%arg0: i32) -> (i32, i32) {
    %c0_i32 = arith.constant 0 : i32
    %c0_i32_0 = arith.constant 0 : i32
    return %arg0, %c0_i32 : i32, i32
  }
  func.func @transform_1(%arg0: i32) -> (i32, i32) {
    %c0_i32 = arith.constant 0 : i32
    %c0_i32_0 = arith.constant 0 : i32
    return %arg0, %c0_i32 : i32, i32
  }
  func.func @transform_2(%arg0: i32) -> (i32, i32) {
    %c0_i32 = arith.constant 0 : i32
    %c0_i32_0 = arith.constant 0 : i32
    return %arg0, %c0_i32 : i32, i32
  }
  func.func @transform_3(%arg0: i32) -> (i32, i32) {
    %c0_i32 = arith.constant 0 : i32
    %c0_i32_0 = arith.constant 0 : i32
    return %arg0, %c0_i32 : i32, i32
  }
  func.func @transform_4(%arg0: i32) -> (i32, i32) {
    %c0_i32 = arith.constant 0 : i32
    %c0_i32_0 = arith.constant 0 : i32
    %c0_i32_1 = arith.constant 0 : i32
    return %c0_i32, %c0_i32_0 : i32, i32
  }
  func.func @transform_5(%arg0: i32) -> (i32, i32) {
    %c0_i32 = arith.constant 0 : i32
    %c0_i32_0 = arith.constant 0 : i32
    %c0_i32_1 = arith.constant 0 : i32
    return %c0_i32, %c0_i32_0 : i32, i32
  }
  func.func @transform_6(%arg0: i32) -> (i32, i32) {
    %c0_i32 = arith.constant 0 : i32
    %c0_i32_0 = arith.constant 0 : i32
    return %arg0, %c0_i32 : i32, i32
  }
}

module attributes {stable_mosaic.version = 14 : i64} {
  func.func @_tc_pool_body(%arg0: i32, %arg1: memref<5120x128xf32, #tpu.memory_space<vmem>>, %arg2: memref<5120x128xf32, #tpu.memory_space<vmem>>, %arg3: memref<5120x128xf32, #tpu.memory_space<vmem>>, %arg4: memref<5120x1xf32, #tpu.memory_space<vmem>>, %arg5: memref<1x128xf32, #tpu.memory_space<vmem>>, %arg6: memref<5120x1xi32, #tpu.memory_space<vmem>>, %arg7: memref<128x128xf32, #tpu.memory_space<vmem>>, %arg8: memref<1x128xf32, #tpu.memory_space<vmem>>, %arg9: memref<16x128xf32, #tpu.memory_space<vmem>>, %arg10: memref<16x128xf32, #tpu.memory_space<vmem>>, %arg11: memref<16x128xf32, #tpu.memory_space<vmem>>) attributes {dimension_semantics = [#tpu.dimension_semantics<arbitrary>], iteration_bounds = array<i64: 2>, scalar_prefetch = 0 : i64, scratch_operands = 2 : i64, tpu.core_type = #tpu.core_type<tc>, window_params = [{transform_indices = @transform_0, window_bounds = array<i64: 5120, 128>}, {transform_indices = @transform_1, window_bounds = array<i64: 5120, 128>}, {transform_indices = @transform_2, window_bounds = array<i64: 5120, 128>}, {transform_indices = @transform_3, window_bounds = array<i64: 5120, 1>}, {pipeline_mode = #tpu.pipeline_mode<synchronous>, transform_indices = @transform_4, window_bounds = array<i64: 1, 128>}, {transform_indices = @transform_5, window_bounds = array<i64: 5120, 1>}, {pipeline_mode = #tpu.pipeline_mode<synchronous>, transform_indices = @transform_6, window_bounds = array<i64: 128, 128>}, {pipeline_mode = #tpu.pipeline_mode<synchronous>, transform_indices = @transform_7, window_bounds = array<i64: 1, 128>}, {pipeline_mode = #tpu.pipeline_mode<synchronous>, transform_indices = @transform_8, window_bounds = array<i64: 16, 128>}]} {
    %eq3A = arith.constant 0 : i32
    %eq3A_0 = arith.cmpi eq, %arg0, %eq3A : i32
    %convert_element_type3A = arith.extui %eq3A_0 : i1 to i32
    %cond3A = arith.constant 0 : i32
    %cond3A_1 = arith.cmpi ne, %convert_element_type3A, %cond3A : i32
    scf.if %cond3A_1 {
      %broadcast_in_dim3A_49 = arith.constant 0.000000e+00 : f32
      %broadcast_in_dim3A_50 = vector.broadcast %broadcast_in_dim3A_49 : f32 to vector<16x128xf32>
      %swap3A_51 = arith.constant 0 : index
      %swap3A_52 = arith.constant 0 : index
      %swap3A_53 = vector.load %arg10[%swap3A_51, %swap3A_52] : memref<16x128xf32, #tpu.memory_space<vmem>>, vector<16x128xf32>
      tpu.vector_store %arg10[%swap3A_51, %swap3A_52], %broadcast_in_dim3A_50 {strides = array<i32>} : memref<16x128xf32, #tpu.memory_space<vmem>>, vector<16x128xf32>,
      %broadcast_in_dim3A_54 = arith.constant 0.000000e+00 : f32
      %broadcast_in_dim3A_55 = vector.broadcast %broadcast_in_dim3A_54 : f32 to vector<16x128xf32>
      %swap3A_56 = arith.constant 0 : index
      %swap3A_57 = arith.constant 0 : index
      %swap3A_58 = vector.load %arg11[%swap3A_56, %swap3A_57] : memref<16x128xf32, #tpu.memory_space<vmem>>, vector<16x128xf32>
      tpu.vector_store %arg11[%swap3A_56, %swap3A_57], %broadcast_in_dim3A_55 {strides = array<i32>} : memref<16x128xf32, #tpu.memory_space<vmem>>, vector<16x128xf32>,
    } else {
    }
    %get3A = arith.constant 0 : index
    %get3A_2 = arith.constant 0 : index
    %get3A_3 = vector.load %arg1[%get3A, %get3A_2] : memref<5120x128xf32, #tpu.memory_space<vmem>>, vector<5120x128xf32>
    %get3A_4 = arith.constant 0 : index
    %get3A_5 = arith.constant 0 : index
    %get3A_6 = vector.load %arg2[%get3A_4, %get3A_5] : memref<5120x128xf32, #tpu.memory_space<vmem>>, vector<5120x128xf32>
    %add3A = arith.addf %get3A_3, %get3A_6 : vector<5120x128xf32>
    %get3A_7 = arith.constant 0 : index
    %get3A_8 = arith.constant 0 : index
    %get3A_9 = vector.load %arg3[%get3A_7, %get3A_8] : memref<5120x128xf32, #tpu.memory_space<vmem>>, vector<5120x128xf32>
    %sub3A = arith.subf %add3A, %get3A_9 : vector<5120x128xf32>
    %get3A_10 = arith.constant 0 : index
    %get3A_11 = arith.constant 0 : index
    %get3A_12 = vector.load %arg4[%get3A_10, %get3A_11] : memref<5120x1xf32, #tpu.memory_space<vmem>>, vector<5120x1xf32>
    %mul3A = vector.broadcast %get3A_12 : vector<5120x1xf32> to vector<5120x128xf32>
    %mul3A_13 = arith.mulf %sub3A, %mul3A : vector<5120x128xf32>
    %get3A_14 = arith.constant 0 : index
    %get3A_15 = arith.constant 0 : index
    %get3A_16 = vector.load %arg5[%get3A_14, %get3A_15] : memref<1x128xf32, #tpu.memory_space<vmem>>, vector<1x128xf32>
    %add3A_17 = vector.broadcast %get3A_16 : vector<1x128xf32> to vector<5120x128xf32>
    %add3A_18 = arith.addf %mul3A_13, %add3A_17 : vector<5120x128xf32>
    %iota3A = tpu.iota {dimensions = array<i32: 1>} : vector<1x16xi32>
    %get3A_19 = arith.constant 0 : index
    %get3A_20 = arith.constant 0 : index
    %get3A_21 = vector.load %arg6[%get3A_19, %get3A_20] : memref<5120x1xi32, #tpu.memory_space<vmem>>, vector<5120x1xi32>
    %eq3A_22 = vector.broadcast %get3A_21 : vector<5120x1xi32> to vector<5120x16xi32>
    %eq3A_23 = vector.broadcast %iota3A : vector<1x16xi32> to vector<5120x16xi32>
    %eq3A_24 = arith.cmpi eq, %eq3A_22, %eq3A_23 : vector<5120x16xi32>
    %convert_element_type3A_25 = arith.extui %eq3A_24 : vector<5120x16xi1> to vector<5120x16xi32>
    %convert_element_type3A_26 = arith.sitofp %convert_element_type3A_25 : vector<5120x16xi32> to vector<5120x16xf32>
    %get3A_27 = arith.constant 0 : index
    %get3A_28 = arith.constant 0 : index
    %get3A_29 = vector.load %arg10[%get3A_27, %get3A_28] : memref<16x128xf32, #tpu.memory_space<vmem>>, vector<16x128xf32>
    %dot_general3A = arith.constant dense<0.000000e+00> : vector<16x128xf32>
    %dot_general3A_30 = tpu.matmul %convert_element_type3A_26, %add3A_18, %dot_general3A {dimension_numbers = #tpu.dot_dimension_numbers<[0], [0], [1], [1], [0, 1, 1, 1], [], []>, transpose_lhs_hint = false} : vector<5120x16xf32>, vector<5120x128xf32>, vector<16x128xf32> -> vector<16x128xf32>
    %add3A_31 = arith.addf %get3A_29, %dot_general3A_30 : vector<16x128xf32>
    %swap3A = arith.constant 0 : index
    %swap3A_32 = arith.constant 0 : index
    %swap3A_33 = vector.load %arg10[%swap3A, %swap3A_32] : memref<16x128xf32, #tpu.memory_space<vmem>>, vector<16x128xf32>
    tpu.vector_store %arg10[%swap3A, %swap3A_32], %add3A_31 {strides = array<i32>} : memref<16x128xf32, #tpu.memory_space<vmem>>, vector<16x128xf32>,
    %get3A_34 = arith.constant 0 : index
    %get3A_35 = arith.constant 0 : index
    %get3A_36 = vector.load %arg11[%get3A_34, %get3A_35] : memref<16x128xf32, #tpu.memory_space<vmem>>, vector<16x128xf32>
    %broadcast_in_dim3A = arith.constant 1.000000e+00 : f32
    %broadcast_in_dim3A_37 = vector.broadcast %broadcast_in_dim3A : f32 to vector<5120x128xf32>
    %dot_general3A_38 = arith.constant dense<0.000000e+00> : vector<16x128xf32>
    %dot_general3A_39 = tpu.matmul %convert_element_type3A_26, %broadcast_in_dim3A_37, %dot_general3A_38 {dimension_numbers = #tpu.dot_dimension_numbers<[0], [0], [1], [1], [0, 1, 1, 1], [], []>, transpose_lhs_hint = false} : vector<5120x16xf32>, vector<5120x128xf32>, vector<16x128xf32> -> vector<16x128xf32>
    %add3A_40 = arith.addf %get3A_36, %dot_general3A_39 : vector<16x128xf32>
    %swap3A_41 = arith.constant 0 : index
    %swap3A_42 = arith.constant 0 : index
    %swap3A_43 = vector.load %arg11[%swap3A_41, %swap3A_42] : memref<16x128xf32, #tpu.memory_space<vmem>>, vector<16x128xf32>
    tpu.vector_store %arg11[%swap3A_41, %swap3A_42], %add3A_40 {strides = array<i32>} : memref<16x128xf32, #tpu.memory_space<vmem>>, vector<16x128xf32>,
    %eq3A_44 = arith.constant 1 : i32
    %eq3A_45 = arith.cmpi eq, %arg0, %eq3A_44 : i32
    %convert_element_type3A_46 = arith.extui %eq3A_45 : i1 to i32
    %cond3A_47 = arith.constant 0 : i32
    %cond3A_48 = arith.cmpi ne, %convert_element_type3A_46, %cond3A_47 : i32
    scf.if %cond3A_48 {
      %get3A_49 = arith.constant 0 : index
      %get3A_50 = arith.constant 0 : index
      %get3A_51 = vector.load %arg10[%get3A_49, %get3A_50] : memref<16x128xf32, #tpu.memory_space<vmem>>, vector<16x128xf32>
      %get3A_52 = arith.constant 0 : index
      %get3A_53 = arith.constant 0 : index
      %get3A_54 = vector.load %arg11[%get3A_52, %get3A_53] : memref<16x128xf32, #tpu.memory_space<vmem>>, vector<16x128xf32>
      %max3A = arith.constant 1.000000e+00 : f32
      %max3A_55 = vector.broadcast %max3A : f32 to vector<16x128xf32>
      %max3A_56 = arith.maximumf %get3A_54, %max3A_55 : vector<16x128xf32>
      %div3A = arith.divf %get3A_51, %max3A_56 : vector<16x128xf32>
      %get3A_57 = arith.constant 0 : index
      %get3A_58 = arith.constant 0 : index
      %get3A_59 = vector.load %arg7[%get3A_57, %get3A_58] : memref<128x128xf32, #tpu.memory_space<vmem>>, vector<128x128xf32>
      %dot_general3A_60 = arith.constant dense<0.000000e+00> : vector<16x128xf32>
      %dot_general3A_61 = tpu.matmul %div3A, %get3A_59, %dot_general3A_60 {dimension_numbers = #tpu.dot_dimension_numbers<[1], [0], [0], [1], [0, 0, 1, 1], [], []>, transpose_lhs_hint = false} : vector<16x128xf32>, vector<128x128xf32>, vector<16x128xf32> -> vector<16x128xf32>
      %get3A_62 = arith.constant 0 : index
      %get3A_63 = arith.constant 0 : index
      %get3A_64 = vector.load %arg8[%get3A_62, %get3A_63] : memref<1x128xf32, #tpu.memory_space<vmem>>, vector<1x128xf32>
      %add3A_65 = vector.broadcast %get3A_64 : vector<1x128xf32> to vector<16x128xf32>
      %add3A_66 = arith.addf %dot_general3A_61, %add3A_65 : vector<16x128xf32>
      %swap3A_67 = arith.constant 0 : index
      %swap3A_68 = arith.constant 0 : index
      %swap3A_69 = vector.load %arg9[%swap3A_67, %swap3A_68] : memref<16x128xf32, #tpu.memory_space<vmem>>, vector<16x128xf32>
      tpu.vector_store %arg9[%swap3A_67, %swap3A_68], %add3A_66 {strides = array<i32>} : memref<16x128xf32, #tpu.memory_space<vmem>>, vector<16x128xf32>,
    } else {
    }
    return
  }
  func.func @transform_0(%arg0: i32) -> (i32, i32) {
    %c0_i32 = arith.constant 0 : i32
    %c0_i32_0 = arith.constant 0 : i32
    return %arg0, %c0_i32 : i32, i32
  }
  func.func @transform_1(%arg0: i32) -> (i32, i32) {
    %c0_i32 = arith.constant 0 : i32
    %c0_i32_0 = arith.constant 0 : i32
    return %arg0, %c0_i32 : i32, i32
  }
  func.func @transform_2(%arg0: i32) -> (i32, i32) {
    %c0_i32 = arith.constant 0 : i32
    %c0_i32_0 = arith.constant 0 : i32
    return %arg0, %c0_i32 : i32, i32
  }
  func.func @transform_3(%arg0: i32) -> (i32, i32) {
    %c0_i32 = arith.constant 0 : i32
    %c0_i32_0 = arith.constant 0 : i32
    return %arg0, %c0_i32 : i32, i32
  }
  func.func @transform_4(%arg0: i32) -> (i32, i32) {
    %c0_i32 = arith.constant 0 : i32
    %c0_i32_0 = arith.constant 0 : i32
    %c0_i32_1 = arith.constant 0 : i32
    return %c0_i32, %c0_i32_0 : i32, i32
  }
  func.func @transform_5(%arg0: i32) -> (i32, i32) {
    %c0_i32 = arith.constant 0 : i32
    %c0_i32_0 = arith.constant 0 : i32
    return %arg0, %c0_i32 : i32, i32
  }
  func.func @transform_6(%arg0: i32) -> (i32, i32) {
    %c0_i32 = arith.constant 0 : i32
    %c0_i32_0 = arith.constant 0 : i32
    %c0_i32_1 = arith.constant 0 : i32
    return %c0_i32, %c0_i32_0 : i32, i32
  }
  func.func @transform_7(%arg0: i32) -> (i32, i32) {
    %c0_i32 = arith.constant 0 : i32
    %c0_i32_0 = arith.constant 0 : i32
    %c0_i32_1 = arith.constant 0 : i32
    return %c0_i32, %c0_i32_0 : i32, i32
  }
  func.func @transform_8(%arg0: i32) -> (i32, i32) {
    %c0_i32 = arith.constant 0 : i32
    %c0_i32_0 = arith.constant 0 : i32
    %c0_i32_1 = arith.constant 0 : i32
    return %c0_i32, %c0_i32_0 : i32, i32
  }
}

</mosaic_0001>

<sc_bundles>
// kernel: kernel.12.cloned.1.call-start
scs
__scs_entry_jumppad:
0x0: {  	(pc) =	sbr.rel $0x88, $3  }
0x1: {  	(tag) =	ssettag $0x0;
	lr =	simm.s32 $0x1  }
0x2: {  	[smem:$0x3F98] =	sst lr;
	_ =	strace $0xD0000000  }
0x3: {  	_ = 	snop  }
0x4: {  	_ = 	snop  }
0x5: {  	_ = 	snop  }
0x6: {  	_ = 	snop  }
0x7: {  	_ = 	snop  }
__scs_overlays_trampoline_lowered:
0x8: {  	[smem:$0x3FA7] =	sst s0  }
0x9: {  	[smem:$0x3FA8] =	sst s1  }
0xa: {  	[smem:$0x3FA9] =	sst s2  }
0xb: {  	[smem:$0x3FAA] =	sst s3  }
0xc: {  	[smem:$0x3FAB] =	sst s4  }
0xd: {  	[smem:$0x3FAC] =	sst s5  }
0xe: {  	[smem:$0x3FAD] =	sst s6  }
0xf: {  	[smem:$0x3FAE] =	sst s7  }
0x10: {  	[smem:$0x3FAF] =	sst s8  }
0x11: {  	[smem:$0x3FB0] =	sst s9;
	s0 =	simm.s32 @!p0 $0x0  }
0x12: {  	s1 =	sld [smem:$0x3F96];
	s0 =	simm.s32 @p0 $0x1  }
0x13: {  	[smem:$0x3FB1] =	sst s0;
	s0 =	simm.s32 @!p1 $0x0  }
0x14: {  	s2 =	sld [smem:$0x3F95];
	s0 =	simm.s32 @p1 $0x1  }
0x15: {  	[smem:$0x3FB2] =	sst s0;
	s0 =	simm.s32 @!p2 $0x0  }
0x16: {  	s3 =	sld [smem:$0x3FDB];
	s0 =	simm.s32 @p2 $0x1  }
0x17: {  	s4 =	simm.s32 $0x1BF5;
	[smem:$0x3FB4] =	sst s0  }
0x18: {  	s0 =	sld [smem:$0x3F97];
	_ =	swait.ge [sflag:s4], $0x0  }
0x19: {  	s7 =	sld [smem:$0x3F98]  }
0x1a: {  	s8 =	sadd.s32 $0xFFFFE003, lr  }
0x1b: {  	s9 =	sadd.s32 $0xFFFFFEF7, lr;
	s5 =	simm.s32 $0xFFFFFFFF;
	p2 =	slt.u32 s8, $0xFFFFF086  }
0x1c: {  	p1 =	slt.u32 s9, $0xF7A;
	s5 =	simm.s32 @!p2 $0x0  }
0x1d: {  	s5 =	simm.s32 @p1 $0x1;
	p0 =	seq.s32 s7, s2  }
0x1e: {  	s7 =	smul.u32 @!p0 $0xF7A, s2;
	p2 =	seq.s32 @!p0 s5, $0x0  }
0x1f: {  	s9 =	smul.u32 $0xF7A, s1;
	s8 =	simm.s32 @!p0 $0x1BF5;
	p2 =	por !p2, p0  }
0x20: {  	[sflag:s8] =	ssyncset.s32 @!p0 $0xFFFFF086;
	s6 =	sadd.s32 @!p0 s3, s7;
	s7 =	simm.s32 @!p0 $0x108  }
0x21: {  	s3 =	sadd.s32 s3, s9;
	s6 =	sadd.s32 @!p0 $0x88, s6;
	s7 =	simm.s32 @p2 $0x1082  }
0x22: {  	[simem:s7], [sflag:s8] =	dma.local @!p0 [hbm:s6], $0xF7A  }
0x23: {  	s9 =	sor.u32 $0xD0000000, s2;
	s6 =	simm.s32 $0x108;
	_ =	swait.ge @!p0 [sflag:s8], $0x0  }
0x24: {  	s3 =	sadd.s32 $0x88, s3;
	s6 =	simm.s32 @!p1 $0x1082;
	[sflag:s4] =	ssyncset.s32 $0xFFFFF086  }
0x25: {  	[simem:s6], [sflag:s4] =	dma.local [hbm:s3], $0xF7A  }
0x26: {  	[smem:$0x3F98] =	sst s1;
	(tag) =	ssettag s2;
	_ =	strace s9  }
0x27: {  	s1 =	sld [smem:$0x3FA8]  }
0x28: {  	s2 =	sld [smem:$0x3FA9]  }
0x29: {  	s4 =	sld [smem:$0x3FAB]  }
0x2a: {  	p0 =	seq.s32 s5, $0x0;
	s5 =	sld [smem:$0x3FAC]  }
0x2b: {  	s6 =	sld [smem:$0x3FAD]  }
0x2c: {  	s7 =	sld [smem:$0x3FAE]  }
0x2d: {  	s3 =	simm.s32 $0x108;
	s8 =	sld [smem:$0x3FAF]  }
0x2e: {  	s3 =	simm.s32 @!p0 $0x1082;
	s9 =	sld [smem:$0x3FB0]  }
0x2f: {  	lr =	sadd.s32 s0, s3;
	s0 =	sld [smem:$0x3FA7]  }
0x30: {  	s3 =	sld [smem:$0x3FAA]  }
0x31: {  	[smem:$0x3FB3] =	sst s10  }
0x32: {  	s10 =	sld [smem:$0x3FB1];
	_ =	sdelay $0x3  }
0x33: {  	p0 =	seq.s32 s10, $0x1;
	s10 =	sld [smem:$0x3FB3];
	_ =	sdelay $0x3  }
0x34: {  	[smem:$0x3FB3] =	sst s10  }
0x35: {  	s10 =	sld [smem:$0x3FB2];
	_ =	sdelay $0x3  }
0x36: {  	p1 =	seq.s32 s10, $0x1;
	s10 =	sld [smem:$0x3FB3];
	_ =	sdelay $0x3  }
0x37: {  	[smem:$0x3FB3] =	sst s10  }
0x38: {  	s10 =	sld [smem:$0x3FB4]  }
0x39: {  	_ = 	snop;
	(pc) =	sbr.ind lr, $3  }
0x3a: {  	_ = 	snop  }
0x3b: {  	_ = 	snop  }
0x3c: {  	p2 =	seq.s32 s10, $0x1;
	s10 =	sld [smem:$0x3FB3]  }
0x3d: {  	_ =	shalt  }
0x3e: {  	_ =	shalt  }
0x3f: {  	_ =	shalt  }
0x40: {  	_ =	shalt  }
0x41: {  	_ =	shalt  }
0x42: {  	_ =	shalt  }
0x43: {  	_ =	shalt  }
0x44: {  	_ =	shalt  }
0x45: {  	_ =	shalt  }
0x46: {  	_ =	shalt  }
0x47: {  	_ =	shalt  }
0x48: {  	_ =	shalt  }
0x49: {  	_ =	shalt  }
0x4a: {  	_ =	shalt  }
0x4b: {  	_ =	shalt  }
0x4c: {  	_ =	shalt  }
0x4d: {  	_ =	shalt  }
0x4e: {  	_ =	shalt  }
0x4f: {  	_ =	shalt  }
0x50: {  	_ =	shalt  }
0x51: {  	_ =	shalt  }
0x52: {  	_ =	shalt  }
0x53: {  	_ =	shalt  }
0x54: {  	_ =	shalt  }
0x55: {  	_ =	shalt  }
0x56: {  	_ =	shalt  }
0x57: {  	_ =	shalt  }
0x58: {  	_ =	shalt  }
0x59: {  	_ =	shalt  }
0x5a: {  	_ =	shalt  }
0x5b: {  	_ =	shalt  }
0x5c: {  	_ =	shalt  }
0x5d: {  	_ =	shalt  }
0x5e: {  	_ =	shalt  }
0x5f: {  	_ =	shalt  }
0x60: {  	_ =	shalt  }
0x61: {  	_ =	shalt  }
0x62: {  	_ =	shalt  }
0x63: {  	_ =	shalt  }
0x64: {  	_ =	shalt  }
0x65: {  	_ =	shalt  }
0x66: {  	_ =	shalt  }
0x67: {  	_ =	shalt  }
0x68: {  	_ =	shalt  }
0x69: {  	_ =	shalt  }
0x6a: {  	_ =	shalt  }
0x6b: {  	_ =	shalt  }
0x6c: {  	_ =	shalt  }
0x6d: {  	_ =	shalt  }
0x6e: {  	_ =	shalt  }
0x6f: {  	_ =	shalt  }
0x70: {  	_ =	shalt  }
0x71: {  	_ =	shalt  }
0x72: {  	_ =	shalt  }
0x73: {  	_ =	shalt  }
0x74: {  	_ =	shalt  }
0x75: {  	_ =	shalt  }
0x76: {  	_ =	shalt  }
0x77: {  	_ =	shalt  }
0x78: {  	_ =	shalt  }
0x79: {  	_ =	shalt  }
0x7a: {  	_ =	shalt  }
0x7b: {  	_ =	shalt  }
0x7c: {  	_ =	shalt  }
0x7d: {  	_ =	shalt  }
0x7e: {  	_ =	shalt  }
0x7f: {  	_ =	shalt  }
0x80: {  	_ =	shalt  }
0x81: {  	_ =	shalt  }
0x82: {  	_ =	shalt  }
0x83: {  	_ =	shalt  }
0x84: {  	_ =	shalt  }
0x85: {  	_ =	shalt  }
0x86: {  	_ =	shalt  }
0x87: {  	_ =	shalt  }
.Lfunc_end0:
.L_simem_size_0:
called_computation.1_lowered:
.L_overlay_start_0:
0x88: {  	s2 =	sld [smem:$0x3FD9]  }
0x89: {  	s3 =	sld [smem:$0x3FFE];
	_ =	sdelay $0x1  }
0x8a: {  	s1 =	srdreg.scid  }
0x8b: {  	s0 =	sand.u32 $0x1, s1  }
0x8c: {  	s16 =	sshll.u32 s0, $0xA;
	s2 =	sadd.s32 s3, s2  }
0x8d: {  	s2 =	sadd.s32 s2, s16  }
0x8e: {  	[smem:$0x3FBF] =	sst s2  }
0x8f: {  	_ = 	snop  }
0x90: {  	(tm) =	ssettm $0x1  }
0x91: {  	s17 =	sld [smem:$0x3FFB];
	_ =	sdelay $0x3  }
0x92: {  	_ =	strace s17  }
0x93: {  	s2 =	sld [smem:$0x3FFC];
	_ =	sdelay $0x3  }
0x94: {  	_ =	strace s2  }
0x95: {  	s2 =	sld [smem:$0x3FFD];
	_ =	sdelay $0x3  }
0x96: {  	_ =	strace s2  }
0x97: {  	_ =	strace $0x8FFFFFFF  }
0x98: {  	s18 =	sld [smem:$0x3FDB];
	_ =	sdelay $0x1  }
0x99: {  	s19 =	simm.s32 $_scs_section_size  }
0x9a: {  	s4 =	simm.s32 $_size__tile_overlayer_lowered;
	s5 =	simm.s32 $_tile_overlayer_lowered  }
0x9b: {  	s22 =	simm.s32 $0x1BFF;
	s21 =	sshll.u32 s5, $0x1;
	s2 =	sadd.s32 s19, s18  }
0x9c: {  	s6 =	simm.s32 $0x0;
	s20 =	sshll.u32 s4, $0x1;
	s4 =	sadd.s32 s21, s2  }
0x9d: {  	[timem:s6], [sflag:s22] =	dma.local [hbm:s4], s20  }
0x9e: {  	_ =	swait.ge [sflag:s22], s20  }
0x9f: {  	s3 =	ssub.s32 $0x0, s20;
	[sflag:s22] =	ssyncset.done $0x0  }
0xa0: {  	[sflag:s22] =	ssyncadd.s32 s3;
	_ =	sdelay $0x1  }
0xa1: {  	s23 =	simm.s32 $0x1B8B  }
0xa2: {  	_ =	swait.ge [sflag:s23], $0x1  }
0xa3: {  	[sflag:s23] =	ssyncset.done $0x0  }
0xa4: {  	s25 =	simm.s32 $0x1B8E;
	s24 =	sld [smem:$0x3FFE];
	[sflag:s23] =	ssyncadd.s32 $0xFFFFFFFF  }
0xa5: {  	s26 =	simm.s32 $execute0_lowered;
	[smem:$0x3FD2] =	sst s25  }
0xa6: {  	s4 =	sshll.u32 s26, $0x1;
	_ =	strace $0x80000049;
	[dreg:$0x1] =	wrdreg $0xFFFFFFFF  }
0xa7: {  	s28 =	simm.s32 $_size_execute0_lowered;
	s2 =	sadd.s32 s2, s4;
	[dreg:$0x0] =	wrdreg $0x0  }
0xa8: {  	s4 =	sshll.u32 s28, $0x1;
	[dreg:$0x2] =	wrdreg s2  }
0xa9: {  	[dreg:$0x3] =	wrdreg s4  }
0xaa: {  	[dreg:$0x4] =	wrdreg $0xC0  }
0xab: {  	_ =	task [dreg:s6], $0x5FFFF  }
0xac: {  	[dreg:$0x1] =	wrdreg $0xFFFFFFFF  }
0xad: {  	[dreg:$0x0] =	wrdreg $0x60  }
0xae: {  	[dreg:$0x2] =	wrdreg s24  }
0xaf: {  	[dreg:$0x3] =	wrdreg $0xA8000  }
0xb0: {  	[dreg:$0x4] =	wrdreg $0x9  }
0xb1: {  	_ =	task.clear_ibuf [dreg:s6], $0x5FFFF;
	_ =	strace $0x90000049  }
0xb2: {  	s29 =	simm.s32 $0x9;
	_ =	strace $0x8000004B  }
0xb3: {  	_ =	swait.ge [sflag:s29], $0x1  }
0xb4: {  	[sflag:s29] =	ssyncadd.s32 $0xFFFFFFFF  }
0xb5: {  	_ =	strace $0x9000004B  }
0xb6: {  	_ =	sfence  }
0xb7: {  	s30 =	sld [smem:$0x0];
	_ =	sdelay $0x2  }
0xb8: {  	s31 =	sshll.u32 s1, $0xD;
	s1 =	sshrl.u32 s1, $0x2  }
0xb9: {  	s3 =	sand.u32 $0x4000, s31;
	s1 =	sadd.s32 s1, s30  }
0xba: {  	s0 =	sor.u32 s3, s0;
	s1 =	sshll.u32 s1, $0x11  }
0xbb: {  	s0 =	sor.u32 s1, s0  }
0xbc: {  	s0 =	sadd.s32 $0x8F2B, s0  }
0xbd: {  	[sflag:s0] =	ssyncadd.remote.s32 $0x1  }
0xbe: {  	_ =	sfence.sel $0xFFFF  }
0xbf: {  	[dreg:$0x0] =	wrdreg $0xFFFFFFFF;
	(pc) =	sbr.abs _section_cstart, $3  }
0xc0: {  	[dreg:$0x1] =	wrdreg $0xFFFFFFFF  }
0xc1: {  	_ =	task.clear_ibuf [dreg:s6], $0x2FFFF;
	_ =	strace $0x9FFFFFFF  }
0xc2: {  	(tm) =	ssettm $0x7FFFFFFF  }
0xc3: {  	_ =	shalt  }
tec
execute0_lowered:
.L_overlay_start_1:
0x0: {  	(tag) =	ssettag $0x1  }
0x1: {  	s5 =	rddreg [dreg:$0x0]  }
0x2: {  	s2 =	rddreg [dreg:$0x1]  }
0x3: {  	s4 =	srdreg.scid;
	s1 =	stileid.u32;
	s3 =	simm.s32 $0x0  }
0x4: {  	s16 =	simm.s32 $0x1400;
	s17 =	simm.s32 $0x80;
	s18 =	simm.s32 $0x2800  }
0x5: {  	s19 =	simm.s32 $0x3;
	s20 =	simm.s32 $0x6800;
	s21 =	simm.s32 $0x1  }
0x6: {  	s22 =	simm.s32 $0x2;
	s23 =	simm.s32 $0x1380;
	s24 =	simm.s32 $0x2700  }
0x7: {  	s25 =	simm.s32 $0x2780;
	s6 =	sand.u32 $0x1, s4;
	s7 =	smul.u32 $0x14000, s1  }
0x8: {  	[smem:$0x7FF] =	sst s3;
	s4 =	sadd.s32 $0x18200, s5;
	s9 =	smul.u32 $0x50000, s1  }
0x9: {  	s10 =	sadd.s32 $0x4200, s5;
	s11 =	sadd.s32 $0xE200, s5;
	s8 =	smul.u32 $0x140000, s6  }
0xa: {  	_ =	strace $0x8000004A;
	s12 =	sshll.u32 s6, $0x4;
	s26 =	ssub.s32 $0x2, s6  }
0xb: {  	s6 =	sshll.u32 s1, $0x6;
	s28 =	sor.u32 s1, s12;
	s29 =	sshrl.u32 s26, $0x1  }
0xc: {  	s9 =	sshrl.u32 s9, $0x2;
	s30 =	sshrl.u32 s7, $0x3;
	s8 =	sadd.s32 s7, s8  }
0xd: {  	s12 =	smul.u32 $0x2800, s28;
	s14 =	ssub.s32 s26, s29;
	s15 =	sadd.s32 s9, s2  }
0xe: {  	s7 =	sor.u32 $0x1C03, s6;
	s26 =	simm.s32 $0x0;
	s8 =	sshrl.u32 s8, $0x3  }
0xf: {  	s13 =	sadd.s32 s8, s5;
	s5 =	sadd.s32 s4, s30;
	s31 =	sshrl.u32 s12, $0x3  }
0x10: {  	s8 =	sadd.s32 s10, s31;
	s12 =	sadd.s32 $0x280, s31;
	s9 =	sadd.s32 s11, s31  }
0x11: {  	s10 =	sadd.s32 s10, s12;
	s11 =	sadd.s32 s11, s12;
	s12 =	sadd.s32 $0x68200, s13  }
0x12: {  	s13 =	smax.u32 s14, $0x1;
	s14 =	sshrl.u32 s15, $0x3;
	s15 =	simm.s32 $0x4  }
.LBB2_1:
0x13: {  	[spmem:s14], [sflag:s7] =	dma.local [hbm:s5], $0x2800  }
0x14: {  	[tilespmem:s3], [sflag:$0x4] =	stream.linear.gather [hbm4b:s8+s3], $0x1400, $0x38;
	[tilespmem:$0x1E800] =	vst v63  }
0x15: {  	_ =	swait.ge [sflag:s15], $0x1400  }
0x16: {  	[sflag:s15] =	ssyncset.done $0x0  }
0x17: {  	[sflag:s15] =	ssyncadd.s32 $0xFFFFEC00  }
0x18: {  	[tilespmem:s16], [sflag:$0x4] =	stream.linear.gather [hbm4b:s9+s3], $0x1400, $0x38;
	[tilespmem:$0x1E800] =	vst v63  }
0x19: {  	_ =	swait.ge [sflag:s15], $0x1400  }
0x1a: {  	[sflag:s15] =	ssyncset.done $0x0  }
0x1b: {  	[sflag:s15] =	ssyncadd.s32 $0xFFFFEC00  }
0x1c: {  	[tilespmem:s18], [sflag:$0x1] =	stream.indirect.gather [hbm4b:s4+s17], $0x80, s3, s17, $0xb8;
	[tilespmem:$0x1E800] =	vst v63  }
0x1d: {  	_ =	swait.ge [sflag:s19], $0x2800  }
0x1e: {  	[sflag:s19] =	ssyncset.done $0x0  }
0x1f: {  	[sflag:s19] =	ssyncadd.s32 $0xFFFFD800  }
0x20: {  	s28 =	simm.s32 $0x80;
	[bflag:$0x0] =	sbarrier.arrive $0xFFFF  }
0x21: {  	[tilespmem:s20], [sflag:$0x2] =	stream.indirect.gather [hbm4b:s4+s17], $0x80, s28, s17, $0xb8;
	[tilespmem:$0x1E800] =	vst v63  }
0x22: {  	_ =	swait.ge [sflag:s21], $0x4000  }
0x23: {  	[sflag:s21] =	ssyncset.done $0x0  }
0x24: {  	s28 =	simm.s32 $0x1400;
	[sflag:s21] =	ssyncadd.s32 $0xFFFFC000  }
0x25: {  	[spmem:s2] =	stream.indirect.scatter.add.f32 [tilespmem:s18], [sflag:$0x4], $0x80, s28, s17, $0xb8;
	[tilespmem:$0x1E800] =	vst v63  }
0x26: {  	_ =	swait.ge [sflag:s15], $0x4000  }
0x27: {  	[sflag:s15] =	ssyncset.done $0x0  }
0x28: {  	s28 =	simm.s32 $0x100;
	[sflag:s15] =	ssyncadd.s32 $0xFFFFC000  }
0x29: {  	[tilespmem:s18], [sflag:$0x1] =	stream.indirect.gather [hbm4b:s4+s17], $0x80, s28, s17, $0xb8;
	[tilespmem:$0x1E800] =	vst v63  }
0x2a: {  	_ =	swait.ge [sflag:s22], $0x4000  }
0x2b: {  	[sflag:s22] =	ssyncset.done $0x0  }
0x2c: {  	s28 =	simm.s32 $0x1480;
	[sflag:s22] =	ssyncadd.s32 $0xFFFFC000  }
0x2d: {  	[spmem:s2] =	stream.indirect.scatter.add.f32 [tilespmem:s20], [sflag:$0x4], $0x80, s28, s17, $0xb8;
	[tilespmem:$0x1E800] =	vst v63  }
0x2e: {  	_ =	swait.ge [sflag:s15], $0x4000  }
0x2f: {  	s29 =	simm.s32 $0x800;
	s28 =	simm.s32 $0x100;
	[sflag:s15] =	ssyncset.done $0x0  }
.LBB2_2:
0x30: {  	s30 =	sadd.s32 $0x80, s28  }
0x31: {  	[sflag:s15] =	ssyncadd.s32 $0xFFFFC000;
	s31 =	smov.u32 s29;
	s0 =	sadd.s32 $0x400, s29  }
0x32: {  	[tilespmem:s20], [sflag:$0x2] =	stream.indirect.gather [hbm4b:s4+s17], $0x80, s30, s17, $0xb8;
	[tilespmem:$0x1E800] =	vst v63  }
0x33: {  	p0 =	sne.s32 s29, $0x4800;
	_ =	swait.ge [sflag:s21], $0x4000  }
0x34: {  	[sflag:s21] =	ssyncset.done $0x0  }
0x35: {  	s29 =	sadd.s32 $0x1400, s28;
	[sflag:s21] =	ssyncadd.s32 $0xFFFFC000  }
0x36: {  	[spmem:s2] =	stream.indirect.scatter.add.f32 [tilespmem:s18], [sflag:$0x4], $0x80, s29, s17, $0xb8;
	[tilespmem:$0x1E800] =	vst v63  }
0x37: {  	_ =	swait.ge [sflag:s15], $0x4000  }
0x38: {  	[sflag:s15] =	ssyncset.done $0x0  }
0x39: {  	s29 =	sadd.s32 $0x100, s28;
	[sflag:s15] =	ssyncadd.s32 $0xFFFFC000  }
0x3a: {  	[tilespmem:s18], [sflag:$0x1] =	stream.indirect.gather [hbm4b:s4+s17], $0x80, s29, s17, $0xb8;
	[tilespmem:$0x1E800] =	vst v63  }
0x3b: {  	_ =	swait.ge [sflag:s22], $0x4000  }
.Ltmp0:
0x3c: {  	[sflag:s22] =	ssyncset.done $0x0;
	(pc) =	sbr.rel @p0 .LBB2_2-.Ltmp0, $4  }
0x3d: {  	s28 =	sadd.s32 $0x1480, s28;
	[sflag:s22] =	ssyncadd.s32 $0xFFFFC000  }
0x3e: {  	[spmem:s2] =	stream.indirect.scatter.add.f32 [tilespmem:s20], [sflag:$0x4], $0x80, s28, s17, $0xb8;
	[tilespmem:$0x1E800] =	vst v63  }
0x3f: {  	_ =	swait.ge [sflag:s15], $0x4000  }
0x40: {  	s29 =	smov.u32 s0;
	s28 =	sshra.s32 s31, $0x2;
	[sflag:s15] =	ssyncset.done $0x0  }
0x41: {  	s0 =	sadd.s32 $0x80, s28;
	[sflag:s15] =	ssyncadd.s32 $0xFFFFC000  }
0x42: {  	[tilespmem:s20], [sflag:$0x2] =	stream.indirect.gather [hbm4b:s4+s17], $0x80, s0, s17, $0xb8;
	[tilespmem:$0x1E800] =	vst v63  }
0x43: {  	_ =	swait.ge [sflag:s21], $0x4000  }
0x44: {  	[sflag:s21] =	ssyncset.done $0x0  }
0x45: {  	s30 =	sadd.s32 $0x1400, s28;
	[sflag:s21] =	ssyncadd.s32 $0xFFFFC000  }
0x46: {  	[spmem:s2] =	stream.indirect.scatter.add.f32 [tilespmem:s18], [sflag:$0x4], $0x80, s30, s17, $0xb8;
	[tilespmem:$0x1E800] =	vst v63  }
0x47: {  	_ =	swait.ge [sflag:s15], $0x4000  }
0x48: {  	[sflag:s15] =	ssyncset.done $0x0  }
0x49: {  	s31 =	sadd.s32 $0x100, s28;
	[sflag:s15] =	ssyncadd.s32 $0xFFFFC000  }
0x4a: {  	[tilespmem:s18], [sflag:$0x1] =	stream.indirect.gather [hbm4b:s4+s17], $0x80, s31, s17, $0xb8;
	[tilespmem:$0x1E800] =	vst v63  }
0x4b: {  	_ =	swait.ge [sflag:s22], $0x4000  }
0x4c: {  	[sflag:s22] =	ssyncset.done $0x0  }
0x4d: {  	s30 =	sadd.s32 $0x1480, s28;
	[sflag:s22] =	ssyncadd.s32 $0xFFFFC000  }
0x4e: {  	[spmem:s2] =	stream.indirect.scatter.add.f32 [tilespmem:s20], [sflag:$0x4], $0x80, s30, s17, $0xb8;
	[tilespmem:$0x1E800] =	vst v63  }
0x4f: {  	_ =	swait.ge [sflag:s15], $0x4000  }
0x50: {  	[sflag:s15] =	ssyncset.done $0x0  }
0x51: {  	[sflag:s15] =	ssyncadd.s32 $0xFFFFC000  }
0x52: {  	[tilespmem:s20], [sflag:$0x2] =	stream.indirect.gather [hbm4b:s4+s17], $0x80, s23, s17, $0xb8;
	[tilespmem:$0x1E800] =	vst v63  }
0x53: {  	_ =	swait.ge [sflag:s21], $0x4000  }
0x54: {  	[sflag:s21] =	ssyncset.done $0x0  }
0x55: {  	[sflag:s21] =	ssyncadd.s32 $0xFFFFC000  }
0x56: {  	[spmem:s2] =	stream.indirect.scatter.add.f32 [tilespmem:s18], [sflag:$0x4], $0x80, s24, s17, $0xb8;
	[tilespmem:$0x1E800] =	vst v63  }
0x57: {  	_ =	swait.ge [sflag:s15], $0x4000  }
0x58: {  	[sflag:s15] =	ssyncset.done $0x0  }
0x59: {  	[sflag:s15] =	ssyncadd.s32 $0xFFFFC000  }
0x5a: {  	_ =	swait.ge [sflag:s22], $0x4000  }
0x5b: {  	[sflag:s22] =	ssyncset.done $0x0  }
0x5c: {  	[sflag:s22] =	ssyncadd.s32 $0xFFFFC000  }
0x5d: {  	[spmem:s2] =	stream.indirect.scatter.add.f32 [tilespmem:s20], [sflag:$0x4], $0x80, s25, s17, $0xb8;
	[tilespmem:$0x1E800] =	vst v63  }
0x5e: {  	_ =	swait.ge [sflag:s15], $0x4000  }
0x5f: {  	[sflag:s15] =	ssyncset.done $0x0  }
0x60: {  	s31 =	simm.s32 $0x0;
	[sflag:s15] =	ssyncadd.s32 $0xFFFFC000  }
0x61: {  	[tilespmem:s31], [sflag:$0x4] =	stream.linear.gather [hbm4b:s10+s31], $0x1400, $0x38;
	[tilespmem:$0x1E800] =	vst v63  }
0x62: {  	_ =	swait.ge [sflag:s15], $0x1400  }
0x63: {  	[sflag:s15] =	ssyncset.done $0x0  }
0x64: {  	[sflag:s15] =	ssyncadd.s32 $0xFFFFEC00  }
0x65: {  	[tilespmem:s16], [sflag:$0x4] =	stream.linear.gather [hbm4b:s11+s31], $0x1400, $0x38;
	[tilespmem:$0x1E800] =	vst v63  }
0x66: {  	_ =	swait.ge [sflag:s15], $0x1400  }
0x67: {  	[sflag:s15] =	ssyncset.done $0x0  }
0x68: {  	[sflag:s15] =	ssyncadd.s32 $0xFFFFEC00  }
0x69: {  	[tilespmem:s18], [sflag:$0x1] =	stream.indirect.gather [hbm4b:s4+s17], $0x80, s31, s17, $0xb8;
	[tilespmem:$0x1E800] =	vst v63  }
0x6a: {  	s30 =	simm.s32 $0x80  }
0x6b: {  	[tilespmem:s20], [sflag:$0x2] =	stream.indirect.gather [hbm4b:s4+s17], $0x80, s30, s17, $0xb8;
	[tilespmem:$0x1E800] =	vst v63  }
0x6c: {  	_ =	swait.ge [sflag:s21], $0x4000  }
0x6d: {  	[sflag:s21] =	ssyncset.done $0x0  }
0x6e: {  	s31 =	simm.s32 $0x1400;
	[sflag:s21] =	ssyncadd.s32 $0xFFFFC000  }
0x6f: {  	[spmem:s2] =	stream.indirect.scatter.add.f32 [tilespmem:s18], [sflag:$0x4], $0x80, s31, s17, $0xb8;
	[tilespmem:$0x1E800] =	vst v63  }
0x70: {  	_ =	swait.ge [sflag:s15], $0x4000  }
0x71: {  	[sflag:s15] =	ssyncset.done $0x0  }
0x72: {  	s30 =	simm.s32 $0x100;
	[sflag:s15] =	ssyncadd.s32 $0xFFFFC000  }
0x73: {  	[tilespmem:s18], [sflag:$0x1] =	stream.indirect.gather [hbm4b:s4+s17], $0x80, s30, s17, $0xb8;
	[tilespmem:$0x1E800] =	vst v63  }
0x74: {  	_ =	swait.ge [sflag:s22], $0x4000  }
0x75: {  	[sflag:s22] =	ssyncset.done $0x0  }
0x76: {  	s31 =	simm.s32 $0x1480;
	[sflag:s22] =	ssyncadd.s32 $0xFFFFC000  }
0x77: {  	[spmem:s2] =	stream.indirect.scatter.add.f32 [tilespmem:s20], [sflag:$0x4], $0x80, s31, s17, $0xb8;
	[tilespmem:$0x1E800] =	vst v63  }
0x78: {  	_ =	swait.ge [sflag:s15], $0x4000  }
0x79: {  	s29 =	simm.s32 $0x800;
	s28 =	simm.s32 $0x100;
	[sflag:s15] =	ssyncset.done $0x0  }
.LBB2_4:
0x7a: {  	s0 =	sadd.s32 $0x80, s28  }
0x7b: {  	[sflag:s15] =	ssyncadd.s32 $0xFFFFC000;
	s30 =	smov.u32 s29;
	s31 =	sadd.s32 $0x400, s29  }
0x7c: {  	[tilespmem:s20], [sflag:$0x2] =	stream.indirect.gather [hbm4b:s4+s17], $0x80, s0, s17, $0xb8;
	[tilespmem:$0x1E800] =	vst v63  }
0x7d: {  	p0 =	sne.s32 s29, $0x4800;
	_ =	swait.ge [sflag:s21], $0x4000  }
0x7e: {  	[sflag:s21] =	ssyncset.done $0x0  }
0x7f: {  	s0 =	sadd.s32 $0x1400, s28;
	[sflag:s21] =	ssyncadd.s32 $0xFFFFC000  }
0x80: {  	[spmem:s2] =	stream.indirect.scatter.add.f32 [tilespmem:s18], [sflag:$0x4], $0x80, s0, s17, $0xb8;
	[tilespmem:$0x1E800] =	vst v63  }
0x81: {  	_ =	swait.ge [sflag:s15], $0x4000  }
0x82: {  	[sflag:s15] =	ssyncset.done $0x0  }
0x83: {  	s0 =	sadd.s32 $0x100, s28;
	[sflag:s15] =	ssyncadd.s32 $0xFFFFC000  }
0x84: {  	[tilespmem:s18], [sflag:$0x1] =	stream.indirect.gather [hbm4b:s4+s17], $0x80, s0, s17, $0xb8;
	[tilespmem:$0x1E800] =	vst v63  }
0x85: {  	_ =	swait.ge [sflag:s22], $0x4000  }
.Ltmp1:
0x86: {  	[sflag:s22] =	ssyncset.done $0x0;
	(pc) =	sbr.rel @p0 .LBB2_4-.Ltmp1, $4  }
0x87: {  	s0 =	sadd.s32 $0x1480, s28;
	[sflag:s22] =	ssyncadd.s32 $0xFFFFC000  }
0x88: {  	[spmem:s2] =	stream.indirect.scatter.add.f32 [tilespmem:s20], [sflag:$0x4], $0x80, s0, s17, $0xb8;
	[tilespmem:$0x1E800] =	vst v63  }
0x89: {  	_ =	swait.ge [sflag:s15], $0x4000  }
0x8a: {  	s29 =	smov.u32 s31;
	s28 =	sshra.s32 s30, $0x2;
	[sflag:s15] =	ssyncset.done $0x0  }
0x8b: {  	s0 =	sadd.s32 $0x80, s28;
	[sflag:s15] =	ssyncadd.s32 $0xFFFFC000  }
0x8c: {  	[tilespmem:s20], [sflag:$0x2] =	stream.indirect.gather [hbm4b:s4+s17], $0x80, s0, s17, $0xb8;
	[tilespmem:$0x1E800] =	vst v63  }
0x8d: {  	_ =	swait.ge [sflag:s21], $0x4000  }
0x8e: {  	[sflag:s21] =	ssyncset.done $0x0  }
0x8f: {  	s31 =	sadd.s32 $0x1400, s28;
	[sflag:s21] =	ssyncadd.s32 $0xFFFFC000  }
0x90: {  	[spmem:s2] =	stream.indirect.scatter.add.f32 [tilespmem:s18], [sflag:$0x4], $0x80, s31, s17, $0xb8;
	[tilespmem:$0x1E800] =	vst v63  }
0x91: {  	_ =	swait.ge [sflag:s15], $0x4000  }
0x92: {  	[sflag:s15] =	ssyncset.done $0x0  }
0x93: {  	s29 =	sadd.s32 $0x100, s28;
	[sflag:s15] =	ssyncadd.s32 $0xFFFFC000  }
0x94: {  	[tilespmem:s18], [sflag:$0x1] =	stream.indirect.gather [hbm4b:s4+s17], $0x80, s29, s17, $0xb8;
	[tilespmem:$0x1E800] =	vst v63  }
0x95: {  	_ =	swait.ge [sflag:s22], $0x4000  }
0x96: {  	[sflag:s22] =	ssyncset.done $0x0  }
0x97: {  	s30 =	sadd.s32 $0x1480, s28;
	[sflag:s22] =	ssyncadd.s32 $0xFFFFC000  }
0x98: {  	[spmem:s2] =	stream.indirect.scatter.add.f32 [tilespmem:s20], [sflag:$0x4], $0x80, s30, s17, $0xb8;
	[tilespmem:$0x1E800] =	vst v63  }
0x99: {  	_ =	swait.ge [sflag:s15], $0x4000  }
0x9a: {  	[sflag:s15] =	ssyncset.done $0x0  }
0x9b: {  	[sflag:s15] =	ssyncadd.s32 $0xFFFFC000  }
0x9c: {  	[tilespmem:s20], [sflag:$0x2] =	stream.indirect.gather [hbm4b:s4+s17], $0x80, s23, s17, $0xb8;
	[tilespmem:$0x1E800] =	vst v63  }
0x9d: {  	_ =	swait.ge [sflag:s21], $0x4000  }
0x9e: {  	[sflag:s21] =	ssyncset.done $0x0  }
0x9f: {  	[sflag:s21] =	ssyncadd.s32 $0xFFFFC000  }
0xa0: {  	[spmem:s2] =	stream.indirect.scatter.add.f32 [tilespmem:s18], [sflag:$0x4], $0x80, s24, s17, $0xb8;
	[tilespmem:$0x1E800] =	vst v63  }
0xa1: {  	_ =	swait.ge [sflag:s15], $0x4000  }
0xa2: {  	[sflag:s15] =	ssyncset.done $0x0  }
0xa3: {  	[sflag:s15] =	ssyncadd.s32 $0xFFFFC000  }
0xa4: {  	_ =	swait.ge [sflag:s22], $0x4000  }
0xa5: {  	[sflag:s22] =	ssyncset.done $0x0  }
0xa6: {  	[sflag:s22] =	ssyncadd.s32 $0xFFFFC000  }
0xa7: {  	[spmem:s2] =	stream.indirect.scatter.add.f32 [tilespmem:s20], [sflag:$0x4], $0x80, s25, s17, $0xb8;
	[tilespmem:$0x1E800] =	vst v63  }
0xa8: {  	_ =	swait.ge [sflag:s15], $0x4000  }
0xa9: {  	s26 =	sadd.s32 $0x1, s26;
	[sflag:s15] =	ssyncset.done $0x0  }
0xaa: {  	p0 =	sne.s32 s26, s13;
	[sflag:s15] =	ssyncadd.s32 $0xFFFFC000  }
.Ltmp2:
0xab: {  	s31 =	sor.u32 $0x1C04, s6;
	[bflag:$0x0] =	sbarrier.arrive $0xFFFF;
	(pc) =	sbr.rel @p0 .LBB2_1-.Ltmp2, $4  }
0xac: {  	[hbm:s12], [sflag:s31] =	dma.local [spmem:s14], $0x2800  }
0xad: {  	_ =	swait.ge [sflag:s15], $0x2800  }
0xae: {  	[sflag:s15] =	ssyncset.done $0x0  }
0xaf: {  	[sflag:s15] =	ssyncadd.s32 $0xFFFFD800  }
0xb0: {  	_ =	sfence.sel $0x180000  }
0xb1: {  	[bflag:$0x0] =	sbarrier.arrive $0xFFFF  }
0xb2: {  	_ =	strace $0x9000004A  }
0xb3: {  	[bflag:$0x2] =	sbarrier.arrive $0xFFFF  }
0xb4: {  	p0 =	sne.s32 s1, $0x0;
	s0 =	rddreg [dreg:$0x2]  }
0xb5: {  	s0 =	sadd.s32 @!p0 $0x100000, s0  }
0xb6: {  	[sflag:s0] =	ssyncadd.tile.s32 @!p0 $0x1;
	_ =	shalt  }
.Lfunc_end2:
_tile_overlayer_lowered:
.L_overlay_start_2:
0xb7: {  	(tag) =	ssettag $0x2  }
0xb8: {  	s0 =	rddreg [dreg:$0x0];
	s2 =	stileid.u32  }
0xb9: {  	s1 =	rddreg [dreg:$0x1];
	p0 =	sne.s32 s2, $0x0  }
0xba: {  	s3 =	rddreg [dreg:$0x2];
	[bflag:$0x3] =	sbarrier.arrive $0xFFFF;
	s2 =	simm.s32 @!p0 $0x1C04  }
0xbb: {  	[timem:s3], [sflag:s2] =	dma.local @!p0 [hbm:s0], s1  }
0xbc: {  	s0 =	simm.s32 @!p0 $0x4  }
0xbd: {  	_ =	swait.ge @!p0 [sflag:s0], s1  }
0xbe: {  	s1 =	ssub.s32 @!p0 $0x0, s1;
	[sflag:s0] =	ssyncset.done @!p0 $0x0  }
0xbf: {  	[sflag:s0] =	ssyncadd.s32 @!p0 s1  }
0xc0: {  	[bflag:$0x3] =	sbarrier.arrive $0xFFFF  }
0xc1: {  	_ =	shalt  }

// kernel: kernel.15.cloned.1.call-start
scs
__scs_entry_jumppad:
0x0: {  	(pc) =	sbr.rel $0x88, $3  }
0x1: {  	(tag) =	ssettag $0x0;
	lr =	simm.s32 $0x1  }
0x2: {  	[smem:$0x3F98] =	sst lr;
	_ =	strace $0xD0000000  }
0x3: {  	_ = 	snop  }
0x4: {  	_ = 	snop  }
0x5: {  	_ = 	snop  }
0x6: {  	_ = 	snop  }
0x7: {  	_ = 	snop  }
__scs_overlays_trampoline_lowered:
0x8: {  	[smem:$0x3FA7] =	sst s0  }
0x9: {  	[smem:$0x3FA8] =	sst s1  }
0xa: {  	[smem:$0x3FA9] =	sst s2  }
0xb: {  	[smem:$0x3FAA] =	sst s3  }
0xc: {  	[smem:$0x3FAB] =	sst s4  }
0xd: {  	[smem:$0x3FAC] =	sst s5  }
0xe: {  	[smem:$0x3FAD] =	sst s6  }
0xf: {  	[smem:$0x3FAE] =	sst s7  }
0x10: {  	[smem:$0x3FAF] =	sst s8  }
0x11: {  	[smem:$0x3FB0] =	sst s9;
	s0 =	simm.s32 @!p0 $0x0  }
0x12: {  	s1 =	sld [smem:$0x3F96];
	s0 =	simm.s32 @p0 $0x1  }
0x13: {  	[smem:$0x3FB1] =	sst s0;
	s0 =	simm.s32 @!p1 $0x0  }
0x14: {  	s2 =	sld [smem:$0x3F95];
	s0 =	simm.s32 @p1 $0x1  }
0x15: {  	[smem:$0x3FB2] =	sst s0;
	s0 =	simm.s32 @!p2 $0x0  }
0x16: {  	s3 =	sld [smem:$0x3FDB];
	s0 =	simm.s32 @p2 $0x1  }
0x17: {  	s4 =	simm.s32 $0x1BF5;
	[smem:$0x3FB4] =	sst s0  }
0x18: {  	s0 =	sld [smem:$0x3F97];
	_ =	swait.ge [sflag:s4], $0x0  }
0x19: {  	s7 =	sld [smem:$0x3F98]  }
0x1a: {  	s8 =	sadd.s32 $0xFFFFE003, lr  }
0x1b: {  	s9 =	sadd.s32 $0xFFFFFEF7, lr;
	s5 =	simm.s32 $0xFFFFFFFF;
	p2 =	slt.u32 s8, $0xFFFFF086  }
0x1c: {  	p1 =	slt.u32 s9, $0xF7A;
	s5 =	simm.s32 @!p2 $0x0  }
0x1d: {  	s5 =	simm.s32 @p1 $0x1;
	p0 =	seq.s32 s7, s2  }
0x1e: {  	s7 =	smul.u32 @!p0 $0xF7A, s2;
	p2 =	seq.s32 @!p0 s5, $0x0  }
0x1f: {  	s9 =	smul.u32 $0xF7A, s1;
	s8 =	simm.s32 @!p0 $0x1BF5;
	p2 =	por !p2, p0  }
0x20: {  	[sflag:s8] =	ssyncset.s32 @!p0 $0xFFFFF086;
	s6 =	sadd.s32 @!p0 s3, s7;
	s7 =	simm.s32 @!p0 $0x108  }
0x21: {  	s3 =	sadd.s32 s3, s9;
	s6 =	sadd.s32 @!p0 $0x88, s6;
	s7 =	simm.s32 @p2 $0x1082  }
0x22: {  	[simem:s7], [sflag:s8] =	dma.local @!p0 [hbm:s6], $0xF7A  }
0x23: {  	s9 =	sor.u32 $0xD0000000, s2;
	s6 =	simm.s32 $0x108;
	_ =	swait.ge @!p0 [sflag:s8], $0x0  }
0x24: {  	s3 =	sadd.s32 $0x88, s3;
	s6 =	simm.s32 @!p1 $0x1082;
	[sflag:s4] =	ssyncset.s32 $0xFFFFF086  }
0x25: {  	[simem:s6], [sflag:s4] =	dma.local [hbm:s3], $0xF7A  }
0x26: {  	[smem:$0x3F98] =	sst s1;
	(tag) =	ssettag s2;
	_ =	strace s9  }
0x27: {  	s1 =	sld [smem:$0x3FA8]  }
0x28: {  	s2 =	sld [smem:$0x3FA9]  }
0x29: {  	s4 =	sld [smem:$0x3FAB]  }
0x2a: {  	p0 =	seq.s32 s5, $0x0;
	s5 =	sld [smem:$0x3FAC]  }
0x2b: {  	s6 =	sld [smem:$0x3FAD]  }
0x2c: {  	s7 =	sld [smem:$0x3FAE]  }
0x2d: {  	s3 =	simm.s32 $0x108;
	s8 =	sld [smem:$0x3FAF]  }
0x2e: {  	s3 =	simm.s32 @!p0 $0x1082;
	s9 =	sld [smem:$0x3FB0]  }
0x2f: {  	lr =	sadd.s32 s0, s3;
	s0 =	sld [smem:$0x3FA7]  }
0x30: {  	s3 =	sld [smem:$0x3FAA]  }
0x31: {  	[smem:$0x3FB3] =	sst s10  }
0x32: {  	s10 =	sld [smem:$0x3FB1];
	_ =	sdelay $0x3  }
0x33: {  	p0 =	seq.s32 s10, $0x1;
	s10 =	sld [smem:$0x3FB3];
	_ =	sdelay $0x3  }
0x34: {  	[smem:$0x3FB3] =	sst s10  }
0x35: {  	s10 =	sld [smem:$0x3FB2];
	_ =	sdelay $0x3  }
0x36: {  	p1 =	seq.s32 s10, $0x1;
	s10 =	sld [smem:$0x3FB3];
	_ =	sdelay $0x3  }
0x37: {  	[smem:$0x3FB3] =	sst s10  }
0x38: {  	s10 =	sld [smem:$0x3FB4]  }
0x39: {  	_ = 	snop;
	(pc) =	sbr.ind lr, $3  }
0x3a: {  	_ = 	snop  }
0x3b: {  	_ = 	snop  }
0x3c: {  	p2 =	seq.s32 s10, $0x1;
	s10 =	sld [smem:$0x3FB3]  }
0x3d: {  	_ =	shalt  }
0x3e: {  	_ =	shalt  }
0x3f: {  	_ =	shalt  }
0x40: {  	_ =	shalt  }
0x41: {  	_ =	shalt  }
0x42: {  	_ =	shalt  }
0x43: {  	_ =	shalt  }
0x44: {  	_ =	shalt  }
0x45: {  	_ =	shalt  }
0x46: {  	_ =	shalt  }
0x47: {  	_ =	shalt  }
0x48: {  	_ =	shalt  }
0x49: {  	_ =	shalt  }
0x4a: {  	_ =	shalt  }
0x4b: {  	_ =	shalt  }
0x4c: {  	_ =	shalt  }
0x4d: {  	_ =	shalt  }
0x4e: {  	_ =	shalt  }
0x4f: {  	_ =	shalt  }
0x50: {  	_ =	shalt  }
0x51: {  	_ =	shalt  }
0x52: {  	_ =	shalt  }
0x53: {  	_ =	shalt  }
0x54: {  	_ =	shalt  }
0x55: {  	_ =	shalt  }
0x56: {  	_ =	shalt  }
0x57: {  	_ =	shalt  }
0x58: {  	_ =	shalt  }
0x59: {  	_ =	shalt  }
0x5a: {  	_ =	shalt  }
0x5b: {  	_ =	shalt  }
0x5c: {  	_ =	shalt  }
0x5d: {  	_ =	shalt  }
0x5e: {  	_ =	shalt  }
0x5f: {  	_ =	shalt  }
0x60: {  	_ =	shalt  }
0x61: {  	_ =	shalt  }
0x62: {  	_ =	shalt  }
0x63: {  	_ =	shalt  }
0x64: {  	_ =	shalt  }
0x65: {  	_ =	shalt  }
0x66: {  	_ =	shalt  }
0x67: {  	_ =	shalt  }
0x68: {  	_ =	shalt  }
0x69: {  	_ =	shalt  }
0x6a: {  	_ =	shalt  }
0x6b: {  	_ =	shalt  }
0x6c: {  	_ =	shalt  }
0x6d: {  	_ =	shalt  }
0x6e: {  	_ =	shalt  }
0x6f: {  	_ =	shalt  }
0x70: {  	_ =	shalt  }
0x71: {  	_ =	shalt  }
0x72: {  	_ =	shalt  }
0x73: {  	_ =	shalt  }
0x74: {  	_ =	shalt  }
0x75: {  	_ =	shalt  }
0x76: {  	_ =	shalt  }
0x77: {  	_ =	shalt  }
0x78: {  	_ =	shalt  }
0x79: {  	_ =	shalt  }
0x7a: {  	_ =	shalt  }
0x7b: {  	_ =	shalt  }
0x7c: {  	_ =	shalt  }
0x7d: {  	_ =	shalt  }
0x7e: {  	_ =	shalt  }
0x7f: {  	_ =	shalt  }
0x80: {  	_ =	shalt  }
0x81: {  	_ =	shalt  }
0x82: {  	_ =	shalt  }
0x83: {  	_ =	shalt  }
0x84: {  	_ =	shalt  }
0x85: {  	_ =	shalt  }
0x86: {  	_ =	shalt  }
0x87: {  	_ =	shalt  }
.Lfunc_end0:
.L_simem_size_0:
called_computation.2_lowered:
.L_overlay_start_0:
0x88: {  	s2 =	sld [smem:$0x3FD9]  }
0x89: {  	s3 =	sld [smem:$0x3FFE];
	_ =	sdelay $0x1  }
0x8a: {  	s1 =	srdreg.scid  }
0x8b: {  	s0 =	sand.u32 $0x1, s1  }
0x8c: {  	s16 =	sshll.u32 s0, $0xA;
	s2 =	sadd.s32 s3, s2  }
0x8d: {  	s2 =	sadd.s32 s2, s16  }
0x8e: {  	[smem:$0x3FBF] =	sst s2  }
0x8f: {  	_ = 	snop  }
0x90: {  	(tm) =	ssettm $0x1  }
0x91: {  	s17 =	sld [smem:$0x3FFB];
	_ =	sdelay $0x3  }
0x92: {  	_ =	strace s17  }
0x93: {  	s2 =	sld [smem:$0x3FFC];
	_ =	sdelay $0x3  }
0x94: {  	_ =	strace s2  }
0x95: {  	s2 =	sld [smem:$0x3FFD];
	_ =	sdelay $0x3  }
0x96: {  	_ =	strace s2  }
0x97: {  	_ =	strace $0x8FFFFFFF  }
0x98: {  	s18 =	sld [smem:$0x3FDB];
	_ =	sdelay $0x1  }
0x99: {  	s19 =	simm.s32 $_scs_section_size  }
0x9a: {  	s4 =	simm.s32 $_size__tile_overlayer_lowered;
	s5 =	simm.s32 $_tile_overlayer_lowered  }
0x9b: {  	s22 =	simm.s32 $0x1BFF;
	s21 =	sshll.u32 s5, $0x1;
	s2 =	sadd.s32 s19, s18  }
0x9c: {  	s6 =	simm.s32 $0x0;
	s20 =	sshll.u32 s4, $0x1;
	s4 =	sadd.s32 s21, s2  }
0x9d: {  	[timem:s6], [sflag:s22] =	dma.local [hbm:s4], s20  }
0x9e: {  	_ =	swait.ge [sflag:s22], s20  }
0x9f: {  	s3 =	ssub.s32 $0x0, s20;
	[sflag:s22] =	ssyncset.done $0x0  }
0xa0: {  	[sflag:s22] =	ssyncadd.s32 s3;
	_ =	sdelay $0x1  }
0xa1: {  	s23 =	simm.s32 $0x1B8B  }
0xa2: {  	_ =	swait.ge [sflag:s23], $0x1  }
0xa3: {  	[sflag:s23] =	ssyncset.done $0x0  }
0xa4: {  	s25 =	simm.s32 $0x1B8E;
	s24 =	sld [smem:$0x3FFE];
	[sflag:s23] =	ssyncadd.s32 $0xFFFFFFFF  }
0xa5: {  	s26 =	simm.s32 $execute0_lowered;
	[smem:$0x3FD2] =	sst s25  }
0xa6: {  	s4 =	sshll.u32 s26, $0x1;
	_ =	strace $0x8000004C;
	[dreg:$0x1] =	wrdreg $0xFFFFFFFF  }
0xa7: {  	s28 =	simm.s32 $_size_execute0_lowered;
	s2 =	sadd.s32 s2, s4;
	[dreg:$0x0] =	wrdreg $0x0  }
0xa8: {  	s4 =	sshll.u32 s28, $0x1;
	[dreg:$0x2] =	wrdreg s2  }
0xa9: {  	[dreg:$0x3] =	wrdreg s4  }
0xaa: {  	[dreg:$0x4] =	wrdreg $0xC0  }
0xab: {  	_ =	task [dreg:s6], $0x5FFFF  }
0xac: {  	[dreg:$0x1] =	wrdreg $0xFFFFFFFF  }
0xad: {  	[dreg:$0x0] =	wrdreg $0x60  }
0xae: {  	[dreg:$0x2] =	wrdreg s24  }
0xaf: {  	[dreg:$0x3] =	wrdreg $0xA8000  }
0xb0: {  	[dreg:$0x4] =	wrdreg $0x9  }
0xb1: {  	_ =	task.clear_ibuf [dreg:s6], $0x5FFFF;
	_ =	strace $0x9000004C  }
0xb2: {  	s29 =	simm.s32 $0x9;
	_ =	strace $0x8000004E  }
0xb3: {  	_ =	swait.ge [sflag:s29], $0x1  }
0xb4: {  	[sflag:s29] =	ssyncadd.s32 $0xFFFFFFFF  }
0xb5: {  	_ =	strace $0x9000004E  }
0xb6: {  	_ =	sfence  }
0xb7: {  	s30 =	sld [smem:$0x0];
	_ =	sdelay $0x2  }
0xb8: {  	s31 =	sshll.u32 s1, $0xD;
	s1 =	sshrl.u32 s1, $0x2  }
0xb9: {  	s3 =	sand.u32 $0x4000, s31;
	s1 =	sadd.s32 s1, s30  }
0xba: {  	s0 =	sor.u32 s3, s0;
	s1 =	sshll.u32 s1, $0x11  }
0xbb: {  	s0 =	sor.u32 s1, s0  }
0xbc: {  	s0 =	sadd.s32 $0x8F2B, s0  }
0xbd: {  	[sflag:s0] =	ssyncadd.remote.s32 $0x1  }
0xbe: {  	_ =	sfence.sel $0xFFFF  }
0xbf: {  	[dreg:$0x0] =	wrdreg $0xFFFFFFFF;
	(pc) =	sbr.abs _section_cstart, $3  }
0xc0: {  	[dreg:$0x1] =	wrdreg $0xFFFFFFFF  }
0xc1: {  	_ =	task.clear_ibuf [dreg:s6], $0x2FFFF;
	_ =	strace $0x9FFFFFFF  }
0xc2: {  	(tm) =	ssettm $0x7FFFFFFF  }
0xc3: {  	_ =	shalt  }
tec
execute0_lowered:
.L_overlay_start_1:
0x0: {  	(tag) =	ssettag $0x1  }
0x1: {  	s5 =	rddreg [dreg:$0x0]  }
0x2: {  	s2 =	rddreg [dreg:$0x1]  }
0x3: {  	s4 =	srdreg.scid;
	s1 =	stileid.u32;
	s3 =	simm.s32 $0x0  }
0x4: {  	s16 =	simm.s32 $0x1400;
	s17 =	simm.s32 $0x80;
	s18 =	simm.s32 $0x2800  }
0x5: {  	s19 =	simm.s32 $0x3;
	s20 =	simm.s32 $0x6800;
	s21 =	simm.s32 $0x1  }
0x6: {  	s22 =	simm.s32 $0x2;
	s23 =	simm.s32 $0x1380;
	s24 =	simm.s32 $0x2700  }
0x7: {  	s25 =	simm.s32 $0x2780;
	s6 =	sand.u32 $0x1, s4;
	s7 =	smul.u32 $0x14000, s1  }
0x8: {  	[smem:$0x7FF] =	sst s3;
	s4 =	sadd.s32 $0x18200, s5;
	s9 =	smul.u32 $0x50000, s1  }
0x9: {  	s10 =	sadd.s32 $0x4200, s5;
	s11 =	sadd.s32 $0xE200, s5;
	s8 =	smul.u32 $0x140000, s6  }
0xa: {  	_ =	strace $0x8000004D;
	s12 =	sshll.u32 s6, $0x4;
	s26 =	ssub.s32 $0x2, s6  }
0xb: {  	s6 =	sshll.u32 s1, $0x6;
	s28 =	sor.u32 s1, s12;
	s29 =	sshrl.u32 s26, $0x1  }
0xc: {  	s9 =	sshrl.u32 s9, $0x2;
	s30 =	sshrl.u32 s7, $0x3;
	s8 =	sadd.s32 s7, s8  }
0xd: {  	s12 =	smul.u32 $0x2800, s28;
	s14 =	ssub.s32 s26, s29;
	s15 =	sadd.s32 s9, s2  }
0xe: {  	s7 =	sor.u32 $0x1C03, s6;
	s26 =	simm.s32 $0x0;
	s8 =	sshrl.u32 s8, $0x3  }
0xf: {  	s13 =	sadd.s32 s8, s5;
	s5 =	sadd.s32 s4, s30;
	s31 =	sshrl.u32 s12, $0x3  }
0x10: {  	s8 =	sadd.s32 s10, s31;
	s12 =	sadd.s32 $0x280, s31;
	s9 =	sadd.s32 s11, s31  }
0x11: {  	s10 =	sadd.s32 s10, s12;
	s11 =	sadd.s32 s11, s12;
	s12 =	sadd.s32 $0x68200, s13  }
0x12: {  	s13 =	smax.u32 s14, $0x1;
	s14 =	sshrl.u32 s15, $0x3;
	s15 =	simm.s32 $0x4  }
.LBB2_1:
0x13: {  	[spmem:s14], [sflag:s7] =	dma.local [hbm:s5], $0x2800  }
0x14: {  	[tilespmem:s3], [sflag:$0x4] =	stream.linear.gather [hbm4b:s8+s3], $0x1400, $0x38;
	[tilespmem:$0x1E800] =	vst v63  }
0x15: {  	_ =	swait.ge [sflag:s15], $0x1400  }
0x16: {  	[sflag:s15] =	ssyncset.done $0x0  }
0x17: {  	[sflag:s15] =	ssyncadd.s32 $0xFFFFEC00  }
0x18: {  	[tilespmem:s16], [sflag:$0x4] =	stream.linear.gather [hbm4b:s9+s3], $0x1400, $0x38;
	[tilespmem:$0x1E800] =	vst v63  }
0x19: {  	_ =	swait.ge [sflag:s15], $0x1400  }
0x1a: {  	[sflag:s15] =	ssyncset.done $0x0  }
0x1b: {  	[sflag:s15] =	ssyncadd.s32 $0xFFFFEC00  }
0x1c: {  	[tilespmem:s18], [sflag:$0x1] =	stream.indirect.gather [hbm4b:s4+s17], $0x80, s3, s17, $0xb8;
	[tilespmem:$0x1E800] =	vst v63  }
0x1d: {  	_ =	swait.ge [sflag:s19], $0x2800  }
0x1e: {  	[sflag:s19] =	ssyncset.done $0x0  }
0x1f: {  	[sflag:s19] =	ssyncadd.s32 $0xFFFFD800  }
0x20: {  	s28 =	simm.s32 $0x80;
	[bflag:$0x0] =	sbarrier.arrive $0xFFFF  }
0x21: {  	[tilespmem:s20], [sflag:$0x2] =	stream.indirect.gather [hbm4b:s4+s17], $0x80, s28, s17, $0xb8;
	[tilespmem:$0x1E800] =	vst v63  }
0x22: {  	_ =	swait.ge [sflag:s21], $0x4000  }
0x23: {  	[sflag:s21] =	ssyncset.done $0x0  }
0x24: {  	s28 =	simm.s32 $0x1400;
	[sflag:s21] =	ssyncadd.s32 $0xFFFFC000  }
0x25: {  	[spmem:s2] =	stream.indirect.scatter.add.f32 [tilespmem:s18], [sflag:$0x4], $0x80, s28, s17, $0xb8;
	[tilespmem:$0x1E800] =	vst v63  }
0x26: {  	_ =	swait.ge [sflag:s15], $0x4000  }
0x27: {  	[sflag:s15] =	ssyncset.done $0x0  }
0x28: {  	s28 =	simm.s32 $0x100;
	[sflag:s15] =	ssyncadd.s32 $0xFFFFC000  }
0x29: {  	[tilespmem:s18], [sflag:$0x1] =	stream.indirect.gather [hbm4b:s4+s17], $0x80, s28, s17, $0xb8;
	[tilespmem:$0x1E800] =	vst v63  }
0x2a: {  	_ =	swait.ge [sflag:s22], $0x4000  }
0x2b: {  	[sflag:s22] =	ssyncset.done $0x0  }
0x2c: {  	s28 =	simm.s32 $0x1480;
	[sflag:s22] =	ssyncadd.s32 $0xFFFFC000  }
0x2d: {  	[spmem:s2] =	stream.indirect.scatter.add.f32 [tilespmem:s20], [sflag:$0x4], $0x80, s28, s17, $0xb8;
	[tilespmem:$0x1E800] =	vst v63  }
0x2e: {  	_ =	swait.ge [sflag:s15], $0x4000  }
0x2f: {  	s29 =	simm.s32 $0x800;
	s28 =	simm.s32 $0x100;
	[sflag:s15] =	ssyncset.done $0x0  }
.LBB2_2:
0x30: {  	s30 =	sadd.s32 $0x80, s28  }
0x31: {  	[sflag:s15] =	ssyncadd.s32 $0xFFFFC000;
	s31 =	smov.u32 s29;
	s0 =	sadd.s32 $0x400, s29  }
0x32: {  	[tilespmem:s20], [sflag:$0x2] =	stream.indirect.gather [hbm4b:s4+s17], $0x80, s30, s17, $0xb8;
	[tilespmem:$0x1E800] =	vst v63  }
0x33: {  	p0 =	sne.s32 s29, $0x4800;
	_ =	swait.ge [sflag:s21], $0x4000  }
0x34: {  	[sflag:s21] =	ssyncset.done $0x0  }
0x35: {  	s29 =	sadd.s32 $0x1400, s28;
	[sflag:s21] =	ssyncadd.s32 $0xFFFFC000  }
0x36: {  	[spmem:s2] =	stream.indirect.scatter.add.f32 [tilespmem:s18], [sflag:$0x4], $0x80, s29, s17, $0xb8;
	[tilespmem:$0x1E800] =	vst v63  }
0x37: {  	_ =	swait.ge [sflag:s15], $0x4000  }
0x38: {  	[sflag:s15] =	ssyncset.done $0x0  }
0x39: {  	s29 =	sadd.s32 $0x100, s28;
	[sflag:s15] =	ssyncadd.s32 $0xFFFFC000  }
0x3a: {  	[tilespmem:s18], [sflag:$0x1] =	stream.indirect.gather [hbm4b:s4+s17], $0x80, s29, s17, $0xb8;
	[tilespmem:$0x1E800] =	vst v63  }
0x3b: {  	_ =	swait.ge [sflag:s22], $0x4000  }
.Ltmp0:
0x3c: {  	[sflag:s22] =	ssyncset.done $0x0;
	(pc) =	sbr.rel @p0 .LBB2_2-.Ltmp0, $4  }
0x3d: {  	s28 =	sadd.s32 $0x1480, s28;
	[sflag:s22] =	ssyncadd.s32 $0xFFFFC000  }
0x3e: {  	[spmem:s2] =	stream.indirect.scatter.add.f32 [tilespmem:s20], [sflag:$0x4], $0x80, s28, s17, $0xb8;
	[tilespmem:$0x1E800] =	vst v63  }
0x3f: {  	_ =	swait.ge [sflag:s15], $0x4000  }
0x40: {  	s29 =	smov.u32 s0;
	s28 =	sshra.s32 s31, $0x2;
	[sflag:s15] =	ssyncset.done $0x0  }
0x41: {  	s0 =	sadd.s32 $0x80, s28;
	[sflag:s15] =	ssyncadd.s32 $0xFFFFC000  }
0x42: {  	[tilespmem:s20], [sflag:$0x2] =	stream.indirect.gather [hbm4b:s4+s17], $0x80, s0, s17, $0xb8;
	[tilespmem:$0x1E800] =	vst v63  }
0x43: {  	_ =	swait.ge [sflag:s21], $0x4000  }
0x44: {  	[sflag:s21] =	ssyncset.done $0x0  }
0x45: {  	s30 =	sadd.s32 $0x1400, s28;
	[sflag:s21] =	ssyncadd.s32 $0xFFFFC000  }
0x46: {  	[spmem:s2] =	stream.indirect.scatter.add.f32 [tilespmem:s18], [sflag:$0x4], $0x80, s30, s17, $0xb8;
	[tilespmem:$0x1E800] =	vst v63  }
0x47: {  	_ =	swait.ge [sflag:s15], $0x4000  }
0x48: {  	[sflag:s15] =	ssyncset.done $0x0  }
0x49: {  	s31 =	sadd.s32 $0x100, s28;
	[sflag:s15] =	ssyncadd.s32 $0xFFFFC000  }
0x4a: {  	[tilespmem:s18], [sflag:$0x1] =	stream.indirect.gather [hbm4b:s4+s17], $0x80, s31, s17, $0xb8;
	[tilespmem:$0x1E800] =	vst v63  }
0x4b: {  	_ =	swait.ge [sflag:s22], $0x4000  }
0x4c: {  	[sflag:s22] =	ssyncset.done $0x0  }
0x4d: {  	s30 =	sadd.s32 $0x1480, s28;
	[sflag:s22] =	ssyncadd.s32 $0xFFFFC000  }
0x4e: {  	[spmem:s2] =	stream.indirect.scatter.add.f32 [tilespmem:s20], [sflag:$0x4], $0x80, s30, s17, $0xb8;
	[tilespmem:$0x1E800] =	vst v63  }
0x4f: {  	_ =	swait.ge [sflag:s15], $0x4000  }
0x50: {  	[sflag:s15] =	ssyncset.done $0x0  }
0x51: {  	[sflag:s15] =	ssyncadd.s32 $0xFFFFC000  }
0x52: {  	[tilespmem:s20], [sflag:$0x2] =	stream.indirect.gather [hbm4b:s4+s17], $0x80, s23, s17, $0xb8;
	[tilespmem:$0x1E800] =	vst v63  }
0x53: {  	_ =	swait.ge [sflag:s21], $0x4000  }
0x54: {  	[sflag:s21] =	ssyncset.done $0x0  }
0x55: {  	[sflag:s21] =	ssyncadd.s32 $0xFFFFC000  }
0x56: {  	[spmem:s2] =	stream.indirect.scatter.add.f32 [tilespmem:s18], [sflag:$0x4], $0x80, s24, s17, $0xb8;
	[tilespmem:$0x1E800] =	vst v63  }
0x57: {  	_ =	swait.ge [sflag:s15], $0x4000  }
0x58: {  	[sflag:s15] =	ssyncset.done $0x0  }
0x59: {  	[sflag:s15] =	ssyncadd.s32 $0xFFFFC000  }
0x5a: {  	_ =	swait.ge [sflag:s22], $0x4000  }
0x5b: {  	[sflag:s22] =	ssyncset.done $0x0  }
0x5c: {  	[sflag:s22] =	ssyncadd.s32 $0xFFFFC000  }
0x5d: {  	[spmem:s2] =	stream.indirect.scatter.add.f32 [tilespmem:s20], [sflag:$0x4], $0x80, s25, s17, $0xb8;
	[tilespmem:$0x1E800] =	vst v63  }
0x5e: {  	_ =	swait.ge [sflag:s15], $0x4000  }
0x5f: {  	[sflag:s15] =	ssyncset.done $0x0  }
0x60: {  	s31 =	simm.s32 $0x0;
	[sflag:s15] =	ssyncadd.s32 $0xFFFFC000  }
0x61: {  	[tilespmem:s31], [sflag:$0x4] =	stream.linear.gather [hbm4b:s10+s31], $0x1400, $0x38;
	[tilespmem:$0x1E800] =	vst v63  }
0x62: {  	_ =	swait.ge [sflag:s15], $0x1400  }
0x63: {  	[sflag:s15] =	ssyncset.done $0x0  }
0x64: {  	[sflag:s15] =	ssyncadd.s32 $0xFFFFEC00  }
0x65: {  	[tilespmem:s16], [sflag:$0x4] =	stream.linear.gather [hbm4b:s11+s31], $0x1400, $0x38;
	[tilespmem:$0x1E800] =	vst v63  }
0x66: {  	_ =	swait.ge [sflag:s15], $0x1400  }
0x67: {  	[sflag:s15] =	ssyncset.done $0x0  }
0x68: {  	[sflag:s15] =	ssyncadd.s32 $0xFFFFEC00  }
0x69: {  	[tilespmem:s18], [sflag:$0x1] =	stream.indirect.gather [hbm4b:s4+s17], $0x80, s31, s17, $0xb8;
	[tilespmem:$0x1E800] =	vst v63  }
0x6a: {  	s30 =	simm.s32 $0x80  }
0x6b: {  	[tilespmem:s20], [sflag:$0x2] =	stream.indirect.gather [hbm4b:s4+s17], $0x80, s30, s17, $0xb8;
	[tilespmem:$0x1E800] =	vst v63  }
0x6c: {  	_ =	swait.ge [sflag:s21], $0x4000  }
0x6d: {  	[sflag:s21] =	ssyncset.done $0x0  }
0x6e: {  	s31 =	simm.s32 $0x1400;
	[sflag:s21] =	ssyncadd.s32 $0xFFFFC000  }
0x6f: {  	[spmem:s2] =	stream.indirect.scatter.add.f32 [tilespmem:s18], [sflag:$0x4], $0x80, s31, s17, $0xb8;
	[tilespmem:$0x1E800] =	vst v63  }
0x70: {  	_ =	swait.ge [sflag:s15], $0x4000  }
0x71: {  	[sflag:s15] =	ssyncset.done $0x0  }
0x72: {  	s30 =	simm.s32 $0x100;
	[sflag:s15] =	ssyncadd.s32 $0xFFFFC000  }
0x73: {  	[tilespmem:s18], [sflag:$0x1] =	stream.indirect.gather [hbm4b:s4+s17], $0x80, s30, s17, $0xb8;
	[tilespmem:$0x1E800] =	vst v63  }
0x74: {  	_ =	swait.ge [sflag:s22], $0x4000  }
0x75: {  	[sflag:s22] =	ssyncset.done $0x0  }
0x76: {  	s31 =	simm.s32 $0x1480;
	[sflag:s22] =	ssyncadd.s32 $0xFFFFC000  }
0x77: {  	[spmem:s2] =	stream.indirect.scatter.add.f32 [tilespmem:s20], [sflag:$0x4], $0x80, s31, s17, $0xb8;
	[tilespmem:$0x1E800] =	vst v63  }
0x78: {  	_ =	swait.ge [sflag:s15], $0x4000  }
0x79: {  	s29 =	simm.s32 $0x800;
	s28 =	simm.s32 $0x100;
	[sflag:s15] =	ssyncset.done $0x0  }
.LBB2_4:
0x7a: {  	s0 =	sadd.s32 $0x80, s28  }
0x7b: {  	[sflag:s15] =	ssyncadd.s32 $0xFFFFC000;
	s30 =	smov.u32 s29;
	s31 =	sadd.s32 $0x400, s29  }
0x7c: {  	[tilespmem:s20], [sflag:$0x2] =	stream.indirect.gather [hbm4b:s4+s17], $0x80, s0, s17, $0xb8;
	[tilespmem:$0x1E800] =	vst v63  }
0x7d: {  	p0 =	sne.s32 s29, $0x4800;
	_ =	swait.ge [sflag:s21], $0x4000  }
0x7e: {  	[sflag:s21] =	ssyncset.done $0x0  }
0x7f: {  	s0 =	sadd.s32 $0x1400, s28;
	[sflag:s21] =	ssyncadd.s32 $0xFFFFC000  }
0x80: {  	[spmem:s2] =	stream.indirect.scatter.add.f32 [tilespmem:s18], [sflag:$0x4], $0x80, s0, s17, $0xb8;
	[tilespmem:$0x1E800] =	vst v63  }
0x81: {  	_ =	swait.ge [sflag:s15], $0x4000  }
0x82: {  	[sflag:s15] =	ssyncset.done $0x0  }
0x83: {  	s0 =	sadd.s32 $0x100, s28;
	[sflag:s15] =	ssyncadd.s32 $0xFFFFC000  }
0x84: {  	[tilespmem:s18], [sflag:$0x1] =	stream.indirect.gather [hbm4b:s4+s17], $0x80, s0, s17, $0xb8;
	[tilespmem:$0x1E800] =	vst v63  }
0x85: {  	_ =	swait.ge [sflag:s22], $0x4000  }
.Ltmp1:
0x86: {  	[sflag:s22] =	ssyncset.done $0x0;
	(pc) =	sbr.rel @p0 .LBB2_4-.Ltmp1, $4  }
0x87: {  	s0 =	sadd.s32 $0x1480, s28;
	[sflag:s22] =	ssyncadd.s32 $0xFFFFC000  }
0x88: {  	[spmem:s2] =	stream.indirect.scatter.add.f32 [tilespmem:s20], [sflag:$0x4], $0x80, s0, s17, $0xb8;
	[tilespmem:$0x1E800] =	vst v63  }
0x89: {  	_ =	swait.ge [sflag:s15], $0x4000  }
0x8a: {  	s29 =	smov.u32 s31;
	s28 =	sshra.s32 s30, $0x2;
	[sflag:s15] =	ssyncset.done $0x0  }
0x8b: {  	s0 =	sadd.s32 $0x80, s28;
	[sflag:s15] =	ssyncadd.s32 $0xFFFFC000  }
0x8c: {  	[tilespmem:s20], [sflag:$0x2] =	stream.indirect.gather [hbm4b:s4+s17], $0x80, s0, s17, $0xb8;
	[tilespmem:$0x1E800] =	vst v63  }
0x8d: {  	_ =	swait.ge [sflag:s21], $0x4000  }
0x8e: {  	[sflag:s21] =	ssyncset.done $0x0  }
0x8f: {  	s31 =	sadd.s32 $0x1400, s28;
	[sflag:s21] =	ssyncadd.s32 $0xFFFFC000  }
0x90: {  	[spmem:s2] =	stream.indirect.scatter.add.f32 [tilespmem:s18], [sflag:$0x4], $0x80, s31, s17, $0xb8;
	[tilespmem:$0x1E800] =	vst v63  }
0x91: {  	_ =	swait.ge [sflag:s15], $0x4000  }
0x92: {  	[sflag:s15] =	ssyncset.done $0x0  }
0x93: {  	s29 =	sadd.s32 $0x100, s28;
	[sflag:s15] =	ssyncadd.s32 $0xFFFFC000  }
0x94: {  	[tilespmem:s18], [sflag:$0x1] =	stream.indirect.gather [hbm4b:s4+s17], $0x80, s29, s17, $0xb8;
	[tilespmem:$0x1E800] =	vst v63  }
0x95: {  	_ =	swait.ge [sflag:s22], $0x4000  }
0x96: {  	[sflag:s22] =	ssyncset.done $0x0  }
0x97: {  	s30 =	sadd.s32 $0x1480, s28;
	[sflag:s22] =	ssyncadd.s32 $0xFFFFC000  }
0x98: {  	[spmem:s2] =	stream.indirect.scatter.add.f32 [tilespmem:s20], [sflag:$0x4], $0x80, s30, s17, $0xb8;
	[tilespmem:$0x1E800] =	vst v63  }
0x99: {  	_ =	swait.ge [sflag:s15], $0x4000  }
0x9a: {  	[sflag:s15] =	ssyncset.done $0x0  }
0x9b: {  	[sflag:s15] =	ssyncadd.s32 $0xFFFFC000  }
0x9c: {  	[tilespmem:s20], [sflag:$0x2] =	stream.indirect.gather [hbm4b:s4+s17], $0x80, s23, s17, $0xb8;
	[tilespmem:$0x1E800] =	vst v63  }
0x9d: {  	_ =	swait.ge [sflag:s21], $0x4000  }
0x9e: {  	[sflag:s21] =	ssyncset.done $0x0  }
0x9f: {  	[sflag:s21] =	ssyncadd.s32 $0xFFFFC000  }
0xa0: {  	[spmem:s2] =	stream.indirect.scatter.add.f32 [tilespmem:s18], [sflag:$0x4], $0x80, s24, s17, $0xb8;
	[tilespmem:$0x1E800] =	vst v63  }
0xa1: {  	_ =	swait.ge [sflag:s15], $0x4000  }
0xa2: {  	[sflag:s15] =	ssyncset.done $0x0  }
0xa3: {  	[sflag:s15] =	ssyncadd.s32 $0xFFFFC000  }
0xa4: {  	_ =	swait.ge [sflag:s22], $0x4000  }
0xa5: {  	[sflag:s22] =	ssyncset.done $0x0  }
0xa6: {  	[sflag:s22] =	ssyncadd.s32 $0xFFFFC000  }
0xa7: {  	[spmem:s2] =	stream.indirect.scatter.add.f32 [tilespmem:s20], [sflag:$0x4], $0x80, s25, s17, $0xb8;
	[tilespmem:$0x1E800] =	vst v63  }
0xa8: {  	_ =	swait.ge [sflag:s15], $0x4000  }
0xa9: {  	s26 =	sadd.s32 $0x1, s26;
	[sflag:s15] =	ssyncset.done $0x0  }
0xaa: {  	p0 =	sne.s32 s26, s13;
	[sflag:s15] =	ssyncadd.s32 $0xFFFFC000  }
.Ltmp2:
0xab: {  	s31 =	sor.u32 $0x1C04, s6;
	[bflag:$0x0] =	sbarrier.arrive $0xFFFF;
	(pc) =	sbr.rel @p0 .LBB2_1-.Ltmp2, $4  }
0xac: {  	[hbm:s12], [sflag:s31] =	dma.local [spmem:s14], $0x2800  }
0xad: {  	_ =	swait.ge [sflag:s15], $0x2800  }
0xae: {  	[sflag:s15] =	ssyncset.done $0x0  }
0xaf: {  	[sflag:s15] =	ssyncadd.s32 $0xFFFFD800  }
0xb0: {  	_ =	sfence.sel $0x180000  }
0xb1: {  	[bflag:$0x0] =	sbarrier.arrive $0xFFFF  }
0xb2: {  	_ =	strace $0x9000004D  }
0xb3: {  	[bflag:$0x2] =	sbarrier.arrive $0xFFFF  }
0xb4: {  	p0 =	sne.s32 s1, $0x0;
	s0 =	rddreg [dreg:$0x2]  }
0xb5: {  	s0 =	sadd.s32 @!p0 $0x100000, s0  }
0xb6: {  	[sflag:s0] =	ssyncadd.tile.s32 @!p0 $0x1;
	_ =	shalt  }
.Lfunc_end2:
_tile_overlayer_lowered:
.L_overlay_start_2:
0xb7: {  	(tag) =	ssettag $0x2  }
0xb8: {  	s0 =	rddreg [dreg:$0x0];
	s2 =	stileid.u32  }
0xb9: {  	s1 =	rddreg [dreg:$0x1];
	p0 =	sne.s32 s2, $0x0  }
0xba: {  	s3 =	rddreg [dreg:$0x2];
	[bflag:$0x3] =	sbarrier.arrive $0xFFFF;
	s2 =	simm.s32 @!p0 $0x1C04  }
0xbb: {  	[timem:s3], [sflag:s2] =	dma.local @!p0 [hbm:s0], s1  }
0xbc: {  	s0 =	simm.s32 @!p0 $0x4  }
0xbd: {  	_ =	swait.ge @!p0 [sflag:s0], s1  }
0xbe: {  	s1 =	ssub.s32 @!p0 $0x0, s1;
	[sflag:s0] =	ssyncset.done @!p0 $0x0  }
0xbf: {  	[sflag:s0] =	ssyncadd.s32 @!p0 s1  }
0xc0: {  	[bflag:$0x3] =	sbarrier.arrive $0xFFFF  }
0xc1: {  	_ =	shalt  }

// kernel: kernel.9.cloned.1.call-start
scs
__scs_entry_jumppad:
0x0: {  	(pc) =	sbr.rel $0x88, $3  }
0x1: {  	(tag) =	ssettag $0x0;
	lr =	simm.s32 $0x1  }
0x2: {  	[smem:$0x3F98] =	sst lr;
	_ =	strace $0xD0000000  }
0x3: {  	_ = 	snop  }
0x4: {  	_ = 	snop  }
0x5: {  	_ = 	snop  }
0x6: {  	_ = 	snop  }
0x7: {  	_ = 	snop  }
__scs_overlays_trampoline_lowered:
0x8: {  	[smem:$0x3FA7] =	sst s0  }
0x9: {  	[smem:$0x3FA8] =	sst s1  }
0xa: {  	[smem:$0x3FA9] =	sst s2  }
0xb: {  	[smem:$0x3FAA] =	sst s3  }
0xc: {  	[smem:$0x3FAB] =	sst s4  }
0xd: {  	[smem:$0x3FAC] =	sst s5  }
0xe: {  	[smem:$0x3FAD] =	sst s6  }
0xf: {  	[smem:$0x3FAE] =	sst s7  }
0x10: {  	[smem:$0x3FAF] =	sst s8  }
0x11: {  	[smem:$0x3FB0] =	sst s9;
	s0 =	simm.s32 @!p0 $0x0  }
0x12: {  	s1 =	sld [smem:$0x3F96];
	s0 =	simm.s32 @p0 $0x1  }
0x13: {  	[smem:$0x3FB1] =	sst s0;
	s0 =	simm.s32 @!p1 $0x0  }
0x14: {  	s2 =	sld [smem:$0x3F95];
	s0 =	simm.s32 @p1 $0x1  }
0x15: {  	[smem:$0x3FB2] =	sst s0;
	s0 =	simm.s32 @!p2 $0x0  }
0x16: {  	s3 =	sld [smem:$0x3FDB];
	s0 =	simm.s32 @p2 $0x1  }
0x17: {  	s4 =	simm.s32 $0x1BF5;
	[smem:$0x3FB4] =	sst s0  }
0x18: {  	s0 =	sld [smem:$0x3F97];
	_ =	swait.ge [sflag:s4], $0x0  }
0x19: {  	s7 =	sld [smem:$0x3F98]  }
0x1a: {  	s8 =	sadd.s32 $0xFFFFE003, lr  }
0x1b: {  	s9 =	sadd.s32 $0xFFFFFEF7, lr;
	s5 =	simm.s32 $0xFFFFFFFF;
	p2 =	slt.u32 s8, $0xFFFFF086  }
0x1c: {  	p1 =	slt.u32 s9, $0xF7A;
	s5 =	simm.s32 @!p2 $0x0  }
0x1d: {  	s5 =	simm.s32 @p1 $0x1;
	p0 =	seq.s32 s7, s2  }
0x1e: {  	s7 =	smul.u32 @!p0 $0xF7A, s2;
	p2 =	seq.s32 @!p0 s5, $0x0  }
0x1f: {  	s9 =	smul.u32 $0xF7A, s1;
	s8 =	simm.s32 @!p0 $0x1BF5;
	p2 =	por !p2, p0  }
0x20: {  	[sflag:s8] =	ssyncset.s32 @!p0 $0xFFFFF086;
	s6 =	sadd.s32 @!p0 s3, s7;
	s7 =	simm.s32 @!p0 $0x108  }
0x21: {  	s3 =	sadd.s32 s3, s9;
	s6 =	sadd.s32 @!p0 $0x88, s6;
	s7 =	simm.s32 @p2 $0x1082  }
0x22: {  	[simem:s7], [sflag:s8] =	dma.local @!p0 [hbm:s6], $0xF7A  }
0x23: {  	s9 =	sor.u32 $0xD0000000, s2;
	s6 =	simm.s32 $0x108;
	_ =	swait.ge @!p0 [sflag:s8], $0x0  }
0x24: {  	s3 =	sadd.s32 $0x88, s3;
	s6 =	simm.s32 @!p1 $0x1082;
	[sflag:s4] =	ssyncset.s32 $0xFFFFF086  }
0x25: {  	[simem:s6], [sflag:s4] =	dma.local [hbm:s3], $0xF7A  }
0x26: {  	[smem:$0x3F98] =	sst s1;
	(tag) =	ssettag s2;
	_ =	strace s9  }
0x27: {  	s1 =	sld [smem:$0x3FA8]  }
0x28: {  	s2 =	sld [smem:$0x3FA9]  }
0x29: {  	s4 =	sld [smem:$0x3FAB]  }
0x2a: {  	p0 =	seq.s32 s5, $0x0;
	s5 =	sld [smem:$0x3FAC]  }
0x2b: {  	s6 =	sld [smem:$0x3FAD]  }
0x2c: {  	s7 =	sld [smem:$0x3FAE]  }
0x2d: {  	s3 =	simm.s32 $0x108;
	s8 =	sld [smem:$0x3FAF]  }
0x2e: {  	s3 =	simm.s32 @!p0 $0x1082;
	s9 =	sld [smem:$0x3FB0]  }
0x2f: {  	lr =	sadd.s32 s0, s3;
	s0 =	sld [smem:$0x3FA7]  }
0x30: {  	s3 =	sld [smem:$0x3FAA]  }
0x31: {  	[smem:$0x3FB3] =	sst s10  }
0x32: {  	s10 =	sld [smem:$0x3FB1];
	_ =	sdelay $0x3  }
0x33: {  	p0 =	seq.s32 s10, $0x1;
	s10 =	sld [smem:$0x3FB3];
	_ =	sdelay $0x3  }
0x34: {  	[smem:$0x3FB3] =	sst s10  }
0x35: {  	s10 =	sld [smem:$0x3FB2];
	_ =	sdelay $0x3  }
0x36: {  	p1 =	seq.s32 s10, $0x1;
	s10 =	sld [smem:$0x3FB3];
	_ =	sdelay $0x3  }
0x37: {  	[smem:$0x3FB3] =	sst s10  }
0x38: {  	s10 =	sld [smem:$0x3FB4]  }
0x39: {  	_ = 	snop;
	(pc) =	sbr.ind lr, $3  }
0x3a: {  	_ = 	snop  }
0x3b: {  	_ = 	snop  }
0x3c: {  	p2 =	seq.s32 s10, $0x1;
	s10 =	sld [smem:$0x3FB3]  }
0x3d: {  	_ =	shalt  }
0x3e: {  	_ =	shalt  }
0x3f: {  	_ =	shalt  }
0x40: {  	_ =	shalt  }
0x41: {  	_ =	shalt  }
0x42: {  	_ =	shalt  }
0x43: {  	_ =	shalt  }
0x44: {  	_ =	shalt  }
0x45: {  	_ =	shalt  }
0x46: {  	_ =	shalt  }
0x47: {  	_ =	shalt  }
0x48: {  	_ =	shalt  }
0x49: {  	_ =	shalt  }
0x4a: {  	_ =	shalt  }
0x4b: {  	_ =	shalt  }
0x4c: {  	_ =	shalt  }
0x4d: {  	_ =	shalt  }
0x4e: {  	_ =	shalt  }
0x4f: {  	_ =	shalt  }
0x50: {  	_ =	shalt  }
0x51: {  	_ =	shalt  }
0x52: {  	_ =	shalt  }
0x53: {  	_ =	shalt  }
0x54: {  	_ =	shalt  }
0x55: {  	_ =	shalt  }
0x56: {  	_ =	shalt  }
0x57: {  	_ =	shalt  }
0x58: {  	_ =	shalt  }
0x59: {  	_ =	shalt  }
0x5a: {  	_ =	shalt  }
0x5b: {  	_ =	shalt  }
0x5c: {  	_ =	shalt  }
0x5d: {  	_ =	shalt  }
0x5e: {  	_ =	shalt  }
0x5f: {  	_ =	shalt  }
0x60: {  	_ =	shalt  }
0x61: {  	_ =	shalt  }
0x62: {  	_ =	shalt  }
0x63: {  	_ =	shalt  }
0x64: {  	_ =	shalt  }
0x65: {  	_ =	shalt  }
0x66: {  	_ =	shalt  }
0x67: {  	_ =	shalt  }
0x68: {  	_ =	shalt  }
0x69: {  	_ =	shalt  }
0x6a: {  	_ =	shalt  }
0x6b: {  	_ =	shalt  }
0x6c: {  	_ =	shalt  }
0x6d: {  	_ =	shalt  }
0x6e: {  	_ =	shalt  }
0x6f: {  	_ =	shalt  }
0x70: {  	_ =	shalt  }
0x71: {  	_ =	shalt  }
0x72: {  	_ =	shalt  }
0x73: {  	_ =	shalt  }
0x74: {  	_ =	shalt  }
0x75: {  	_ =	shalt  }
0x76: {  	_ =	shalt  }
0x77: {  	_ =	shalt  }
0x78: {  	_ =	shalt  }
0x79: {  	_ =	shalt  }
0x7a: {  	_ =	shalt  }
0x7b: {  	_ =	shalt  }
0x7c: {  	_ =	shalt  }
0x7d: {  	_ =	shalt  }
0x7e: {  	_ =	shalt  }
0x7f: {  	_ =	shalt  }
0x80: {  	_ =	shalt  }
0x81: {  	_ =	shalt  }
0x82: {  	_ =	shalt  }
0x83: {  	_ =	shalt  }
0x84: {  	_ =	shalt  }
0x85: {  	_ =	shalt  }
0x86: {  	_ =	shalt  }
0x87: {  	_ =	shalt  }
.Lfunc_end0:
.L_simem_size_0:
called_computation_lowered:
.L_overlay_start_0:
0x88: {  	s2 =	sld [smem:$0x3FD9]  }
0x89: {  	s3 =	sld [smem:$0x3FFE];
	_ =	sdelay $0x1  }
0x8a: {  	s1 =	srdreg.scid  }
0x8b: {  	s0 =	sand.u32 $0x1, s1  }
0x8c: {  	s16 =	sshll.u32 s0, $0xA;
	s2 =	sadd.s32 s3, s2  }
0x8d: {  	s2 =	sadd.s32 s2, s16  }
0x8e: {  	[smem:$0x3FBF] =	sst s2  }
0x8f: {  	_ = 	snop  }
0x90: {  	(tm) =	ssettm $0x1  }
0x91: {  	s17 =	sld [smem:$0x3FFB];
	_ =	sdelay $0x3  }
0x92: {  	_ =	strace s17  }
0x93: {  	s2 =	sld [smem:$0x3FFC];
	_ =	sdelay $0x3  }
0x94: {  	_ =	strace s2  }
0x95: {  	s2 =	sld [smem:$0x3FFD];
	_ =	sdelay $0x3  }
0x96: {  	_ =	strace s2  }
0x97: {  	_ =	strace $0x8FFFFFFF  }
0x98: {  	s18 =	sld [smem:$0x3FDB];
	_ =	sdelay $0x1  }
0x99: {  	s19 =	simm.s32 $_scs_section_size  }
0x9a: {  	s4 =	simm.s32 $_size__tile_overlayer_lowered;
	s5 =	simm.s32 $_tile_overlayer_lowered  }
0x9b: {  	s22 =	simm.s32 $0x1BFF;
	s21 =	sshll.u32 s5, $0x1;
	s2 =	sadd.s32 s19, s18  }
0x9c: {  	s6 =	simm.s32 $0x0;
	s20 =	sshll.u32 s4, $0x1;
	s4 =	sadd.s32 s21, s2  }
0x9d: {  	[timem:s6], [sflag:s22] =	dma.local [hbm:s4], s20  }
0x9e: {  	_ =	swait.ge [sflag:s22], s20  }
0x9f: {  	s3 =	ssub.s32 $0x0, s20;
	[sflag:s22] =	ssyncset.done $0x0  }
0xa0: {  	[sflag:s22] =	ssyncadd.s32 s3;
	_ =	sdelay $0x1  }
0xa1: {  	s23 =	simm.s32 $0x1B8B  }
0xa2: {  	_ =	swait.ge [sflag:s23], $0x1  }
0xa3: {  	[sflag:s23] =	ssyncset.done $0x0  }
0xa4: {  	s25 =	simm.s32 $0x1B8E;
	s24 =	sld [smem:$0x3FFE];
	[sflag:s23] =	ssyncadd.s32 $0xFFFFFFFF  }
0xa5: {  	s26 =	simm.s32 $execute0_lowered;
	[smem:$0x3FD2] =	sst s25  }
0xa6: {  	s4 =	sshll.u32 s26, $0x1;
	_ =	strace $0x80000046;
	[dreg:$0x1] =	wrdreg $0xFFFFFFFF  }
0xa7: {  	s28 =	simm.s32 $_size_execute0_lowered;
	s2 =	sadd.s32 s2, s4;
	[dreg:$0x0] =	wrdreg $0x0  }
0xa8: {  	s4 =	sshll.u32 s28, $0x1;
	[dreg:$0x2] =	wrdreg s2  }
0xa9: {  	[dreg:$0x3] =	wrdreg s4  }
0xaa: {  	[dreg:$0x4] =	wrdreg $0xC0  }
0xab: {  	_ =	task [dreg:s6], $0x5FFFF  }
0xac: {  	[dreg:$0x1] =	wrdreg $0xFFFFFFFF  }
0xad: {  	[dreg:$0x0] =	wrdreg $0x60  }
0xae: {  	[dreg:$0x2] =	wrdreg s24  }
0xaf: {  	[dreg:$0x3] =	wrdreg $0x29000  }
0xb0: {  	[dreg:$0x4] =	wrdreg $0x9  }
0xb1: {  	_ =	task.clear_ibuf [dreg:s6], $0x5FFFF;
	_ =	strace $0x90000046  }
0xb2: {  	s29 =	simm.s32 $0x9;
	_ =	strace $0x80000048  }
0xb3: {  	_ =	swait.ge [sflag:s29], $0x1  }
0xb4: {  	[sflag:s29] =	ssyncadd.s32 $0xFFFFFFFF  }
0xb5: {  	_ =	strace $0x90000048  }
0xb6: {  	_ =	sfence  }
0xb7: {  	s30 =	sld [smem:$0x0];
	_ =	sdelay $0x2  }
0xb8: {  	s31 =	sshll.u32 s1, $0xD;
	s1 =	sshrl.u32 s1, $0x2  }
0xb9: {  	s3 =	sand.u32 $0x4000, s31;
	s1 =	sadd.s32 s1, s30  }
0xba: {  	s0 =	sor.u32 s3, s0;
	s1 =	sshll.u32 s1, $0x11  }
0xbb: {  	s0 =	sor.u32 s1, s0  }
0xbc: {  	s0 =	sadd.s32 $0x8F2B, s0  }
0xbd: {  	[sflag:s0] =	ssyncadd.remote.s32 $0x1  }
0xbe: {  	_ =	sfence.sel $0xFFFF  }
0xbf: {  	[dreg:$0x0] =	wrdreg $0xFFFFFFFF;
	(pc) =	sbr.abs _section_cstart, $3  }
0xc0: {  	[dreg:$0x1] =	wrdreg $0xFFFFFFFF  }
0xc1: {  	_ =	task.clear_ibuf [dreg:s6], $0x2FFFF;
	_ =	strace $0x9FFFFFFF  }
0xc2: {  	(tm) =	ssettm $0x7FFFFFFF  }
0xc3: {  	_ =	shalt  }
tec
execute0_lowered:
.L_overlay_start_1:
0x0: {  	(tag) =	ssettag $0x1  }
0x1: {  	s0 =	srdreg.scid;
	s5 =	rddreg [dreg:$0x0]  }
0x2: {  	s2 =	rddreg [dreg:$0x1];
	s3 =	simm.s32 $0x0;
	s13 =	simm.s32 $0x4  }
0x3: {  	s14 =	simm.s32 $0x1;
	s15 =	simm.s32 $0x80;
	s16 =	simm.s32 $0x2800  }
0x4: {  	s17 =	simm.s32 $0x2;
	s18 =	simm.s32 $0x3;
	s21 =	simm.s32 $0x20  }
0x5: {  	s22 =	simm.s32 $0x10;
	s4 =	sand.u32 $0x1, s0;
	s0 =	stileid.u32  }
0x6: {  	s23 =	simm.s32 $0x0;
	[smem:$0x7FF] =	sst s3;
	s7 =	smul.u32 $0x500, s0  }
0x7: {  	s1 =	sshll.u32 s4, $0x4;
	s8 =	sshll.u32 s4, $0x7;
	s9 =	smul.u32 $0xA00, s0  }
0x8: {  	s29 =	ssub.s32 $0x2, s4;
	s19 =	sshll.u32 s0, $0x6;
	s1 =	sor.u32 s0, s1  }
0x9: {  	s31 =	sshrl.u32 s29, $0x1;
	s19 =	sor.u32 $0x1C04, s19;
	s6 =	smul.u32 $0x500, s1  }
0xa: {  	s1 =	rddreg [dreg:$0x2];
	_ =	strace $0x80000047;
	s30 =	sshrl.u32 s9, $0x2  }
0xb: {  	s28 =	sor.u32 s8, s7;
	s12 =	ssub.s32 s29, s31;
	s4 =	sadd.s32 s30, s2  }
0xc: {  	s10 =	sadd.s32 s6, s5;
	s6 =	sshrl.u32 s28, $0x3;
	s7 =	sadd.s32 $0x180, s4  }
0xd: {  	s8 =	sadd.s32 $0x200, s4;
	s20 =	sshrl.u32 s4, $0x3;
	s11 =	sadd.s32 s6, s5  }
0xe: {  	s5 =	sadd.s32 $0x80, s4;
	s6 =	sadd.s32 $0x100, s4;
	s9 =	sadd.s32 $0xE200, s10  }
0xf: {  	v0 =	vimm.f32 $1.000000000e+00;
	v1 =	vimm.f32 $0.0e+00;
	s10 =	sadd.s32 $0x18200, s11;
	s11 =	smax.u32 s12, $0x1;
	s12 =	simm.s32 $0x2880  }
.LBB2_1:
0x10: {  	[tilespmem:$0x2800] =	vst v0  }
0x11: {  	[tilespmem:$0x2880] =	vst v1  }
0x12: {  	[tilespmem:$0x2810] =	vst v0  }
0x13: {  	[tilespmem:$0x2890] =	vst v1  }
0x14: {  	[tilespmem:$0x2820] =	vst v0  }
0x15: {  	[tilespmem:$0x28A0] =	vst v1  }
0x16: {  	[tilespmem:$0x2830] =	vst v0  }
0x17: {  	[tilespmem:$0x28B0] =	vst v1  }
0x18: {  	[tilespmem:$0x2840] =	vst v0  }
0x19: {  	[tilespmem:$0x28C0] =	vst v1  }
0x1a: {  	[tilespmem:$0x2850] =	vst v0  }
0x1b: {  	[tilespmem:$0x28D0] =	vst v1  }
0x1c: {  	[tilespmem:$0x2860] =	vst v0  }
0x1d: {  	[tilespmem:$0x28E0] =	vst v1  }
0x1e: {  	[tilespmem:$0x2870] =	vst v0  }
0x1f: {  	[tilespmem:$0x28F0] =	vst v1  }
0x20: {  	[spmem:s4] =	stream.linear.scatter [tilespmem:s12], [sflag:$0x1], $0x80, $0x38;
	[tilespmem:$0x2B80] =	vst v63  }
0x21: {  	_ = 	snop  }
0x22: {  	[spmem:s5] =	stream.linear.scatter [tilespmem:s12], [sflag:$0x1], $0x80, $0x38;
	[tilespmem:$0x2B80] =	vst v63  }
0x23: {  	_ = 	snop  }
0x24: {  	[spmem:s6] =	stream.linear.scatter [tilespmem:s12], [sflag:$0x1], $0x80, $0x38;
	[tilespmem:$0x2B80] =	vst v63  }
0x25: {  	_ = 	snop  }
0x26: {  	[spmem:s7] =	stream.linear.scatter [tilespmem:s12], [sflag:$0x1], $0x80, $0x38;
	[tilespmem:$0x2B80] =	vst v63  }
0x27: {  	_ = 	snop  }
0x28: {  	[spmem:s8] =	stream.linear.scatter [tilespmem:s12], [sflag:$0x1], $0x80, $0x38;
	[tilespmem:$0x2B80] =	vst v63  }
0x29: {  	_ = 	snop  }
0x2a: {  	[tilespmem:s3], [sflag:$0x4] =	stream.linear.gather [hbm4b:s9+s3], $0x2800, $0x38;
	[tilespmem:$0x2B80] =	vst v63  }
0x2b: {  	_ =	swait.ge [sflag:s13], $0x2800  }
0x2c: {  	[sflag:s13] =	ssyncset.done $0x0  }
0x2d: {  	[sflag:s13] =	ssyncadd.s32 $0xFFFFD800  }
0x2e: {  	_ =	swait.ge [sflag:s14], $0x80  }
0x2f: {  	[sflag:s14] =	ssyncset.done $0x0  }
0x30: {  	[sflag:s14] =	ssyncadd.s32 $0xFFFFFF80  }
0x31: {  	_ =	swait.ge [sflag:s14], $0x80  }
0x32: {  	[sflag:s14] =	ssyncset.done $0x0  }
0x33: {  	[sflag:s14] =	ssyncadd.s32 $0xFFFFFF80  }
0x34: {  	_ =	swait.ge [sflag:s14], $0x80  }
0x35: {  	[sflag:s14] =	ssyncset.done $0x0  }
0x36: {  	[sflag:s14] =	ssyncadd.s32 $0xFFFFFF80  }
0x37: {  	_ =	swait.ge [sflag:s14], $0x80  }
0x38: {  	[sflag:s14] =	ssyncset.done $0x0  }
0x39: {  	[sflag:s14] =	ssyncadd.s32 $0xFFFFFF80  }
0x3a: {  	_ =	swait.ge [sflag:s14], $0x80  }
0x3b: {  	[sflag:s14] =	ssyncset.done $0x0  }
0x3c: {  	[sflag:s14] =	ssyncadd.s32 $0xFFFFFF80  }
0x3d: {  	[bflag:$0x0] =	sbarrier.arrive $0xFFFF  }
0x3e: {  	[spmem:s2] =	stream.indirect.scatter.add.f32 [tilespmem:s16], [sflag:$0x2], $0x1, s3, s15, $0xb8;
	[tilespmem:$0x2B80] =	vst v63  }
0x3f: {  	_ = 	snop  }
0x40: {  	[spmem:s2] =	stream.indirect.scatter.add.f32 [tilespmem:s16], [sflag:$0x3], $0x1, s15, s15, $0xb8;
	[tilespmem:$0x2B80] =	vst v63  }
0x41: {  	_ =	swait.ge [sflag:s17], $0x80  }
0x42: {  	[sflag:s17] =	ssyncset.done $0x0  }
0x43: {  	s24 =	simm.s32 $0x100;
	[sflag:s17] =	ssyncadd.s32 $0xFFFFFF80  }
0x44: {  	[spmem:s2] =	stream.indirect.scatter.add.f32 [tilespmem:s16], [sflag:$0x2], $0x1, s24, s15, $0xb8;
	[tilespmem:$0x2B80] =	vst v63  }
0x45: {  	_ =	swait.ge [sflag:s18], $0x80  }
0x46: {  	[sflag:s18] =	ssyncset.done $0x0  }
0x47: {  	s25 =	simm.s32 $0x180;
	s24 =	simm.s32 $0xFFFF6800;
	[sflag:s18] =	ssyncadd.s32 $0xFFFFFF80  }
.LBB2_2:
0x48: {  	[spmem:s2] =	stream.indirect.scatter.add.f32 [tilespmem:s16], [sflag:$0x3], $0x1, s25, s15, $0xb8;
	[tilespmem:$0x2B80] =	vst v63  }
0x49: {  	s25 =	smov.u32 s24  }
0x4a: {  	p0 =	sne.s32 s24, $0xFFFFFC00;
	s24 =	sadd.s32 $0x400, s24;
	_ =	swait.ge [sflag:s17], $0x80  }
0x4b: {  	s25 =	sshra.s32 s25, $0x2;
	[sflag:s17] =	ssyncset.done $0x0  }
.Ltmp0:
0x4c: {  	s26 =	sadd.s32 $0x2800, s25;
	[sflag:s17] =	ssyncadd.s32 $0xFFFFFF80;
	(pc) =	sbr.rel @p0 .LBB2_2-.Ltmp0, $4  }
0x4d: {  	[spmem:s2] =	stream.indirect.scatter.add.f32 [tilespmem:s16], [sflag:$0x2], $0x1, s26, s15, $0xb8;
	[tilespmem:$0x2B80] =	vst v63  }
0x4e: {  	_ =	swait.ge [sflag:s18], $0x80  }
0x4f: {  	[sflag:s18] =	ssyncset.done $0x0  }
0x50: {  	s25 =	sadd.s32 $0x2880, s25;
	[sflag:s18] =	ssyncadd.s32 $0xFFFFFF80  }
0x51: {  	[spmem:s2] =	stream.indirect.scatter.add.f32 [tilespmem:s16], [sflag:$0x3], $0x1, s25, s15, $0xb8;
	[tilespmem:$0x2B80] =	vst v63  }
0x52: {  	_ =	swait.ge [sflag:s17], $0x80  }
0x53: {  	[sflag:s17] =	ssyncset.done $0x0  }
0x54: {  	[sflag:s17] =	ssyncadd.s32 $0xFFFFFF80  }
0x55: {  	_ =	swait.ge [sflag:s18], $0x80  }
0x56: {  	s23 =	sadd.s32 $0x1, s23;
	[sflag:s18] =	ssyncset.done $0x0  }
0x57: {  	p0 =	sne.s32 s23, s11;
	[sflag:s18] =	ssyncadd.s32 $0xFFFFFF80  }
.Ltmp1:
0x58: {  	[bflag:$0x0] =	sbarrier.arrive $0xFFFF;
	(pc) =	sbr.rel @p0 .LBB2_1-.Ltmp1, $4  }
0x59: {  	[hbm:s10@s21], [sflag:s19] =	dma.strided [spmem:s20@s22], $0x50, s14, $0x10   }
0x5a: {  	_ =	swait.ge [sflag:s13], $0x50  }
0x5b: {  	[sflag:s13] =	ssyncset.done $0x0  }
0x5c: {  	[sflag:s13] =	ssyncadd.s32 $0xFFFFFFB0  }
0x5d: {  	_ =	sfence.sel $0x180000  }
0x5e: {  	[bflag:$0x0] =	sbarrier.arrive $0xFFFF  }
0x5f: {  	p0 =	sne.s32 s0, $0x0;
	_ =	strace $0x90000047  }
0x60: {  	s0 =	sadd.s32 @!p0 $0x100000, s1;
	[bflag:$0x2] =	sbarrier.arrive $0xFFFF  }
0x61: {  	[sflag:s0] =	ssyncadd.tile.s32 @!p0 $0x1;
	_ =	shalt  }
.Lfunc_end2:
_tile_overlayer_lowered:
.L_overlay_start_2:
0x62: {  	(tag) =	ssettag $0x2  }
0x63: {  	s0 =	rddreg [dreg:$0x0];
	s2 =	stileid.u32  }
0x64: {  	s1 =	rddreg [dreg:$0x1];
	p0 =	sne.s32 s2, $0x0  }
0x65: {  	s3 =	rddreg [dreg:$0x2];
	[bflag:$0x3] =	sbarrier.arrive $0xFFFF;
	s2 =	simm.s32 @!p0 $0x1C04  }
0x66: {  	[timem:s3], [sflag:s2] =	dma.local @!p0 [hbm:s0], s1  }
0x67: {  	s0 =	simm.s32 @!p0 $0x4  }
0x68: {  	_ =	swait.ge @!p0 [sflag:s0], s1  }
0x69: {  	s1 =	ssub.s32 @!p0 $0x0, s1;
	[sflag:s0] =	ssyncset.done @!p0 $0x0  }
0x6a: {  	[sflag:s0] =	ssyncadd.s32 @!p0 s1  }
0x6b: {  	[bflag:$0x3] =	sbarrier.arrive $0xFFFF  }
0x6c: {  	_ =	shalt  }

</sc_bundles>
